<compile_context>
chip_gen: v7x
topology: tpu7x:2x2x1
jax: 0.10.2.dev20260603
libtpu: 0.0.44.dev20260713+nightly
codegen_flags: <defaults>
</compile_context>

<pallas_src>
import jax
import jax.numpy as jnp
from jax import lax
from jax.experimental import pallas as pl
from jax.experimental.pallas import tpu as pltpu
from jax.experimental.pallas import tpu_sc as plsc

N = 100000
NPAD = 100352
SLICE = NPAD // 16
E = 6400000
C = 2048
NCH = 98
NPAIR = NCH // 2
EPW = NCH * C
EPAD = 32 * EPW
NPADROWS = 352

_mesh = plsc.VectorSubcoreMesh(core_axis_name="c", subcore_axis_name="s")



def _wait_idx(dummy_hbm, buf, sem):
    pltpu.make_async_copy(dummy_hbm, buf, sem).wait()


def _deg_body(dst_hbm, ones_hbm, zeros_hbm, out_hbm, db0, db1, ones_v,
              acc_sh, isem, ssem):
    c = lax.axis_index("c")
    s = lax.axis_index("s")
    w = c * 16 + s
    base = w * EPW
    pltpu.sync_copy(ones_hbm, ones_v)
    pltpu.sync_copy(zeros_hbm.at[pl.ds(s * SLICE, SLICE)],
                    acc_sh.at[pl.ds(s * SLICE, SLICE)])
    plsc.subcore_barrier()
    pltpu.async_copy(dst_hbm.at[pl.ds(base, C)], db0, isem)

    def pair(i, carry):
        g0 = base + (2 * i) * C
        _wait_idx(dst_hbm.at[pl.ds(0, C)], db0, isem)
        pltpu.async_copy(dst_hbm.at[pl.ds(g0 + C, C)], db1, isem)
        s0 = pltpu.async_copy(ones_v, acc_sh.at[db0], ssem, add=True)
        _wait_idx(dst_hbm.at[pl.ds(0, C)], db1, isem)
        s0.wait()
        pltpu.async_copy(dst_hbm.at[pl.ds(g0 + 2 * C, C)], db0, isem)
        pltpu.async_copy(ones_v, acc_sh.at[db1], ssem, add=True).wait()
        return carry

    lax.fori_loop(0, NPAIR, pair, 0)
    _wait_idx(dst_hbm.at[pl.ds(0, C)], db0, isem)
    plsc.subcore_barrier()
    pltpu.sync_copy(acc_sh.at[pl.ds(s * SLICE, SLICE)],
                    out_hbm.at[c, pl.ds(s * SLICE, SLICE)])


_deg_call = pl.kernel(
    _deg_body,
    out_type=jax.ShapeDtypeStruct((2, NPAD), jnp.float32),
    mesh=_mesh,
    scratch_types=[
        pltpu.VMEM((C,), jnp.int32),
        pltpu.VMEM((C,), jnp.int32),
        pltpu.VMEM((C,), jnp.float32),
        pltpu.VMEM_SHARED((NPAD,), jnp.float32),
        pltpu.SemaphoreType.DMA,
        pltpu.SemaphoreType.DMA,
    ],
)


def _make_prop(width):
    def body(*refs):
        utabs = refs[:width]
        zeros_hbm, src_hbm, dst_hbm = refs[width:width + 3]
        outs = refs[width + 3:2 * width + 3]
        b = 2 * width + 3
        sb0, db0, sb1, db1 = refs[b:b + 4]
        vals0 = refs[b + 4:b + 4 + width]
        vals1 = refs[b + 4 + width:b + 4 + 2 * width]
        tabs = refs[b + 4 + 2 * width:b + 4 + 3 * width]
        accs = refs[b + 4 + 3 * width:b + 4 + 4 * width]
        isem, gsem, ssem = refs[b + 4 + 4 * width:b + 7 + 4 * width]
        c = lax.axis_index("c")
        s = lax.axis_index("s")
        w = c * 16 + s
        base = w * EPW
        for k in range(width):
            pltpu.sync_copy(utabs[k].at[pl.ds(s * SLICE, SLICE)],
                            tabs[k].at[pl.ds(s * SLICE, SLICE)])
            pltpu.sync_copy(zeros_hbm.at[pl.ds(s * SLICE, SLICE)],
                            accs[k].at[pl.ds(s * SLICE, SLICE)])
        plsc.subcore_barrier()
        pltpu.sync_copy(src_hbm.at[pl.ds(base, C)], sb0)
        pltpu.sync_copy(dst_hbm.at[pl.ds(base, C)], db0)
        for k in range(width):
            pltpu.async_copy(tabs[k].at[sb0], vals0[k], gsem)
        pltpu.async_copy(src_hbm.at[pl.ds(base + C, C)], sb1, isem)
        pltpu.async_copy(dst_hbm.at[pl.ds(base + C, C)], db1, isem)

        def pair(i, carry):
            g0 = base + (2 * i) * C
            for k in range(width):
                pltpu.make_async_copy(zeros_hbm.at[pl.ds(0, C)],
                                      vals0[k], gsem).wait()
            s0d = [pltpu.async_copy(vals0[k], accs[k].at[db0], ssem, add=True)
                   for k in range(width)]
            _wait_idx(src_hbm.at[pl.ds(0, C)], sb1, isem)
            _wait_idx(src_hbm.at[pl.ds(0, C)], db1, isem)
            g1d = [pltpu.async_copy(tabs[k].at[sb1], vals1[k], gsem)
                   for k in range(width)]
            for dsc in s0d:
                dsc.wait()
            pltpu.async_copy(src_hbm.at[pl.ds(g0 + 2 * C, C)], sb0, isem)
            pltpu.async_copy(dst_hbm.at[pl.ds(g0 + 2 * C, C)], db0, isem)
            for dsc in g1d:
                dsc.wait()
            s1d = [pltpu.async_copy(vals1[k], accs[k].at[db1], ssem, add=True)
                   for k in range(width)]
            _wait_idx(src_hbm.at[pl.ds(0, C)], sb0, isem)
            _wait_idx(src_hbm.at[pl.ds(0, C)], db0, isem)
            for k in range(width):
                pltpu.async_copy(tabs[k].at[sb0], vals0[k], gsem)
            for dsc in s1d:
                dsc.wait()
            pltpu.async_copy(src_hbm.at[pl.ds(g0 + 3 * C, C)], sb1, isem)
            pltpu.async_copy(dst_hbm.at[pl.ds(g0 + 3 * C, C)], db1, isem)
            return carry

        lax.fori_loop(0, NPAIR, pair, 0)
        for k in range(width):
            pltpu.make_async_copy(zeros_hbm.at[pl.ds(0, C)],
                                  vals0[k], gsem).wait()
        _wait_idx(src_hbm.at[pl.ds(0, C)], sb1, isem)
        _wait_idx(src_hbm.at[pl.ds(0, C)], db1, isem)
        plsc.subcore_barrier()
        for k in range(width):
            pltpu.sync_copy(accs[k].at[pl.ds(s * SLICE, SLICE)],
                            outs[k].at[c, pl.ds(s * SLICE, SLICE)])

    return pl.kernel(
        body,
        out_type=[jax.ShapeDtypeStruct((2, NPAD), jnp.float32)] * width,
        mesh=_mesh,
        scratch_types=(
            [pltpu.VMEM((C,), jnp.int32)] * 4
            + [pltpu.VMEM((C,), jnp.float32)] * (2 * width)
            + [pltpu.VMEM_SHARED((NPAD,), jnp.float32)] * (2 * width)
            + [pltpu.SemaphoreType.DMA] * 3
        ),
    )


_prop3_call = _make_prop(3)
_prop2_call = _make_prop(2)


RT, LT = NPAD // 128, 128


def _prep_body(degp, xp, d_out, u1_out):
    deg = 1.0 + degp[0] + degp[1]
    d = lax.rsqrt(deg)
    d_out[...] = d
    for k in range(3):
        u1_out[k] = xp[k] * d


def _sc(ref, i, j):
    return ref[i:i + 1, j:j + 1]


def _mid_body(a0, a1, a2, u1, d, w1t, b1, w2t, u2_out):
    dv = d[...]
    accs = (a0, a1, a2)
    p1 = [(u1[k] + accs[k][0] + accs[k][1]) * dv for k in range(3)]
    h = [jnp.maximum(sum(_sc(w1t, j, k) * p1[k] for k in range(3))
                     + _sc(b1, j, 0), 0.0)
         for j in range(16)]
    for i in range(2):
        g = sum(_sc(w2t, i, j) * h[j] for j in range(16))
        u2_out[i] = g * dv


def _final_body(a0, a1, u2, d, b2, out):
    dv = d[...]
    accs = (a0, a1)
    o = [(u2[i] + accs[i][0] + accs[i][1]) * dv + _sc(b2, i, 0)
         for i in range(2)]
    m = jnp.maximum(o[0], o[1])
    lse = m + jnp.log(jnp.exp(o[0] - m) + jnp.exp(o[1] - m))
    out[0] = o[0] - lse
    out[1] = o[1] - lse


_prep_call = pl.pallas_call(
    _prep_body,
    out_shape=[jax.ShapeDtypeStruct((RT, LT), jnp.float32),
               jax.ShapeDtypeStruct((3, RT, LT), jnp.float32)],
)

_mid_call = pl.pallas_call(
    _mid_body,
    out_shape=jax.ShapeDtypeStruct((2, RT, LT), jnp.float32),
)

_final_call = pl.pallas_call(
    _final_body,
    out_shape=jax.ShapeDtypeStruct((2, RT, LT), jnp.float32),
)



def kernel(x, edge_index, W1, b1, W2, b2):
    f32 = jnp.float32
    src = edge_index[0].astype(jnp.int32)
    dst = edge_index[1].astype(jnp.int32)
    pad_idx = (jnp.arange(EPAD - E + 2 * C, dtype=jnp.int32) % NPADROWS) + N
    src1 = jnp.concatenate([src, pad_idx])
    dst1 = jnp.concatenate([dst, pad_idx])

    zeros1 = jnp.zeros((NPAD,), f32)
    ones_c = jnp.ones((C,), f32)
    xp = jnp.zeros((3, NPAD), f32).at[:, :N].set(x.T)

    degp = _deg_call(dst1, ones_c, zeros1)
    d, u1 = _prep_call(degp.reshape(2, RT, LT), xp.reshape(3, RT, LT))
    u1f = u1.reshape(3, NPAD)
    acc1 = _prop3_call(u1f[0], u1f[1], u1f[2], zeros1, src1, dst1)
    u2 = _mid_call(*(a.reshape(2, RT, LT) for a in acc1), u1, d, W1.T,
                   b1.reshape(16, 1), W2.T)
    u2f = u2.reshape(2, NPAD)
    acc2 = _prop2_call(u2f[0], u2f[1], zeros1, src1, dst1)
    outf = _final_call(*(a.reshape(2, RT, LT) for a in acc2), u2, d,
                       b2.reshape(2, 1))
    return outf.reshape(2, NPAD)[:, :N].T

# --- scband reference (transcript-rebuilt; emitter-appended) ---
"""Pipeline reference for scband-gnn-16398185136753 (READ-ONLY COPY).

The authoritative reference and input builder live on the scoring server;
editing this copy changes nothing except your own understanding.
"""

import jax, jax.numpy as jnp
import numpy as np

N_NODES = 100000
N_EDGES = 6400000
IN_DIM = 3
HID_DIM = 16
OUT_DIM = 2


def _gcn_conv(x, src, dst, deg_inv_sqrt, W, b):
    # PyG GCNConv: out = D^{-1/2} (A + I) D^{-1/2} X W + b
    xw = x @ W
    norm = deg_inv_sqrt[src] * deg_inv_sqrt[dst]
    msg = jnp.take(xw, src, axis=0) * norm[:, None]
    out = jnp.zeros((x.shape[0], W.shape[1]), dtype=x.dtype).at[dst].add(msg)
    return out + b


def setup_inputs(seed: int = 0) -> dict:
    key = jax.random.key(seed)
    k_x, k_e, k_w1, k_w2 = jax.random.split(key, 4)
    x = jax.random.normal(k_x, (N_NODES, IN_DIM), dtype=jnp.float32)
    edge_index = jax.random.randint(k_e, (2, N_EDGES), 0, N_NODES, dtype=jnp.int64)
    # Glorot init as in PyG linear layers
    s1 = float(np.sqrt(6.0 / (IN_DIM + HID_DIM)))
    s2 = float(np.sqrt(6.0 / (HID_DIM + OUT_DIM)))
    W1 = jax.random.uniform(k_w1, (IN_DIM, HID_DIM), minval=-s1, maxval=s1, dtype=jnp.float32)
    b1 = jnp.zeros((HID_DIM,), dtype=jnp.float32)
    W2 = jax.random.uniform(k_w2, (HID_DIM, OUT_DIM), minval=-s2, maxval=s2, dtype=jnp.float32)
    b2 = jnp.zeros((OUT_DIM,), dtype=jnp.float32)
    return {"x": x, "edge_index": edge_index, "W1": W1, "b1": b1, "W2": W2, "b2": b2}


def reference(x, edge_index, W1, b1, W2, b2):
    N = x.shape[0]
    loop = jnp.arange(N, dtype=edge_index.dtype)
    src = jnp.concatenate([edge_index[0], loop])
    dst = jnp.concatenate([edge_index[1], loop])
    deg = jnp.zeros((N,), dtype=x.dtype).at[dst].add(1.0)
    deg_inv_sqrt = jnp.where(deg > 0, deg ** -0.5, 0.0)
    h = _gcn_conv(x, src, dst, deg_inv_sqrt, W1, b1)
    h = jax.nn.relu(h)
    h = _gcn_conv(h, src, dst, deg_inv_sqrt, W2, b2)
    return jax.nn.log_softmax(h, axis=1)

if __name__ == "__main__":
    import jax
    _d = setup_inputs()
    print(jax.jit(kernel)(*tuple(_d.values())))

</pallas_src>

<mosaic_0001>
#map = affine_map<(d0, d1) -> (0)>
#map1 = affine_map<(d0, d1) -> (0, 0)>
module attributes {stable_mosaic.version = 14 : i64} {
  func.func @_deg_body(%arg0: i32, %arg1: i32, %arg2: memref<6426624xi32, #tpu.memory_space<hbm>>, %arg3: memref<2048xf32, #tpu.memory_space<hbm>>, %arg4: memref<100352xf32, #tpu.memory_space<hbm>>, %arg5: memref<2x100352xf32, #tpu.memory_space<hbm>>, %arg6: memref<2048xi32, #tpu.memory_space<vmem>>, %arg7: memref<2048xi32, #tpu.memory_space<vmem>>, %arg8: memref<2048xf32, #tpu.memory_space<vmem>>, %arg9: memref<100352xf32, #tpu.memory_space<vmem_shared>>, %arg10: memref<!tpu.dma_semaphore, #tpu.memory_space<semaphore_mem>>, %arg11: memref<!tpu.dma_semaphore, #tpu.memory_space<semaphore_mem>>) attributes {dimension_semantics = [#tpu.dimension_semantics<core_parallel>, #tpu.dimension_semantics<subcore_parallel>], iteration_bounds = array<i64: 2, 16>, scalar_prefetch = 0 : i64, scratch_operands = 6 : i64, tpu.core_type = #tpu.core_type<sc_vector_subcore>, window_params = [{transform_indices = #map}, {transform_indices = #map}, {transform_indices = #map}, {transform_indices = #map1}]} {
    %mul3A = arith.constant 16 : i32
    %mul3A_0 = arith.muli %arg0, %mul3A : i32
    %add3A = arith.addi %mul3A_0, %arg1 : i32
    %mul3A_1 = arith.constant 200704 : i32
    %mul3A_2 = arith.muli %add3A, %mul3A_1 : i32
    "tpu.region"() ({
      %run_scoped3A = tpu.sem_alloc : memref<!tpu.dma_semaphore, #tpu.memory_space<semaphore_mem>>
      tpu.enqueue_dma source(%arg3 : memref<2048xf32, #tpu.memory_space<hbm>>) target(%arg8 : memref<2048xf32, #tpu.memory_space<vmem>>) target_semaphore(%run_scoped3A : memref<!tpu.dma_semaphore, #tpu.memory_space<semaphore_mem>>)
      tpu.wait_dma2 semaphore(%run_scoped3A : memref<!tpu.dma_semaphore, #tpu.memory_space<semaphore_mem>>) src(%arg3 : memref<2048xf32, #tpu.memory_space<hbm>>) dst(%arg8 : memref<2048xf32, #tpu.memory_space<vmem>>)
      tpu.yield
    }) : () -> ()
    %mul3A_3 = arith.constant 6272 : i32
    %mul3A_4 = arith.muli %arg1, %mul3A_3 : i32
    %mul3A_5 = arith.constant 6272 : i32
    %mul3A_6 = arith.muli %arg1, %mul3A_5 : i32
    "tpu.region"() ({
      %run_scoped3A = tpu.sem_alloc : memref<!tpu.dma_semaphore, #tpu.memory_space<semaphore_mem>>
      %dma_start3A_21 = tpu.memref_slice %arg9[%mul3A_6] : memref<100352xf32, #tpu.memory_space<vmem_shared>> -> memref<6272xf32, #tpu.memory_space<vmem_shared>>
      %dma_start3A_22 = tpu.memref_slice %arg4[%mul3A_4] : memref<100352xf32, #tpu.memory_space<hbm>> -> memref<6272xf32, #tpu.memory_space<hbm>>
      tpu.enqueue_dma source(%dma_start3A_22 : memref<6272xf32, #tpu.memory_space<hbm>>) target(%dma_start3A_21 : memref<6272xf32, #tpu.memory_space<vmem_shared>>) target_semaphore(%run_scoped3A : memref<!tpu.dma_semaphore, #tpu.memory_space<semaphore_mem>>)
      %dma_wait3A_23 = tpu.memref_slice %arg9[%mul3A_6] : memref<100352xf32, #tpu.memory_space<vmem_shared>> -> memref<6272xf32, #tpu.memory_space<vmem_shared>>
      %dma_wait3A_24 = tpu.memref_slice %arg4[%mul3A_4] : memref<100352xf32, #tpu.memory_space<hbm>> -> memref<6272xf32, #tpu.memory_space<hbm>>
      tpu.wait_dma2 semaphore(%run_scoped3A : memref<!tpu.dma_semaphore, #tpu.memory_space<semaphore_mem>>) src(%dma_wait3A_24 : memref<6272xf32, #tpu.memory_space<hbm>>) dst(%dma_wait3A_23 : memref<6272xf32, #tpu.memory_space<vmem_shared>>)
      tpu.yield
    }) : () -> ()
    %barrier3A = arith.constant 0 : index
    tpu.barrier barrier_id(%barrier3A)
    %dma_start3A = tpu.memref_slice %arg2[%mul3A_2] : memref<6426624xi32, #tpu.memory_space<hbm>> -> memref<2048xi32, #tpu.memory_space<hbm>>
    %dma_start3A_7 = tpu.memref_slice %arg2[%mul3A_2] : memref<6426624xi32, #tpu.memory_space<hbm>> -> memref<2048xi32, #tpu.memory_space<hbm>>
    tpu.enqueue_dma source(%dma_start3A_7 : memref<2048xi32, #tpu.memory_space<hbm>>) target(%arg6 : memref<2048xi32, #tpu.memory_space<vmem>>) target_semaphore(%arg10 : memref<!tpu.dma_semaphore, #tpu.memory_space<semaphore_mem>>)
    %scan3A = arith.constant 0 : i32
    %scan3A_8 = arith.constant 0 : i32
    %scan3A_9 = arith.constant 49 : i32
    %scan3A_10 = arith.addi %scan3A_8, %scan3A_9 : i32
    %scan3A_11 = arith.constant 1 : i32
    scf.for %scan3A_21 = %scan3A_8 to %scan3A_10 step %scan3A_11  : i32 {
      %mul3A_22 = arith.constant 2 : i32
      %mul3A_23 = arith.muli %mul3A_22, %scan3A_21 : i32
      %mul3A_24 = arith.constant 2048 : i32
      %mul3A_25 = arith.muli %mul3A_23, %mul3A_24 : i32
      %add3A_26 = arith.addi %mul3A_2, %mul3A_25 : i32
      %dma_wait3A_27 = arith.constant 0 : i32
      %dma_wait3A_28 = tpu.memref_slice %arg2[%dma_wait3A_27] : memref<6426624xi32, #tpu.memory_space<hbm>> -> memref<2048xi32, #tpu.memory_space<hbm>>
      %dma_wait3A_29 = arith.constant 0 : i32
      %dma_wait3A_30 = tpu.memref_slice %arg2[%dma_wait3A_29] : memref<6426624xi32, #tpu.memory_space<hbm>> -> memref<2048xi32, #tpu.memory_space<hbm>>
      tpu.wait_dma2 semaphore(%arg10 : memref<!tpu.dma_semaphore, #tpu.memory_space<semaphore_mem>>) src(%dma_wait3A_30 : memref<2048xi32, #tpu.memory_space<hbm>>) dst(%arg6 : memref<2048xi32, #tpu.memory_space<vmem>>)
      %add3A_31 = arith.constant 2048 : i32
      %add3A_32 = arith.addi %add3A_26, %add3A_31 : i32
      %dma_start3A_33 = tpu.memref_slice %arg2[%add3A_32] : memref<6426624xi32, #tpu.memory_space<hbm>> -> memref<2048xi32, #tpu.memory_space<hbm>>
      %dma_start3A_34 = tpu.memref_slice %arg2[%add3A_32] : memref<6426624xi32, #tpu.memory_space<hbm>> -> memref<2048xi32, #tpu.memory_space<hbm>>
      tpu.enqueue_dma source(%dma_start3A_34 : memref<2048xi32, #tpu.memory_space<hbm>>) target(%arg7 : memref<2048xi32, #tpu.memory_space<vmem>>) target_semaphore(%arg10 : memref<!tpu.dma_semaphore, #tpu.memory_space<semaphore_mem>>)
      %dma_start3A_35 = arith.constant 0 : i32
      %dma_start3A_36 = tpu.memref_slice %arg9[%dma_start3A_35] : memref<100352xf32, #tpu.memory_space<vmem_shared>> -> memref<100352xf32, #tpu.memory_space<vmem_shared>>
      tpu.enqueue_indirect_dma source(%arg8 : memref<2048xf32, #tpu.memory_space<vmem>>) target(%dma_start3A_36 : memref<100352xf32, #tpu.memory_space<vmem_shared>>) offsets(%arg6 : memref<2048xi32, #tpu.memory_space<vmem>>) semaphore(%arg11 : memref<!tpu.dma_semaphore, #tpu.memory_space<semaphore_mem>>) {add = true}
      %dma_wait3A_37 = arith.constant 0 : i32
      %dma_wait3A_38 = tpu.memref_slice %arg2[%dma_wait3A_37] : memref<6426624xi32, #tpu.memory_space<hbm>> -> memref<2048xi32, #tpu.memory_space<hbm>>
      %dma_wait3A_39 = arith.constant 0 : i32
      %dma_wait3A_40 = tpu.memref_slice %arg2[%dma_wait3A_39] : memref<6426624xi32, #tpu.memory_space<hbm>> -> memref<2048xi32, #tpu.memory_space<hbm>>
      tpu.wait_dma2 semaphore(%arg10 : memref<!tpu.dma_semaphore, #tpu.memory_space<semaphore_mem>>) src(%dma_wait3A_40 : memref<2048xi32, #tpu.memory_space<hbm>>) dst(%arg7 : memref<2048xi32, #tpu.memory_space<vmem>>)
      %dma_wait3A_41 = arith.constant 0 : i32
      %dma_wait3A_42 = tpu.memref_slice %arg9[%dma_wait3A_41] : memref<100352xf32, #tpu.memory_space<vmem_shared>> -> memref<100352xf32, #tpu.memory_space<vmem_shared>>
      tpu.wait_indirect_dma semaphore(%arg11 : memref<!tpu.dma_semaphore, #tpu.memory_space<semaphore_mem>>) src(%arg8 : memref<2048xf32, #tpu.memory_space<vmem>>) dst(%dma_wait3A_42 : memref<100352xf32, #tpu.memory_space<vmem_shared>>)
      %add3A_43 = arith.constant 4096 : i32
      %add3A_44 = arith.addi %add3A_26, %add3A_43 : i32
      %dma_start3A_45 = tpu.memref_slice %arg2[%add3A_44] : memref<6426624xi32, #tpu.memory_space<hbm>> -> memref<2048xi32, #tpu.memory_space<hbm>>
      %dma_start3A_46 = tpu.memref_slice %arg2[%add3A_44] : memref<6426624xi32, #tpu.memory_space<hbm>> -> memref<2048xi32, #tpu.memory_space<hbm>>
      tpu.enqueue_dma source(%dma_start3A_46 : memref<2048xi32, #tpu.memory_space<hbm>>) target(%arg6 : memref<2048xi32, #tpu.memory_space<vmem>>) target_semaphore(%arg10 : memref<!tpu.dma_semaphore, #tpu.memory_space<semaphore_mem>>)
      %dma_start3A_47 = arith.constant 0 : i32
      %dma_start3A_48 = tpu.memref_slice %arg9[%dma_start3A_47] : memref<100352xf32, #tpu.memory_space<vmem_shared>> -> memref<100352xf32, #tpu.memory_space<vmem_shared>>
      tpu.enqueue_indirect_dma source(%arg8 : memref<2048xf32, #tpu.memory_space<vmem>>) target(%dma_start3A_48 : memref<100352xf32, #tpu.memory_space<vmem_shared>>) offsets(%arg7 : memref<2048xi32, #tpu.memory_space<vmem>>) semaphore(%arg11 : memref<!tpu.dma_semaphore, #tpu.memory_space<semaphore_mem>>) {add = true}
      %dma_wait3A_49 = arith.constant 0 : i32
      %dma_wait3A_50 = tpu.memref_slice %arg9[%dma_wait3A_49] : memref<100352xf32, #tpu.memory_space<vmem_shared>> -> memref<100352xf32, #tpu.memory_space<vmem_shared>>
      tpu.wait_indirect_dma semaphore(%arg11 : memref<!tpu.dma_semaphore, #tpu.memory_space<semaphore_mem>>) src(%arg8 : memref<2048xf32, #tpu.memory_space<vmem>>) dst(%dma_wait3A_50 : memref<100352xf32, #tpu.memory_space<vmem_shared>>)
    }
    %scan3A_12 = arith.constant 49 : i32
    %dma_wait3A = arith.constant 0 : i32
    %dma_wait3A_13 = tpu.memref_slice %arg2[%dma_wait3A] : memref<6426624xi32, #tpu.memory_space<hbm>> -> memref<2048xi32, #tpu.memory_space<hbm>>
    %dma_wait3A_14 = arith.constant 0 : i32
    %dma_wait3A_15 = tpu.memref_slice %arg2[%dma_wait3A_14] : memref<6426624xi32, #tpu.memory_space<hbm>> -> memref<2048xi32, #tpu.memory_space<hbm>>
    tpu.wait_dma2 semaphore(%arg10 : memref<!tpu.dma_semaphore, #tpu.memory_space<semaphore_mem>>) src(%dma_wait3A_15 : memref<2048xi32, #tpu.memory_space<hbm>>) dst(%arg6 : memref<2048xi32, #tpu.memory_space<vmem>>)
    %barrier3A_16 = arith.constant 0 : index
    tpu.barrier barrier_id(%barrier3A_16)
    %mul3A_17 = arith.constant 6272 : i32
    %mul3A_18 = arith.muli %arg1, %mul3A_17 : i32
    %mul3A_19 = arith.constant 6272 : i32
    %mul3A_20 = arith.muli %arg1, %mul3A_19 : i32
    "tpu.region"() ({
      %run_scoped3A = tpu.sem_alloc : memref<!tpu.dma_semaphore, #tpu.memory_space<semaphore_mem>>
      %dma_start3A_21 = tpu.memref_slice %arg5[%arg0, %mul3A_20] : memref<2x100352xf32, #tpu.memory_space<hbm>> -> memref<1x6272xf32, #tpu.memory_space<hbm>>
      %dma_start3A_22 = tpu.memref_squeeze %dma_start3A_21 : memref<1x6272xf32, #tpu.memory_space<hbm>> -> memref<6272xf32, #tpu.memory_space<hbm>>
      %dma_start3A_23 = tpu.memref_slice %arg9[%mul3A_18] : memref<100352xf32, #tpu.memory_space<vmem_shared>> -> memref<6272xf32, #tpu.memory_space<vmem_shared>>
      tpu.enqueue_dma source(%dma_start3A_23 : memref<6272xf32, #tpu.memory_space<vmem_shared>>) target(%dma_start3A_22 : memref<6272xf32, #tpu.memory_space<hbm>>) target_semaphore(%run_scoped3A : memref<!tpu.dma_semaphore, #tpu.memory_space<semaphore_mem>>)
      %dma_wait3A_24 = tpu.memref_slice %arg5[%arg0, %mul3A_20] : memref<2x100352xf32, #tpu.memory_space<hbm>> -> memref<1x6272xf32, #tpu.memory_space<hbm>>
      %dma_wait3A_25 = tpu.memref_squeeze %dma_wait3A_24 : memref<1x6272xf32, #tpu.memory_space<hbm>> -> memref<6272xf32, #tpu.memory_space<hbm>>
      %dma_wait3A_26 = tpu.memref_slice %arg9[%mul3A_18] : memref<100352xf32, #tpu.memory_space<vmem_shared>> -> memref<6272xf32, #tpu.memory_space<vmem_shared>>
      tpu.wait_dma2 semaphore(%run_scoped3A : memref<!tpu.dma_semaphore, #tpu.memory_space<semaphore_mem>>) src(%dma_wait3A_26 : memref<6272xf32, #tpu.memory_space<vmem_shared>>) dst(%dma_wait3A_25 : memref<6272xf32, #tpu.memory_space<hbm>>)
      tpu.yield
    }) : () -> ()
    return
  }
}

#map = affine_map<(d0, d1) -> (0)>
#map1 = affine_map<(d0, d1) -> (0, 0)>
module attributes {stable_mosaic.version = 14 : i64} {
  func.func @body(%arg0: i32, %arg1: i32, %arg2: memref<100352xf32, #tpu.memory_space<hbm>>, %arg3: memref<100352xf32, #tpu.memory_space<hbm>>, %arg4: memref<100352xf32, #tpu.memory_space<hbm>>, %arg5: memref<6426624xi32, #tpu.memory_space<hbm>>, %arg6: memref<6426624xi32, #tpu.memory_space<hbm>>, %arg7: memref<2x100352xf32, #tpu.memory_space<hbm>>, %arg8: memref<2x100352xf32, #tpu.memory_space<hbm>>, %arg9: memref<2048xi32, #tpu.memory_space<vmem>>, %arg10: memref<2048xi32, #tpu.memory_space<vmem>>, %arg11: memref<2048xi32, #tpu.memory_space<vmem>>, %arg12: memref<2048xi32, #tpu.memory_space<vmem>>, %arg13: memref<2048xf32, #tpu.memory_space<vmem>>, %arg14: memref<2048xf32, #tpu.memory_space<vmem>>, %arg15: memref<2048xf32, #tpu.memory_space<vmem>>, %arg16: memref<2048xf32, #tpu.memory_space<vmem>>, %arg17: memref<100352xf32, #tpu.memory_space<vmem_shared>>, %arg18: memref<100352xf32, #tpu.memory_space<vmem_shared>>, %arg19: memref<100352xf32, #tpu.memory_space<vmem_shared>>, %arg20: memref<100352xf32, #tpu.memory_space<vmem_shared>>, %arg21: memref<!tpu.dma_semaphore, #tpu.memory_space<semaphore_mem>>, %arg22: memref<!tpu.dma_semaphore, #tpu.memory_space<semaphore_mem>>, %arg23: memref<!tpu.dma_semaphore, #tpu.memory_space<semaphore_mem>>) attributes {dimension_semantics = [#tpu.dimension_semantics<core_parallel>, #tpu.dimension_semantics<subcore_parallel>], iteration_bounds = array<i64: 2, 16>, scalar_prefetch = 0 : i64, scratch_operands = 15 : i64, tpu.core_type = #tpu.core_type<sc_vector_subcore>, window_params = [{transform_indices = #map}, {transform_indices = #map}, {transform_indices = #map}, {transform_indices = #map}, {transform_indices = #map}, {transform_indices = #map1}, {transform_indices = #map1}]} {
    %mul3A = arith.constant 16 : i32
    %mul3A_0 = arith.muli %arg0, %mul3A : i32
    %add3A = arith.addi %mul3A_0, %arg1 : i32
    %mul3A_1 = arith.constant 200704 : i32
    %mul3A_2 = arith.muli %add3A, %mul3A_1 : i32
    %mul3A_3 = arith.constant 6272 : i32
    %mul3A_4 = arith.muli %arg1, %mul3A_3 : i32
    %mul3A_5 = arith.constant 6272 : i32
    %mul3A_6 = arith.muli %arg1, %mul3A_5 : i32
    "tpu.region"() ({
      %run_scoped3A = tpu.sem_alloc : memref<!tpu.dma_semaphore, #tpu.memory_space<semaphore_mem>>
      %dma_start3A_59 = tpu.memref_slice %arg17[%mul3A_6] : memref<100352xf32, #tpu.memory_space<vmem_shared>> -> memref<6272xf32, #tpu.memory_space<vmem_shared>>
      %dma_start3A_60 = tpu.memref_slice %arg2[%mul3A_4] : memref<100352xf32, #tpu.memory_space<hbm>> -> memref<6272xf32, #tpu.memory_space<hbm>>
      tpu.enqueue_dma source(%dma_start3A_60 : memref<6272xf32, #tpu.memory_space<hbm>>) target(%dma_start3A_59 : memref<6272xf32, #tpu.memory_space<vmem_shared>>) target_semaphore(%run_scoped3A : memref<!tpu.dma_semaphore, #tpu.memory_space<semaphore_mem>>)
      %dma_wait3A_61 = tpu.memref_slice %arg17[%mul3A_6] : memref<100352xf32, #tpu.memory_space<vmem_shared>> -> memref<6272xf32, #tpu.memory_space<vmem_shared>>
      %dma_wait3A_62 = tpu.memref_slice %arg2[%mul3A_4] : memref<100352xf32, #tpu.memory_space<hbm>> -> memref<6272xf32, #tpu.memory_space<hbm>>
      tpu.wait_dma2 semaphore(%run_scoped3A : memref<!tpu.dma_semaphore, #tpu.memory_space<semaphore_mem>>) src(%dma_wait3A_62 : memref<6272xf32, #tpu.memory_space<hbm>>) dst(%dma_wait3A_61 : memref<6272xf32, #tpu.memory_space<vmem_shared>>)
      tpu.yield
    }) : () -> ()
    %mul3A_7 = arith.constant 6272 : i32
    %mul3A_8 = arith.muli %arg1, %mul3A_7 : i32
    %mul3A_9 = arith.constant 6272 : i32
    %mul3A_10 = arith.muli %arg1, %mul3A_9 : i32
    "tpu.region"() ({
      %run_scoped3A = tpu.sem_alloc : memref<!tpu.dma_semaphore, #tpu.memory_space<semaphore_mem>>
      %dma_start3A_59 = tpu.memref_slice %arg19[%mul3A_10] : memref<100352xf32, #tpu.memory_space<vmem_shared>> -> memref<6272xf32, #tpu.memory_space<vmem_shared>>
      %dma_start3A_60 = tpu.memref_slice %arg4[%mul3A_8] : memref<100352xf32, #tpu.memory_space<hbm>> -> memref<6272xf32, #tpu.memory_space<hbm>>
      tpu.enqueue_dma source(%dma_start3A_60 : memref<6272xf32, #tpu.memory_space<hbm>>) target(%dma_start3A_59 : memref<6272xf32, #tpu.memory_space<vmem_shared>>) target_semaphore(%run_scoped3A : memref<!tpu.dma_semaphore, #tpu.memory_space<semaphore_mem>>)
      %dma_wait3A_61 = tpu.memref_slice %arg19[%mul3A_10] : memref<100352xf32, #tpu.memory_space<vmem_shared>> -> memref<6272xf32, #tpu.memory_space<vmem_shared>>
      %dma_wait3A_62 = tpu.memref_slice %arg4[%mul3A_8] : memref<100352xf32, #tpu.memory_space<hbm>> -> memref<6272xf32, #tpu.memory_space<hbm>>
      tpu.wait_dma2 semaphore(%run_scoped3A : memref<!tpu.dma_semaphore, #tpu.memory_space<semaphore_mem>>) src(%dma_wait3A_62 : memref<6272xf32, #tpu.memory_space<hbm>>) dst(%dma_wait3A_61 : memref<6272xf32, #tpu.memory_space<vmem_shared>>)
      tpu.yield
    }) : () -> ()
    %mul3A_11 = arith.constant 6272 : i32
    %mul3A_12 = arith.muli %arg1, %mul3A_11 : i32
    %mul3A_13 = arith.constant 6272 : i32
    %mul3A_14 = arith.muli %arg1, %mul3A_13 : i32
    "tpu.region"() ({
      %run_scoped3A = tpu.sem_alloc : memref<!tpu.dma_semaphore, #tpu.memory_space<semaphore_mem>>
      %dma_start3A_59 = tpu.memref_slice %arg18[%mul3A_14] : memref<100352xf32, #tpu.memory_space<vmem_shared>> -> memref<6272xf32, #tpu.memory_space<vmem_shared>>
      %dma_start3A_60 = tpu.memref_slice %arg3[%mul3A_12] : memref<100352xf32, #tpu.memory_space<hbm>> -> memref<6272xf32, #tpu.memory_space<hbm>>
      tpu.enqueue_dma source(%dma_start3A_60 : memref<6272xf32, #tpu.memory_space<hbm>>) target(%dma_start3A_59 : memref<6272xf32, #tpu.memory_space<vmem_shared>>) target_semaphore(%run_scoped3A : memref<!tpu.dma_semaphore, #tpu.memory_space<semaphore_mem>>)
      %dma_wait3A_61 = tpu.memref_slice %arg18[%mul3A_14] : memref<100352xf32, #tpu.memory_space<vmem_shared>> -> memref<6272xf32, #tpu.memory_space<vmem_shared>>
      %dma_wait3A_62 = tpu.memref_slice %arg3[%mul3A_12] : memref<100352xf32, #tpu.memory_space<hbm>> -> memref<6272xf32, #tpu.memory_space<hbm>>
      tpu.wait_dma2 semaphore(%run_scoped3A : memref<!tpu.dma_semaphore, #tpu.memory_space<semaphore_mem>>) src(%dma_wait3A_62 : memref<6272xf32, #tpu.memory_space<hbm>>) dst(%dma_wait3A_61 : memref<6272xf32, #tpu.memory_space<vmem_shared>>)
      tpu.yield
    }) : () -> ()
    %mul3A_15 = arith.constant 6272 : i32
    %mul3A_16 = arith.muli %arg1, %mul3A_15 : i32
    %mul3A_17 = arith.constant 6272 : i32
    %mul3A_18 = arith.muli %arg1, %mul3A_17 : i32
    "tpu.region"() ({
      %run_scoped3A = tpu.sem_alloc : memref<!tpu.dma_semaphore, #tpu.memory_space<semaphore_mem>>
      %dma_start3A_59 = tpu.memref_slice %arg20[%mul3A_18] : memref<100352xf32, #tpu.memory_space<vmem_shared>> -> memref<6272xf32, #tpu.memory_space<vmem_shared>>
      %dma_start3A_60 = tpu.memref_slice %arg4[%mul3A_16] : memref<100352xf32, #tpu.memory_space<hbm>> -> memref<6272xf32, #tpu.memory_space<hbm>>
      tpu.enqueue_dma source(%dma_start3A_60 : memref<6272xf32, #tpu.memory_space<hbm>>) target(%dma_start3A_59 : memref<6272xf32, #tpu.memory_space<vmem_shared>>) target_semaphore(%run_scoped3A : memref<!tpu.dma_semaphore, #tpu.memory_space<semaphore_mem>>)
      %dma_wait3A_61 = tpu.memref_slice %arg20[%mul3A_18] : memref<100352xf32, #tpu.memory_space<vmem_shared>> -> memref<6272xf32, #tpu.memory_space<vmem_shared>>
      %dma_wait3A_62 = tpu.memref_slice %arg4[%mul3A_16] : memref<100352xf32, #tpu.memory_space<hbm>> -> memref<6272xf32, #tpu.memory_space<hbm>>
      tpu.wait_dma2 semaphore(%run_scoped3A : memref<!tpu.dma_semaphore, #tpu.memory_space<semaphore_mem>>) src(%dma_wait3A_62 : memref<6272xf32, #tpu.memory_space<hbm>>) dst(%dma_wait3A_61 : memref<6272xf32, #tpu.memory_space<vmem_shared>>)
      tpu.yield
    }) : () -> ()
    %barrier3A = arith.constant 0 : index
    tpu.barrier barrier_id(%barrier3A)
    "tpu.region"() ({
      %run_scoped3A = tpu.sem_alloc : memref<!tpu.dma_semaphore, #tpu.memory_space<semaphore_mem>>
      %dma_start3A_59 = tpu.memref_slice %arg5[%mul3A_2] : memref<6426624xi32, #tpu.memory_space<hbm>> -> memref<2048xi32, #tpu.memory_space<hbm>>
      %dma_start3A_60 = tpu.memref_slice %arg5[%mul3A_2] : memref<6426624xi32, #tpu.memory_space<hbm>> -> memref<2048xi32, #tpu.memory_space<hbm>>
      tpu.enqueue_dma source(%dma_start3A_60 : memref<2048xi32, #tpu.memory_space<hbm>>) target(%arg9 : memref<2048xi32, #tpu.memory_space<vmem>>) target_semaphore(%run_scoped3A : memref<!tpu.dma_semaphore, #tpu.memory_space<semaphore_mem>>)
      %dma_wait3A_61 = tpu.memref_slice %arg5[%mul3A_2] : memref<6426624xi32, #tpu.memory_space<hbm>> -> memref<2048xi32, #tpu.memory_space<hbm>>
      %dma_wait3A_62 = tpu.memref_slice %arg5[%mul3A_2] : memref<6426624xi32, #tpu.memory_space<hbm>> -> memref<2048xi32, #tpu.memory_space<hbm>>
      tpu.wait_dma2 semaphore(%run_scoped3A : memref<!tpu.dma_semaphore, #tpu.memory_space<semaphore_mem>>) src(%dma_wait3A_62 : memref<2048xi32, #tpu.memory_space<hbm>>) dst(%arg9 : memref<2048xi32, #tpu.memory_space<vmem>>)
      tpu.yield
    }) : () -> ()
    "tpu.region"() ({
      %run_scoped3A = tpu.sem_alloc : memref<!tpu.dma_semaphore, #tpu.memory_space<semaphore_mem>>
      %dma_start3A_59 = tpu.memref_slice %arg6[%mul3A_2] : memref<6426624xi32, #tpu.memory_space<hbm>> -> memref<2048xi32, #tpu.memory_space<hbm>>
      %dma_start3A_60 = tpu.memref_slice %arg6[%mul3A_2] : memref<6426624xi32, #tpu.memory_space<hbm>> -> memref<2048xi32, #tpu.memory_space<hbm>>
      tpu.enqueue_dma source(%dma_start3A_60 : memref<2048xi32, #tpu.memory_space<hbm>>) target(%arg10 : memref<2048xi32, #tpu.memory_space<vmem>>) target_semaphore(%run_scoped3A : memref<!tpu.dma_semaphore, #tpu.memory_space<semaphore_mem>>)
      %dma_wait3A_61 = tpu.memref_slice %arg6[%mul3A_2] : memref<6426624xi32, #tpu.memory_space<hbm>> -> memref<2048xi32, #tpu.memory_space<hbm>>
      %dma_wait3A_62 = tpu.memref_slice %arg6[%mul3A_2] : memref<6426624xi32, #tpu.memory_space<hbm>> -> memref<2048xi32, #tpu.memory_space<hbm>>
      tpu.wait_dma2 semaphore(%run_scoped3A : memref<!tpu.dma_semaphore, #tpu.memory_space<semaphore_mem>>) src(%dma_wait3A_62 : memref<2048xi32, #tpu.memory_space<hbm>>) dst(%arg10 : memref<2048xi32, #tpu.memory_space<vmem>>)
      tpu.yield
    }) : () -> ()
    %dma_start3A = arith.constant 0 : i32
    %dma_start3A_19 = tpu.memref_slice %arg17[%dma_start3A] : memref<100352xf32, #tpu.memory_space<vmem_shared>> -> memref<100352xf32, #tpu.memory_space<vmem_shared>>
    tpu.enqueue_indirect_dma source(%dma_start3A_19 : memref<100352xf32, #tpu.memory_space<vmem_shared>>) target(%arg13 : memref<2048xf32, #tpu.memory_space<vmem>>) offsets(%arg9 : memref<2048xi32, #tpu.memory_space<vmem>>) semaphore(%arg22 : memref<!tpu.dma_semaphore, #tpu.memory_space<semaphore_mem>>)
    %dma_start3A_20 = arith.constant 0 : i32
    %dma_start3A_21 = tpu.memref_slice %arg18[%dma_start3A_20] : memref<100352xf32, #tpu.memory_space<vmem_shared>> -> memref<100352xf32, #tpu.memory_space<vmem_shared>>
    tpu.enqueue_indirect_dma source(%dma_start3A_21 : memref<100352xf32, #tpu.memory_space<vmem_shared>>) target(%arg14 : memref<2048xf32, #tpu.memory_space<vmem>>) offsets(%arg9 : memref<2048xi32, #tpu.memory_space<vmem>>) semaphore(%arg22 : memref<!tpu.dma_semaphore, #tpu.memory_space<semaphore_mem>>)
    %add3A_22 = arith.constant 2048 : i32
    %add3A_23 = arith.addi %mul3A_2, %add3A_22 : i32
    %dma_start3A_24 = tpu.memref_slice %arg5[%add3A_23] : memref<6426624xi32, #tpu.memory_space<hbm>> -> memref<2048xi32, #tpu.memory_space<hbm>>
    %dma_start3A_25 = tpu.memref_slice %arg5[%add3A_23] : memref<6426624xi32, #tpu.memory_space<hbm>> -> memref<2048xi32, #tpu.memory_space<hbm>>
    tpu.enqueue_dma source(%dma_start3A_25 : memref<2048xi32, #tpu.memory_space<hbm>>) target(%arg11 : memref<2048xi32, #tpu.memory_space<vmem>>) target_semaphore(%arg21 : memref<!tpu.dma_semaphore, #tpu.memory_space<semaphore_mem>>)
    %add3A_26 = arith.constant 2048 : i32
    %add3A_27 = arith.addi %mul3A_2, %add3A_26 : i32
    %dma_start3A_28 = tpu.memref_slice %arg6[%add3A_27] : memref<6426624xi32, #tpu.memory_space<hbm>> -> memref<2048xi32, #tpu.memory_space<hbm>>
    %dma_start3A_29 = tpu.memref_slice %arg6[%add3A_27] : memref<6426624xi32, #tpu.memory_space<hbm>> -> memref<2048xi32, #tpu.memory_space<hbm>>
    tpu.enqueue_dma source(%dma_start3A_29 : memref<2048xi32, #tpu.memory_space<hbm>>) target(%arg12 : memref<2048xi32, #tpu.memory_space<vmem>>) target_semaphore(%arg21 : memref<!tpu.dma_semaphore, #tpu.memory_space<semaphore_mem>>)
    %scan3A = arith.constant 0 : i32
    %scan3A_30 = arith.constant 0 : i32
    %scan3A_31 = arith.constant 49 : i32
    %scan3A_32 = arith.addi %scan3A_30, %scan3A_31 : i32
    %scan3A_33 = arith.constant 1 : i32
    scf.for %scan3A_59 = %scan3A_30 to %scan3A_32 step %scan3A_33  : i32 {
      %mul3A_60 = arith.constant 2 : i32
      %mul3A_61 = arith.muli %mul3A_60, %scan3A_59 : i32
      %mul3A_62 = arith.constant 2048 : i32
      %mul3A_63 = arith.muli %mul3A_61, %mul3A_62 : i32
      %add3A_64 = arith.addi %mul3A_2, %mul3A_63 : i32
      %dma_wait3A_65 = arith.constant 0 : i32
      %dma_wait3A_66 = tpu.memref_slice %arg4[%dma_wait3A_65] : memref<100352xf32, #tpu.memory_space<hbm>> -> memref<2048xf32, #tpu.memory_space<hbm>>
      %dma_wait3A_67 = arith.constant 0 : i32
      %dma_wait3A_68 = tpu.memref_slice %arg4[%dma_wait3A_67] : memref<100352xf32, #tpu.memory_space<hbm>> -> memref<2048xf32, #tpu.memory_space<hbm>>
      tpu.wait_dma2 semaphore(%arg22 : memref<!tpu.dma_semaphore, #tpu.memory_space<semaphore_mem>>) src(%dma_wait3A_68 : memref<2048xf32, #tpu.memory_space<hbm>>) dst(%arg13 : memref<2048xf32, #tpu.memory_space<vmem>>)
      %dma_wait3A_69 = arith.constant 0 : i32
      %dma_wait3A_70 = tpu.memref_slice %arg4[%dma_wait3A_69] : memref<100352xf32, #tpu.memory_space<hbm>> -> memref<2048xf32, #tpu.memory_space<hbm>>
      %dma_wait3A_71 = arith.constant 0 : i32
      %dma_wait3A_72 = tpu.memref_slice %arg4[%dma_wait3A_71] : memref<100352xf32, #tpu.memory_space<hbm>> -> memref<2048xf32, #tpu.memory_space<hbm>>
      tpu.wait_dma2 semaphore(%arg22 : memref<!tpu.dma_semaphore, #tpu.memory_space<semaphore_mem>>) src(%dma_wait3A_72 : memref<2048xf32, #tpu.memory_space<hbm>>) dst(%arg14 : memref<2048xf32, #tpu.memory_space<vmem>>)
      %dma_start3A_73 = arith.constant 0 : i32
      %dma_start3A_74 = tpu.memref_slice %arg19[%dma_start3A_73] : memref<100352xf32, #tpu.memory_space<vmem_shared>> -> memref<100352xf32, #tpu.memory_space<vmem_shared>>
      tpu.enqueue_indirect_dma source(%arg13 : memref<2048xf32, #tpu.memory_space<vmem>>) target(%dma_start3A_74 : memref<100352xf32, #tpu.memory_space<vmem_shared>>) offsets(%arg10 : memref<2048xi32, #tpu.memory_space<vmem>>) semaphore(%arg23 : memref<!tpu.dma_semaphore, #tpu.memory_space<semaphore_mem>>) {add = true}
      %dma_start3A_75 = arith.constant 0 : i32
      %dma_start3A_76 = tpu.memref_slice %arg20[%dma_start3A_75] : memref<100352xf32, #tpu.memory_space<vmem_shared>> -> memref<100352xf32, #tpu.memory_space<vmem_shared>>
      tpu.enqueue_indirect_dma source(%arg14 : memref<2048xf32, #tpu.memory_space<vmem>>) target(%dma_start3A_76 : memref<100352xf32, #tpu.memory_space<vmem_shared>>) offsets(%arg10 : memref<2048xi32, #tpu.memory_space<vmem>>) semaphore(%arg23 : memref<!tpu.dma_semaphore, #tpu.memory_space<semaphore_mem>>) {add = true}
      %dma_wait3A_77 = arith.constant 0 : i32
      %dma_wait3A_78 = tpu.memref_slice %arg5[%dma_wait3A_77] : memref<6426624xi32, #tpu.memory_space<hbm>> -> memref<2048xi32, #tpu.memory_space<hbm>>
      %dma_wait3A_79 = arith.constant 0 : i32
      %dma_wait3A_80 = tpu.memref_slice %arg5[%dma_wait3A_79] : memref<6426624xi32, #tpu.memory_space<hbm>> -> memref<2048xi32, #tpu.memory_space<hbm>>
      tpu.wait_dma2 semaphore(%arg21 : memref<!tpu.dma_semaphore, #tpu.memory_space<semaphore_mem>>) src(%dma_wait3A_80 : memref<2048xi32, #tpu.memory_space<hbm>>) dst(%arg11 : memref<2048xi32, #tpu.memory_space<vmem>>)
      %dma_wait3A_81 = arith.constant 0 : i32
      %dma_wait3A_82 = tpu.memref_slice %arg5[%dma_wait3A_81] : memref<6426624xi32, #tpu.memory_space<hbm>> -> memref<2048xi32, #tpu.memory_space<hbm>>
      %dma_wait3A_83 = arith.constant 0 : i32
      %dma_wait3A_84 = tpu.memref_slice %arg5[%dma_wait3A_83] : memref<6426624xi32, #tpu.memory_space<hbm>> -> memref<2048xi32, #tpu.memory_space<hbm>>
      tpu.wait_dma2 semaphore(%arg21 : memref<!tpu.dma_semaphore, #tpu.memory_space<semaphore_mem>>) src(%dma_wait3A_84 : memref<2048xi32, #tpu.memory_space<hbm>>) dst(%arg12 : memref<2048xi32, #tpu.memory_space<vmem>>)
      %dma_start3A_85 = arith.constant 0 : i32
      %dma_start3A_86 = tpu.memref_slice %arg17[%dma_start3A_85] : memref<100352xf32, #tpu.memory_space<vmem_shared>> -> memref<100352xf32, #tpu.memory_space<vmem_shared>>
      tpu.enqueue_indirect_dma source(%dma_start3A_86 : memref<100352xf32, #tpu.memory_space<vmem_shared>>) target(%arg15 : memref<2048xf32, #tpu.memory_space<vmem>>) offsets(%arg11 : memref<2048xi32, #tpu.memory_space<vmem>>) semaphore(%arg22 : memref<!tpu.dma_semaphore, #tpu.memory_space<semaphore_mem>>)
      %dma_start3A_87 = arith.constant 0 : i32
      %dma_start3A_88 = tpu.memref_slice %arg18[%dma_start3A_87] : memref<100352xf32, #tpu.memory_space<vmem_shared>> -> memref<100352xf32, #tpu.memory_space<vmem_shared>>
      tpu.enqueue_indirect_dma source(%dma_start3A_88 : memref<100352xf32, #tpu.memory_space<vmem_shared>>) target(%arg16 : memref<2048xf32, #tpu.memory_space<vmem>>) offsets(%arg11 : memref<2048xi32, #tpu.memory_space<vmem>>) semaphore(%arg22 : memref<!tpu.dma_semaphore, #tpu.memory_space<semaphore_mem>>)
      %dma_wait3A_89 = arith.constant 0 : i32
      %dma_wait3A_90 = tpu.memref_slice %arg19[%dma_wait3A_89] : memref<100352xf32, #tpu.memory_space<vmem_shared>> -> memref<100352xf32, #tpu.memory_space<vmem_shared>>
      tpu.wait_indirect_dma semaphore(%arg23 : memref<!tpu.dma_semaphore, #tpu.memory_space<semaphore_mem>>) src(%arg13 : memref<2048xf32, #tpu.memory_space<vmem>>) dst(%dma_wait3A_90 : memref<100352xf32, #tpu.memory_space<vmem_shared>>)
      %dma_wait3A_91 = arith.constant 0 : i32
      %dma_wait3A_92 = tpu.memref_slice %arg20[%dma_wait3A_91] : memref<100352xf32, #tpu.memory_space<vmem_shared>> -> memref<100352xf32, #tpu.memory_space<vmem_shared>>
      tpu.wait_indirect_dma semaphore(%arg23 : memref<!tpu.dma_semaphore, #tpu.memory_space<semaphore_mem>>) src(%arg14 : memref<2048xf32, #tpu.memory_space<vmem>>) dst(%dma_wait3A_92 : memref<100352xf32, #tpu.memory_space<vmem_shared>>)
      %add3A_93 = arith.constant 4096 : i32
      %add3A_94 = arith.addi %add3A_64, %add3A_93 : i32
      %dma_start3A_95 = tpu.memref_slice %arg5[%add3A_94] : memref<6426624xi32, #tpu.memory_space<hbm>> -> memref<2048xi32, #tpu.memory_space<hbm>>
      %dma_start3A_96 = tpu.memref_slice %arg5[%add3A_94] : memref<6426624xi32, #tpu.memory_space<hbm>> -> memref<2048xi32, #tpu.memory_space<hbm>>
      tpu.enqueue_dma source(%dma_start3A_96 : memref<2048xi32, #tpu.memory_space<hbm>>) target(%arg9 : memref<2048xi32, #tpu.memory_space<vmem>>) target_semaphore(%arg21 : memref<!tpu.dma_semaphore, #tpu.memory_space<semaphore_mem>>)
      %add3A_97 = arith.constant 4096 : i32
      %add3A_98 = arith.addi %add3A_64, %add3A_97 : i32
      %dma_start3A_99 = tpu.memref_slice %arg6[%add3A_98] : memref<6426624xi32, #tpu.memory_space<hbm>> -> memref<2048xi32, #tpu.memory_space<hbm>>
      %dma_start3A_100 = tpu.memref_slice %arg6[%add3A_98] : memref<6426624xi32, #tpu.memory_space<hbm>> -> memref<2048xi32, #tpu.memory_space<hbm>>
      tpu.enqueue_dma source(%dma_start3A_100 : memref<2048xi32, #tpu.memory_space<hbm>>) target(%arg10 : memref<2048xi32, #tpu.memory_space<vmem>>) target_semaphore(%arg21 : memref<!tpu.dma_semaphore, #tpu.memory_space<semaphore_mem>>)
      %dma_wait3A_101 = arith.constant 0 : i32
      %dma_wait3A_102 = tpu.memref_slice %arg17[%dma_wait3A_101] : memref<100352xf32, #tpu.memory_space<vmem_shared>> -> memref<100352xf32, #tpu.memory_space<vmem_shared>>
      tpu.wait_indirect_dma semaphore(%arg22 : memref<!tpu.dma_semaphore, #tpu.memory_space<semaphore_mem>>) src(%dma_wait3A_102 : memref<100352xf32, #tpu.memory_space<vmem_shared>>) dst(%arg15 : memref<2048xf32, #tpu.memory_space<vmem>>)
      %dma_wait3A_103 = arith.constant 0 : i32
      %dma_wait3A_104 = tpu.memref_slice %arg18[%dma_wait3A_103] : memref<100352xf32, #tpu.memory_space<vmem_shared>> -> memref<100352xf32, #tpu.memory_space<vmem_shared>>
      tpu.wait_indirect_dma semaphore(%arg22 : memref<!tpu.dma_semaphore, #tpu.memory_space<semaphore_mem>>) src(%dma_wait3A_104 : memref<100352xf32, #tpu.memory_space<vmem_shared>>) dst(%arg16 : memref<2048xf32, #tpu.memory_space<vmem>>)
      %dma_start3A_105 = arith.constant 0 : i32
      %dma_start3A_106 = tpu.memref_slice %arg19[%dma_start3A_105] : memref<100352xf32, #tpu.memory_space<vmem_shared>> -> memref<100352xf32, #tpu.memory_space<vmem_shared>>
      tpu.enqueue_indirect_dma source(%arg15 : memref<2048xf32, #tpu.memory_space<vmem>>) target(%dma_start3A_106 : memref<100352xf32, #tpu.memory_space<vmem_shared>>) offsets(%arg12 : memref<2048xi32, #tpu.memory_space<vmem>>) semaphore(%arg23 : memref<!tpu.dma_semaphore, #tpu.memory_space<semaphore_mem>>) {add = true}
      %dma_start3A_107 = arith.constant 0 : i32
      %dma_start3A_108 = tpu.memref_slice %arg20[%dma_start3A_107] : memref<100352xf32, #tpu.memory_space<vmem_shared>> -> memref<100352xf32, #tpu.memory_space<vmem_shared>>
      tpu.enqueue_indirect_dma source(%arg16 : memref<2048xf32, #tpu.memory_space<vmem>>) target(%dma_start3A_108 : memref<100352xf32, #tpu.memory_space<vmem_shared>>) offsets(%arg12 : memref<2048xi32, #tpu.memory_space<vmem>>) semaphore(%arg23 : memref<!tpu.dma_semaphore, #tpu.memory_space<semaphore_mem>>) {add = true}
      %dma_wait3A_109 = arith.constant 0 : i32
      %dma_wait3A_110 = tpu.memref_slice %arg5[%dma_wait3A_109] : memref<6426624xi32, #tpu.memory_space<hbm>> -> memref<2048xi32, #tpu.memory_space<hbm>>
      %dma_wait3A_111 = arith.constant 0 : i32
      %dma_wait3A_112 = tpu.memref_slice %arg5[%dma_wait3A_111] : memref<6426624xi32, #tpu.memory_space<hbm>> -> memref<2048xi32, #tpu.memory_space<hbm>>
      tpu.wait_dma2 semaphore(%arg21 : memref<!tpu.dma_semaphore, #tpu.memory_space<semaphore_mem>>) src(%dma_wait3A_112 : memref<2048xi32, #tpu.memory_space<hbm>>) dst(%arg9 : memref<2048xi32, #tpu.memory_space<vmem>>)
      %dma_wait3A_113 = arith.constant 0 : i32
      %dma_wait3A_114 = tpu.memref_slice %arg5[%dma_wait3A_113] : memref<6426624xi32, #tpu.memory_space<hbm>> -> memref<2048xi32, #tpu.memory_space<hbm>>
      %dma_wait3A_115 = arith.constant 0 : i32
      %dma_wait3A_116 = tpu.memref_slice %arg5[%dma_wait3A_115] : memref<6426624xi32, #tpu.memory_space<hbm>> -> memref<2048xi32, #tpu.memory_space<hbm>>
      tpu.wait_dma2 semaphore(%arg21 : memref<!tpu.dma_semaphore, #tpu.memory_space<semaphore_mem>>) src(%dma_wait3A_116 : memref<2048xi32, #tpu.memory_space<hbm>>) dst(%arg10 : memref<2048xi32, #tpu.memory_space<vmem>>)
      %dma_start3A_117 = arith.constant 0 : i32
      %dma_start3A_118 = tpu.memref_slice %arg17[%dma_start3A_117] : memref<100352xf32, #tpu.memory_space<vmem_shared>> -> memref<100352xf32, #tpu.memory_space<vmem_shared>>
      tpu.enqueue_indirect_dma source(%dma_start3A_118 : memref<100352xf32, #tpu.memory_space<vmem_shared>>) target(%arg13 : memref<2048xf32, #tpu.memory_space<vmem>>) offsets(%arg9 : memref<2048xi32, #tpu.memory_space<vmem>>) semaphore(%arg22 : memref<!tpu.dma_semaphore, #tpu.memory_space<semaphore_mem>>)
      %dma_start3A_119 = arith.constant 0 : i32
      %dma_start3A_120 = tpu.memref_slice %arg18[%dma_start3A_119] : memref<100352xf32, #tpu.memory_space<vmem_shared>> -> memref<100352xf32, #tpu.memory_space<vmem_shared>>
      tpu.enqueue_indirect_dma source(%dma_start3A_120 : memref<100352xf32, #tpu.memory_space<vmem_shared>>) target(%arg14 : memref<2048xf32, #tpu.memory_space<vmem>>) offsets(%arg9 : memref<2048xi32, #tpu.memory_space<vmem>>) semaphore(%arg22 : memref<!tpu.dma_semaphore, #tpu.memory_space<semaphore_mem>>)
      %dma_wait3A_121 = arith.constant 0 : i32
      %dma_wait3A_122 = tpu.memref_slice %arg19[%dma_wait3A_121] : memref<100352xf32, #tpu.memory_space<vmem_shared>> -> memref<100352xf32, #tpu.memory_space<vmem_shared>>
      tpu.wait_indirect_dma semaphore(%arg23 : memref<!tpu.dma_semaphore, #tpu.memory_space<semaphore_mem>>) src(%arg15 : memref<2048xf32, #tpu.memory_space<vmem>>) dst(%dma_wait3A_122 : memref<100352xf32, #tpu.memory_space<vmem_shared>>)
      %dma_wait3A_123 = arith.constant 0 : i32
      %dma_wait3A_124 = tpu.memref_slice %arg20[%dma_wait3A_123] : memref<100352xf32, #tpu.memory_space<vmem_shared>> -> memref<100352xf32, #tpu.memory_space<vmem_shared>>
      tpu.wait_indirect_dma semaphore(%arg23 : memref<!tpu.dma_semaphore, #tpu.memory_space<semaphore_mem>>) src(%arg16 : memref<2048xf32, #tpu.memory_space<vmem>>) dst(%dma_wait3A_124 : memref<100352xf32, #tpu.memory_space<vmem_shared>>)
      %add3A_125 = arith.constant 6144 : i32
      %add3A_126 = arith.addi %add3A_64, %add3A_125 : i32
      %dma_start3A_127 = tpu.memref_slice %arg5[%add3A_126] : memref<6426624xi32, #tpu.memory_space<hbm>> -> memref<2048xi32, #tpu.memory_space<hbm>>
      %dma_start3A_128 = tpu.memref_slice %arg5[%add3A_126] : memref<6426624xi32, #tpu.memory_space<hbm>> -> memref<2048xi32, #tpu.memory_space<hbm>>
      tpu.enqueue_dma source(%dma_start3A_128 : memref<2048xi32, #tpu.memory_space<hbm>>) target(%arg11 : memref<2048xi32, #tpu.memory_space<vmem>>) target_semaphore(%arg21 : memref<!tpu.dma_semaphore, #tpu.memory_space<semaphore_mem>>)
      %add3A_129 = arith.constant 6144 : i32
      %add3A_130 = arith.addi %add3A_64, %add3A_129 : i32
      %dma_start3A_131 = tpu.memref_slice %arg6[%add3A_130] : memref<6426624xi32, #tpu.memory_space<hbm>> -> memref<2048xi32, #tpu.memory_space<hbm>>
      %dma_start3A_132 = tpu.memref_slice %arg6[%add3A_130] : memref<6426624xi32, #tpu.memory_space<hbm>> -> memref<2048xi32, #tpu.memory_space<hbm>>
      tpu.enqueue_dma source(%dma_start3A_132 : memref<2048xi32, #tpu.memory_space<hbm>>) target(%arg12 : memref<2048xi32, #tpu.memory_space<vmem>>) target_semaphore(%arg21 : memref<!tpu.dma_semaphore, #tpu.memory_space<semaphore_mem>>)
    }
    %scan3A_34 = arith.constant 49 : i32
    %dma_wait3A = arith.constant 0 : i32
    %dma_wait3A_35 = tpu.memref_slice %arg4[%dma_wait3A] : memref<100352xf32, #tpu.memory_space<hbm>> -> memref<2048xf32, #tpu.memory_space<hbm>>
    %dma_wait3A_36 = arith.constant 0 : i32
    %dma_wait3A_37 = tpu.memref_slice %arg4[%dma_wait3A_36] : memref<100352xf32, #tpu.memory_space<hbm>> -> memref<2048xf32, #tpu.memory_space<hbm>>
    tpu.wait_dma2 semaphore(%arg22 : memref<!tpu.dma_semaphore, #tpu.memory_space<semaphore_mem>>) src(%dma_wait3A_37 : memref<2048xf32, #tpu.memory_space<hbm>>) dst(%arg13 : memref<2048xf32, #tpu.memory_space<vmem>>)
    %dma_wait3A_38 = arith.constant 0 : i32
    %dma_wait3A_39 = tpu.memref_slice %arg4[%dma_wait3A_38] : memref<100352xf32, #tpu.memory_space<hbm>> -> memref<2048xf32, #tpu.memory_space<hbm>>
    %dma_wait3A_40 = arith.constant 0 : i32
    %dma_wait3A_41 = tpu.memref_slice %arg4[%dma_wait3A_40] : memref<100352xf32, #tpu.memory_space<hbm>> -> memref<2048xf32, #tpu.memory_space<hbm>>
    tpu.wait_dma2 semaphore(%arg22 : memref<!tpu.dma_semaphore, #tpu.memory_space<semaphore_mem>>) src(%dma_wait3A_41 : memref<2048xf32, #tpu.memory_space<hbm>>) dst(%arg14 : memref<2048xf32, #tpu.memory_space<vmem>>)
    %dma_wait3A_42 = arith.constant 0 : i32
    %dma_wait3A_43 = tpu.memref_slice %arg5[%dma_wait3A_42] : memref<6426624xi32, #tpu.memory_space<hbm>> -> memref<2048xi32, #tpu.memory_space<hbm>>
    %dma_wait3A_44 = arith.constant 0 : i32
    %dma_wait3A_45 = tpu.memref_slice %arg5[%dma_wait3A_44] : memref<6426624xi32, #tpu.memory_space<hbm>> -> memref<2048xi32, #tpu.memory_space<hbm>>
    tpu.wait_dma2 semaphore(%arg21 : memref<!tpu.dma_semaphore, #tpu.memory_space<semaphore_mem>>) src(%dma_wait3A_45 : memref<2048xi32, #tpu.memory_space<hbm>>) dst(%arg11 : memref<2048xi32, #tpu.memory_space<vmem>>)
    %dma_wait3A_46 = arith.constant 0 : i32
    %dma_wait3A_47 = tpu.memref_slice %arg5[%dma_wait3A_46] : memref<6426624xi32, #tpu.memory_space<hbm>> -> memref<2048xi32, #tpu.memory_space<hbm>>
    %dma_wait3A_48 = arith.constant 0 : i32
    %dma_wait3A_49 = tpu.memref_slice %arg5[%dma_wait3A_48] : memref<6426624xi32, #tpu.memory_space<hbm>> -> memref<2048xi32, #tpu.memory_space<hbm>>
    tpu.wait_dma2 semaphore(%arg21 : memref<!tpu.dma_semaphore, #tpu.memory_space<semaphore_mem>>) src(%dma_wait3A_49 : memref<2048xi32, #tpu.memory_space<hbm>>) dst(%arg12 : memref<2048xi32, #tpu.memory_space<vmem>>)
    %barrier3A_50 = arith.constant 0 : index
    tpu.barrier barrier_id(%barrier3A_50)
    %mul3A_51 = arith.constant 6272 : i32
    %mul3A_52 = arith.muli %arg1, %mul3A_51 : i32
    %mul3A_53 = arith.constant 6272 : i32
    %mul3A_54 = arith.muli %arg1, %mul3A_53 : i32
    "tpu.region"() ({
      %run_scoped3A = tpu.sem_alloc : memref<!tpu.dma_semaphore, #tpu.memory_space<semaphore_mem>>
      %dma_start3A_59 = tpu.memref_slice %arg7[%arg0, %mul3A_54] : memref<2x100352xf32, #tpu.memory_space<hbm>> -> memref<1x6272xf32, #tpu.memory_space<hbm>>
      %dma_start3A_60 = tpu.memref_squeeze %dma_start3A_59 : memref<1x6272xf32, #tpu.memory_space<hbm>> -> memref<6272xf32, #tpu.memory_space<hbm>>
      %dma_start3A_61 = tpu.memref_slice %arg19[%mul3A_52] : memref<100352xf32, #tpu.memory_space<vmem_shared>> -> memref<6272xf32, #tpu.memory_space<vmem_shared>>
      tpu.enqueue_dma source(%dma_start3A_61 : memref<6272xf32, #tpu.memory_space<vmem_shared>>) target(%dma_start3A_60 : memref<6272xf32, #tpu.memory_space<hbm>>) target_semaphore(%run_scoped3A : memref<!tpu.dma_semaphore, #tpu.memory_space<semaphore_mem>>)
      %dma_wait3A_62 = tpu.memref_slice %arg7[%arg0, %mul3A_54] : memref<2x100352xf32, #tpu.memory_space<hbm>> -> memref<1x6272xf32, #tpu.memory_space<hbm>>
      %dma_wait3A_63 = tpu.memref_squeeze %dma_wait3A_62 : memref<1x6272xf32, #tpu.memory_space<hbm>> -> memref<6272xf32, #tpu.memory_space<hbm>>
      %dma_wait3A_64 = tpu.memref_slice %arg19[%mul3A_52] : memref<100352xf32, #tpu.memory_space<vmem_shared>> -> memref<6272xf32, #tpu.memory_space<vmem_shared>>
      tpu.wait_dma2 semaphore(%run_scoped3A : memref<!tpu.dma_semaphore, #tpu.memory_space<semaphore_mem>>) src(%dma_wait3A_64 : memref<6272xf32, #tpu.memory_space<vmem_shared>>) dst(%dma_wait3A_63 : memref<6272xf32, #tpu.memory_space<hbm>>)
      tpu.yield
    }) : () -> ()
    %mul3A_55 = arith.constant 6272 : i32
    %mul3A_56 = arith.muli %arg1, %mul3A_55 : i32
    %mul3A_57 = arith.constant 6272 : i32
    %mul3A_58 = arith.muli %arg1, %mul3A_57 : i32
    "tpu.region"() ({
      %run_scoped3A = tpu.sem_alloc : memref<!tpu.dma_semaphore, #tpu.memory_space<semaphore_mem>>
      %dma_start3A_59 = tpu.memref_slice %arg8[%arg0, %mul3A_58] : memref<2x100352xf32, #tpu.memory_space<hbm>> -> memref<1x6272xf32, #tpu.memory_space<hbm>>
      %dma_start3A_60 = tpu.memref_squeeze %dma_start3A_59 : memref<1x6272xf32, #tpu.memory_space<hbm>> -> memref<6272xf32, #tpu.memory_space<hbm>>
      %dma_start3A_61 = tpu.memref_slice %arg20[%mul3A_56] : memref<100352xf32, #tpu.memory_space<vmem_shared>> -> memref<6272xf32, #tpu.memory_space<vmem_shared>>
      tpu.enqueue_dma source(%dma_start3A_61 : memref<6272xf32, #tpu.memory_space<vmem_shared>>) target(%dma_start3A_60 : memref<6272xf32, #tpu.memory_space<hbm>>) target_semaphore(%run_scoped3A : memref<!tpu.dma_semaphore, #tpu.memory_space<semaphore_mem>>)
      %dma_wait3A_62 = tpu.memref_slice %arg8[%arg0, %mul3A_58] : memref<2x100352xf32, #tpu.memory_space<hbm>> -> memref<1x6272xf32, #tpu.memory_space<hbm>>
      %dma_wait3A_63 = tpu.memref_squeeze %dma_wait3A_62 : memref<1x6272xf32, #tpu.memory_space<hbm>> -> memref<6272xf32, #tpu.memory_space<hbm>>
      %dma_wait3A_64 = tpu.memref_slice %arg20[%mul3A_56] : memref<100352xf32, #tpu.memory_space<vmem_shared>> -> memref<6272xf32, #tpu.memory_space<vmem_shared>>
      tpu.wait_dma2 semaphore(%run_scoped3A : memref<!tpu.dma_semaphore, #tpu.memory_space<semaphore_mem>>) src(%dma_wait3A_64 : memref<6272xf32, #tpu.memory_space<vmem_shared>>) dst(%dma_wait3A_63 : memref<6272xf32, #tpu.memory_space<hbm>>)
      tpu.yield
    }) : () -> ()
    return
  }
}

#map = affine_map<(d0, d1) -> (0)>
#map1 = affine_map<(d0, d1) -> (0, 0)>
module attributes {stable_mosaic.version = 14 : i64} {
  func.func @body(%arg0: i32, %arg1: i32, %arg2: memref<100352xf32, #tpu.memory_space<hbm>>, %arg3: memref<100352xf32, #tpu.memory_space<hbm>>, %arg4: memref<100352xf32, #tpu.memory_space<hbm>>, %arg5: memref<100352xf32, #tpu.memory_space<hbm>>, %arg6: memref<6426624xi32, #tpu.memory_space<hbm>>, %arg7: memref<6426624xi32, #tpu.memory_space<hbm>>, %arg8: memref<2x100352xf32, #tpu.memory_space<hbm>>, %arg9: memref<2x100352xf32, #tpu.memory_space<hbm>>, %arg10: memref<2x100352xf32, #tpu.memory_space<hbm>>, %arg11: memref<2048xi32, #tpu.memory_space<vmem>>, %arg12: memref<2048xi32, #tpu.memory_space<vmem>>, %arg13: memref<2048xi32, #tpu.memory_space<vmem>>, %arg14: memref<2048xi32, #tpu.memory_space<vmem>>, %arg15: memref<2048xf32, #tpu.memory_space<vmem>>, %arg16: memref<2048xf32, #tpu.memory_space<vmem>>, %arg17: memref<2048xf32, #tpu.memory_space<vmem>>, %arg18: memref<2048xf32, #tpu.memory_space<vmem>>, %arg19: memref<2048xf32, #tpu.memory_space<vmem>>, %arg20: memref<2048xf32, #tpu.memory_space<vmem>>, %arg21: memref<100352xf32, #tpu.memory_space<vmem_shared>>, %arg22: memref<100352xf32, #tpu.memory_space<vmem_shared>>, %arg23: memref<100352xf32, #tpu.memory_space<vmem_shared>>, %arg24: memref<100352xf32, #tpu.memory_space<vmem_shared>>, %arg25: memref<100352xf32, #tpu.memory_space<vmem_shared>>, %arg26: memref<100352xf32, #tpu.memory_space<vmem_shared>>, %arg27: memref<!tpu.dma_semaphore, #tpu.memory_space<semaphore_mem>>, %arg28: memref<!tpu.dma_semaphore, #tpu.memory_space<semaphore_mem>>, %arg29: memref<!tpu.dma_semaphore, #tpu.memory_space<semaphore_mem>>) attributes {dimension_semantics = [#tpu.dimension_semantics<core_parallel>, #tpu.dimension_semantics<subcore_parallel>], iteration_bounds = array<i64: 2, 16>, scalar_prefetch = 0 : i64, scratch_operands = 19 : i64, tpu.core_type = #tpu.core_type<sc_vector_subcore>, window_params = [{transform_indices = #map}, {transform_indices = #map}, {transform_indices = #map}, {transform_indices = #map}, {transform_indices = #map}, {transform_indices = #map}, {transform_indices = #map1}, {transform_indices = #map1}, {transform_indices = #map1}]} {
    %mul3A = arith.constant 16 : i32
    %mul3A_0 = arith.muli %arg0, %mul3A : i32
    %add3A = arith.addi %mul3A_0, %arg1 : i32
    %mul3A_1 = arith.constant 200704 : i32
    %mul3A_2 = arith.muli %add3A, %mul3A_1 : i32
    %mul3A_3 = arith.constant 6272 : i32
    %mul3A_4 = arith.muli %arg1, %mul3A_3 : i32
    %mul3A_5 = arith.constant 6272 : i32
    %mul3A_6 = arith.muli %arg1, %mul3A_5 : i32
    "tpu.region"() ({
      %run_scoped3A = tpu.sem_alloc : memref<!tpu.dma_semaphore, #tpu.memory_space<semaphore_mem>>
      %dma_start3A_77 = tpu.memref_slice %arg21[%mul3A_6] : memref<100352xf32, #tpu.memory_space<vmem_shared>> -> memref<6272xf32, #tpu.memory_space<vmem_shared>>
      %dma_start3A_78 = tpu.memref_slice %arg2[%mul3A_4] : memref<100352xf32, #tpu.memory_space<hbm>> -> memref<6272xf32, #tpu.memory_space<hbm>>
      tpu.enqueue_dma source(%dma_start3A_78 : memref<6272xf32, #tpu.memory_space<hbm>>) target(%dma_start3A_77 : memref<6272xf32, #tpu.memory_space<vmem_shared>>) target_semaphore(%run_scoped3A : memref<!tpu.dma_semaphore, #tpu.memory_space<semaphore_mem>>)
      %dma_wait3A_79 = tpu.memref_slice %arg21[%mul3A_6] : memref<100352xf32, #tpu.memory_space<vmem_shared>> -> memref<6272xf32, #tpu.memory_space<vmem_shared>>
      %dma_wait3A_80 = tpu.memref_slice %arg2[%mul3A_4] : memref<100352xf32, #tpu.memory_space<hbm>> -> memref<6272xf32, #tpu.memory_space<hbm>>
      tpu.wait_dma2 semaphore(%run_scoped3A : memref<!tpu.dma_semaphore, #tpu.memory_space<semaphore_mem>>) src(%dma_wait3A_80 : memref<6272xf32, #tpu.memory_space<hbm>>) dst(%dma_wait3A_79 : memref<6272xf32, #tpu.memory_space<vmem_shared>>)
      tpu.yield
    }) : () -> ()
    %mul3A_7 = arith.constant 6272 : i32
    %mul3A_8 = arith.muli %arg1, %mul3A_7 : i32
    %mul3A_9 = arith.constant 6272 : i32
    %mul3A_10 = arith.muli %arg1, %mul3A_9 : i32
    "tpu.region"() ({
      %run_scoped3A = tpu.sem_alloc : memref<!tpu.dma_semaphore, #tpu.memory_space<semaphore_mem>>
      %dma_start3A_77 = tpu.memref_slice %arg24[%mul3A_10] : memref<100352xf32, #tpu.memory_space<vmem_shared>> -> memref<6272xf32, #tpu.memory_space<vmem_shared>>
      %dma_start3A_78 = tpu.memref_slice %arg5[%mul3A_8] : memref<100352xf32, #tpu.memory_space<hbm>> -> memref<6272xf32, #tpu.memory_space<hbm>>
      tpu.enqueue_dma source(%dma_start3A_78 : memref<6272xf32, #tpu.memory_space<hbm>>) target(%dma_start3A_77 : memref<6272xf32, #tpu.memory_space<vmem_shared>>) target_semaphore(%run_scoped3A : memref<!tpu.dma_semaphore, #tpu.memory_space<semaphore_mem>>)
      %dma_wait3A_79 = tpu.memref_slice %arg24[%mul3A_10] : memref<100352xf32, #tpu.memory_space<vmem_shared>> -> memref<6272xf32, #tpu.memory_space<vmem_shared>>
      %dma_wait3A_80 = tpu.memref_slice %arg5[%mul3A_8] : memref<100352xf32, #tpu.memory_space<hbm>> -> memref<6272xf32, #tpu.memory_space<hbm>>
      tpu.wait_dma2 semaphore(%run_scoped3A : memref<!tpu.dma_semaphore, #tpu.memory_space<semaphore_mem>>) src(%dma_wait3A_80 : memref<6272xf32, #tpu.memory_space<hbm>>) dst(%dma_wait3A_79 : memref<6272xf32, #tpu.memory_space<vmem_shared>>)
      tpu.yield
    }) : () -> ()
    %mul3A_11 = arith.constant 6272 : i32
    %mul3A_12 = arith.muli %arg1, %mul3A_11 : i32
    %mul3A_13 = arith.constant 6272 : i32
    %mul3A_14 = arith.muli %arg1, %mul3A_13 : i32
    "tpu.region"() ({
      %run_scoped3A = tpu.sem_alloc : memref<!tpu.dma_semaphore, #tpu.memory_space<semaphore_mem>>
      %dma_start3A_77 = tpu.memref_slice %arg22[%mul3A_14] : memref<100352xf32, #tpu.memory_space<vmem_shared>> -> memref<6272xf32, #tpu.memory_space<vmem_shared>>
      %dma_start3A_78 = tpu.memref_slice %arg3[%mul3A_12] : memref<100352xf32, #tpu.memory_space<hbm>> -> memref<6272xf32, #tpu.memory_space<hbm>>
      tpu.enqueue_dma source(%dma_start3A_78 : memref<6272xf32, #tpu.memory_space<hbm>>) target(%dma_start3A_77 : memref<6272xf32, #tpu.memory_space<vmem_shared>>) target_semaphore(%run_scoped3A : memref<!tpu.dma_semaphore, #tpu.memory_space<semaphore_mem>>)
      %dma_wait3A_79 = tpu.memref_slice %arg22[%mul3A_14] : memref<100352xf32, #tpu.memory_space<vmem_shared>> -> memref<6272xf32, #tpu.memory_space<vmem_shared>>
      %dma_wait3A_80 = tpu.memref_slice %arg3[%mul3A_12] : memref<100352xf32, #tpu.memory_space<hbm>> -> memref<6272xf32, #tpu.memory_space<hbm>>
      tpu.wait_dma2 semaphore(%run_scoped3A : memref<!tpu.dma_semaphore, #tpu.memory_space<semaphore_mem>>) src(%dma_wait3A_80 : memref<6272xf32, #tpu.memory_space<hbm>>) dst(%dma_wait3A_79 : memref<6272xf32, #tpu.memory_space<vmem_shared>>)
      tpu.yield
    }) : () -> ()
    %mul3A_15 = arith.constant 6272 : i32
    %mul3A_16 = arith.muli %arg1, %mul3A_15 : i32
    %mul3A_17 = arith.constant 6272 : i32
    %mul3A_18 = arith.muli %arg1, %mul3A_17 : i32
    "tpu.region"() ({
      %run_scoped3A = tpu.sem_alloc : memref<!tpu.dma_semaphore, #tpu.memory_space<semaphore_mem>>
      %dma_start3A_77 = tpu.memref_slice %arg25[%mul3A_18] : memref<100352xf32, #tpu.memory_space<vmem_shared>> -> memref<6272xf32, #tpu.memory_space<vmem_shared>>
      %dma_start3A_78 = tpu.memref_slice %arg5[%mul3A_16] : memref<100352xf32, #tpu.memory_space<hbm>> -> memref<6272xf32, #tpu.memory_space<hbm>>
      tpu.enqueue_dma source(%dma_start3A_78 : memref<6272xf32, #tpu.memory_space<hbm>>) target(%dma_start3A_77 : memref<6272xf32, #tpu.memory_space<vmem_shared>>) target_semaphore(%run_scoped3A : memref<!tpu.dma_semaphore, #tpu.memory_space<semaphore_mem>>)
      %dma_wait3A_79 = tpu.memref_slice %arg25[%mul3A_18] : memref<100352xf32, #tpu.memory_space<vmem_shared>> -> memref<6272xf32, #tpu.memory_space<vmem_shared>>
      %dma_wait3A_80 = tpu.memref_slice %arg5[%mul3A_16] : memref<100352xf32, #tpu.memory_space<hbm>> -> memref<6272xf32, #tpu.memory_space<hbm>>
      tpu.wait_dma2 semaphore(%run_scoped3A : memref<!tpu.dma_semaphore, #tpu.memory_space<semaphore_mem>>) src(%dma_wait3A_80 : memref<6272xf32, #tpu.memory_space<hbm>>) dst(%dma_wait3A_79 : memref<6272xf32, #tpu.memory_space<vmem_shared>>)
      tpu.yield
    }) : () -> ()
    %mul3A_19 = arith.constant 6272 : i32
    %mul3A_20 = arith.muli %arg1, %mul3A_19 : i32
    %mul3A_21 = arith.constant 6272 : i32
    %mul3A_22 = arith.muli %arg1, %mul3A_21 : i32
    "tpu.region"() ({
      %run_scoped3A = tpu.sem_alloc : memref<!tpu.dma_semaphore, #tpu.memory_space<semaphore_mem>>
      %dma_start3A_77 = tpu.memref_slice %arg23[%mul3A_22] : memref<100352xf32, #tpu.memory_space<vmem_shared>> -> memref<6272xf32, #tpu.memory_space<vmem_shared>>
      %dma_start3A_78 = tpu.memref_slice %arg4[%mul3A_20] : memref<100352xf32, #tpu.memory_space<hbm>> -> memref<6272xf32, #tpu.memory_space<hbm>>
      tpu.enqueue_dma source(%dma_start3A_78 : memref<6272xf32, #tpu.memory_space<hbm>>) target(%dma_start3A_77 : memref<6272xf32, #tpu.memory_space<vmem_shared>>) target_semaphore(%run_scoped3A : memref<!tpu.dma_semaphore, #tpu.memory_space<semaphore_mem>>)
      %dma_wait3A_79 = tpu.memref_slice %arg23[%mul3A_22] : memref<100352xf32, #tpu.memory_space<vmem_shared>> -> memref<6272xf32, #tpu.memory_space<vmem_shared>>
      %dma_wait3A_80 = tpu.memref_slice %arg4[%mul3A_20] : memref<100352xf32, #tpu.memory_space<hbm>> -> memref<6272xf32, #tpu.memory_space<hbm>>
      tpu.wait_dma2 semaphore(%run_scoped3A : memref<!tpu.dma_semaphore, #tpu.memory_space<semaphore_mem>>) src(%dma_wait3A_80 : memref<6272xf32, #tpu.memory_space<hbm>>) dst(%dma_wait3A_79 : memref<6272xf32, #tpu.memory_space<vmem_shared>>)
      tpu.yield
    }) : () -> ()
    %mul3A_23 = arith.constant 6272 : i32
    %mul3A_24 = arith.muli %arg1, %mul3A_23 : i32
    %mul3A_25 = arith.constant 6272 : i32
    %mul3A_26 = arith.muli %arg1, %mul3A_25 : i32
    "tpu.region"() ({
      %run_scoped3A = tpu.sem_alloc : memref<!tpu.dma_semaphore, #tpu.memory_space<semaphore_mem>>
      %dma_start3A_77 = tpu.memref_slice %arg26[%mul3A_26] : memref<100352xf32, #tpu.memory_space<vmem_shared>> -> memref<6272xf32, #tpu.memory_space<vmem_shared>>
      %dma_start3A_78 = tpu.memref_slice %arg5[%mul3A_24] : memref<100352xf32, #tpu.memory_space<hbm>> -> memref<6272xf32, #tpu.memory_space<hbm>>
      tpu.enqueue_dma source(%dma_start3A_78 : memref<6272xf32, #tpu.memory_space<hbm>>) target(%dma_start3A_77 : memref<6272xf32, #tpu.memory_space<vmem_shared>>) target_semaphore(%run_scoped3A : memref<!tpu.dma_semaphore, #tpu.memory_space<semaphore_mem>>)
      %dma_wait3A_79 = tpu.memref_slice %arg26[%mul3A_26] : memref<100352xf32, #tpu.memory_space<vmem_shared>> -> memref<6272xf32, #tpu.memory_space<vmem_shared>>
      %dma_wait3A_80 = tpu.memref_slice %arg5[%mul3A_24] : memref<100352xf32, #tpu.memory_space<hbm>> -> memref<6272xf32, #tpu.memory_space<hbm>>
      tpu.wait_dma2 semaphore(%run_scoped3A : memref<!tpu.dma_semaphore, #tpu.memory_space<semaphore_mem>>) src(%dma_wait3A_80 : memref<6272xf32, #tpu.memory_space<hbm>>) dst(%dma_wait3A_79 : memref<6272xf32, #tpu.memory_space<vmem_shared>>)
      tpu.yield
    }) : () -> ()
    %barrier3A = arith.constant 0 : index
    tpu.barrier barrier_id(%barrier3A)
    "tpu.region"() ({
      %run_scoped3A = tpu.sem_alloc : memref<!tpu.dma_semaphore, #tpu.memory_space<semaphore_mem>>
      %dma_start3A_77 = tpu.memref_slice %arg6[%mul3A_2] : memref<6426624xi32, #tpu.memory_space<hbm>> -> memref<2048xi32, #tpu.memory_space<hbm>>
      %dma_start3A_78 = tpu.memref_slice %arg6[%mul3A_2] : memref<6426624xi32, #tpu.memory_space<hbm>> -> memref<2048xi32, #tpu.memory_space<hbm>>
      tpu.enqueue_dma source(%dma_start3A_78 : memref<2048xi32, #tpu.memory_space<hbm>>) target(%arg11 : memref<2048xi32, #tpu.memory_space<vmem>>) target_semaphore(%run_scoped3A : memref<!tpu.dma_semaphore, #tpu.memory_space<semaphore_mem>>)
      %dma_wait3A_79 = tpu.memref_slice %arg6[%mul3A_2] : memref<6426624xi32, #tpu.memory_space<hbm>> -> memref<2048xi32, #tpu.memory_space<hbm>>
      %dma_wait3A_80 = tpu.memref_slice %arg6[%mul3A_2] : memref<6426624xi32, #tpu.memory_space<hbm>> -> memref<2048xi32, #tpu.memory_space<hbm>>
      tpu.wait_dma2 semaphore(%run_scoped3A : memref<!tpu.dma_semaphore, #tpu.memory_space<semaphore_mem>>) src(%dma_wait3A_80 : memref<2048xi32, #tpu.memory_space<hbm>>) dst(%arg11 : memref<2048xi32, #tpu.memory_space<vmem>>)
      tpu.yield
    }) : () -> ()
    "tpu.region"() ({
      %run_scoped3A = tpu.sem_alloc : memref<!tpu.dma_semaphore, #tpu.memory_space<semaphore_mem>>
      %dma_start3A_77 = tpu.memref_slice %arg7[%mul3A_2] : memref<6426624xi32, #tpu.memory_space<hbm>> -> memref<2048xi32, #tpu.memory_space<hbm>>
      %dma_start3A_78 = tpu.memref_slice %arg7[%mul3A_2] : memref<6426624xi32, #tpu.memory_space<hbm>> -> memref<2048xi32, #tpu.memory_space<hbm>>
      tpu.enqueue_dma source(%dma_start3A_78 : memref<2048xi32, #tpu.memory_space<hbm>>) target(%arg12 : memref<2048xi32, #tpu.memory_space<vmem>>) target_semaphore(%run_scoped3A : memref<!tpu.dma_semaphore, #tpu.memory_space<semaphore_mem>>)
      %dma_wait3A_79 = tpu.memref_slice %arg7[%mul3A_2] : memref<6426624xi32, #tpu.memory_space<hbm>> -> memref<2048xi32, #tpu.memory_space<hbm>>
      %dma_wait3A_80 = tpu.memref_slice %arg7[%mul3A_2] : memref<6426624xi32, #tpu.memory_space<hbm>> -> memref<2048xi32, #tpu.memory_space<hbm>>
      tpu.wait_dma2 semaphore(%run_scoped3A : memref<!tpu.dma_semaphore, #tpu.memory_space<semaphore_mem>>) src(%dma_wait3A_80 : memref<2048xi32, #tpu.memory_space<hbm>>) dst(%arg12 : memref<2048xi32, #tpu.memory_space<vmem>>)
      tpu.yield
    }) : () -> ()
    %dma_start3A = arith.constant 0 : i32
    %dma_start3A_27 = tpu.memref_slice %arg21[%dma_start3A] : memref<100352xf32, #tpu.memory_space<vmem_shared>> -> memref<100352xf32, #tpu.memory_space<vmem_shared>>
    tpu.enqueue_indirect_dma source(%dma_start3A_27 : memref<100352xf32, #tpu.memory_space<vmem_shared>>) target(%arg15 : memref<2048xf32, #tpu.memory_space<vmem>>) offsets(%arg11 : memref<2048xi32, #tpu.memory_space<vmem>>) semaphore(%arg28 : memref<!tpu.dma_semaphore, #tpu.memory_space<semaphore_mem>>)
    %dma_start3A_28 = arith.constant 0 : i32
    %dma_start3A_29 = tpu.memref_slice %arg22[%dma_start3A_28] : memref<100352xf32, #tpu.memory_space<vmem_shared>> -> memref<100352xf32, #tpu.memory_space<vmem_shared>>
    tpu.enqueue_indirect_dma source(%dma_start3A_29 : memref<100352xf32, #tpu.memory_space<vmem_shared>>) target(%arg16 : memref<2048xf32, #tpu.memory_space<vmem>>) offsets(%arg11 : memref<2048xi32, #tpu.memory_space<vmem>>) semaphore(%arg28 : memref<!tpu.dma_semaphore, #tpu.memory_space<semaphore_mem>>)
    %dma_start3A_30 = arith.constant 0 : i32
    %dma_start3A_31 = tpu.memref_slice %arg23[%dma_start3A_30] : memref<100352xf32, #tpu.memory_space<vmem_shared>> -> memref<100352xf32, #tpu.memory_space<vmem_shared>>
    tpu.enqueue_indirect_dma source(%dma_start3A_31 : memref<100352xf32, #tpu.memory_space<vmem_shared>>) target(%arg17 : memref<2048xf32, #tpu.memory_space<vmem>>) offsets(%arg11 : memref<2048xi32, #tpu.memory_space<vmem>>) semaphore(%arg28 : memref<!tpu.dma_semaphore, #tpu.memory_space<semaphore_mem>>)
    %add3A_32 = arith.constant 2048 : i32
    %add3A_33 = arith.addi %mul3A_2, %add3A_32 : i32
    %dma_start3A_34 = tpu.memref_slice %arg6[%add3A_33] : memref<6426624xi32, #tpu.memory_space<hbm>> -> memref<2048xi32, #tpu.memory_space<hbm>>
    %dma_start3A_35 = tpu.memref_slice %arg6[%add3A_33] : memref<6426624xi32, #tpu.memory_space<hbm>> -> memref<2048xi32, #tpu.memory_space<hbm>>
    tpu.enqueue_dma source(%dma_start3A_35 : memref<2048xi32, #tpu.memory_space<hbm>>) target(%arg13 : memref<2048xi32, #tpu.memory_space<vmem>>) target_semaphore(%arg27 : memref<!tpu.dma_semaphore, #tpu.memory_space<semaphore_mem>>)
    %add3A_36 = arith.constant 2048 : i32
    %add3A_37 = arith.addi %mul3A_2, %add3A_36 : i32
    %dma_start3A_38 = tpu.memref_slice %arg7[%add3A_37] : memref<6426624xi32, #tpu.memory_space<hbm>> -> memref<2048xi32, #tpu.memory_space<hbm>>
    %dma_start3A_39 = tpu.memref_slice %arg7[%add3A_37] : memref<6426624xi32, #tpu.memory_space<hbm>> -> memref<2048xi32, #tpu.memory_space<hbm>>
    tpu.enqueue_dma source(%dma_start3A_39 : memref<2048xi32, #tpu.memory_space<hbm>>) target(%arg14 : memref<2048xi32, #tpu.memory_space<vmem>>) target_semaphore(%arg27 : memref<!tpu.dma_semaphore, #tpu.memory_space<semaphore_mem>>)
    %scan3A = arith.constant 0 : i32
    %scan3A_40 = arith.constant 0 : i32
    %scan3A_41 = arith.constant 49 : i32
    %scan3A_42 = arith.addi %scan3A_40, %scan3A_41 : i32
    %scan3A_43 = arith.constant 1 : i32
    scf.for %scan3A_77 = %scan3A_40 to %scan3A_42 step %scan3A_43  : i32 {
      %mul3A_78 = arith.constant 2 : i32
      %mul3A_79 = arith.muli %mul3A_78, %scan3A_77 : i32
      %mul3A_80 = arith.constant 2048 : i32
      %mul3A_81 = arith.muli %mul3A_79, %mul3A_80 : i32
      %add3A_82 = arith.addi %mul3A_2, %mul3A_81 : i32
      %dma_wait3A_83 = arith.constant 0 : i32
      %dma_wait3A_84 = tpu.memref_slice %arg5[%dma_wait3A_83] : memref<100352xf32, #tpu.memory_space<hbm>> -> memref<2048xf32, #tpu.memory_space<hbm>>
      %dma_wait3A_85 = arith.constant 0 : i32
      %dma_wait3A_86 = tpu.memref_slice %arg5[%dma_wait3A_85] : memref<100352xf32, #tpu.memory_space<hbm>> -> memref<2048xf32, #tpu.memory_space<hbm>>
      tpu.wait_dma2 semaphore(%arg28 : memref<!tpu.dma_semaphore, #tpu.memory_space<semaphore_mem>>) src(%dma_wait3A_86 : memref<2048xf32, #tpu.memory_space<hbm>>) dst(%arg15 : memref<2048xf32, #tpu.memory_space<vmem>>)
      %dma_wait3A_87 = arith.constant 0 : i32
      %dma_wait3A_88 = tpu.memref_slice %arg5[%dma_wait3A_87] : memref<100352xf32, #tpu.memory_space<hbm>> -> memref<2048xf32, #tpu.memory_space<hbm>>
      %dma_wait3A_89 = arith.constant 0 : i32
      %dma_wait3A_90 = tpu.memref_slice %arg5[%dma_wait3A_89] : memref<100352xf32, #tpu.memory_space<hbm>> -> memref<2048xf32, #tpu.memory_space<hbm>>
      tpu.wait_dma2 semaphore(%arg28 : memref<!tpu.dma_semaphore, #tpu.memory_space<semaphore_mem>>) src(%dma_wait3A_90 : memref<2048xf32, #tpu.memory_space<hbm>>) dst(%arg16 : memref<2048xf32, #tpu.memory_space<vmem>>)
      %dma_wait3A_91 = arith.constant 0 : i32
      %dma_wait3A_92 = tpu.memref_slice %arg5[%dma_wait3A_91] : memref<100352xf32, #tpu.memory_space<hbm>> -> memref<2048xf32, #tpu.memory_space<hbm>>
      %dma_wait3A_93 = arith.constant 0 : i32
      %dma_wait3A_94 = tpu.memref_slice %arg5[%dma_wait3A_93] : memref<100352xf32, #tpu.memory_space<hbm>> -> memref<2048xf32, #tpu.memory_space<hbm>>
      tpu.wait_dma2 semaphore(%arg28 : memref<!tpu.dma_semaphore, #tpu.memory_space<semaphore_mem>>) src(%dma_wait3A_94 : memref<2048xf32, #tpu.memory_space<hbm>>) dst(%arg17 : memref<2048xf32, #tpu.memory_space<vmem>>)
      %dma_start3A_95 = arith.constant 0 : i32
      %dma_start3A_96 = tpu.memref_slice %arg24[%dma_start3A_95] : memref<100352xf32, #tpu.memory_space<vmem_shared>> -> memref<100352xf32, #tpu.memory_space<vmem_shared>>
      tpu.enqueue_indirect_dma source(%arg15 : memref<2048xf32, #tpu.memory_space<vmem>>) target(%dma_start3A_96 : memref<100352xf32, #tpu.memory_space<vmem_shared>>) offsets(%arg12 : memref<2048xi32, #tpu.memory_space<vmem>>) semaphore(%arg29 : memref<!tpu.dma_semaphore, #tpu.memory_space<semaphore_mem>>) {add = true}
      %dma_start3A_97 = arith.constant 0 : i32
      %dma_start3A_98 = tpu.memref_slice %arg25[%dma_start3A_97] : memref<100352xf32, #tpu.memory_space<vmem_shared>> -> memref<100352xf32, #tpu.memory_space<vmem_shared>>
      tpu.enqueue_indirect_dma source(%arg16 : memref<2048xf32, #tpu.memory_space<vmem>>) target(%dma_start3A_98 : memref<100352xf32, #tpu.memory_space<vmem_shared>>) offsets(%arg12 : memref<2048xi32, #tpu.memory_space<vmem>>) semaphore(%arg29 : memref<!tpu.dma_semaphore, #tpu.memory_space<semaphore_mem>>) {add = true}
      %dma_start3A_99 = arith.constant 0 : i32
      %dma_start3A_100 = tpu.memref_slice %arg26[%dma_start3A_99] : memref<100352xf32, #tpu.memory_space<vmem_shared>> -> memref<100352xf32, #tpu.memory_space<vmem_shared>>
      tpu.enqueue_indirect_dma source(%arg17 : memref<2048xf32, #tpu.memory_space<vmem>>) target(%dma_start3A_100 : memref<100352xf32, #tpu.memory_space<vmem_shared>>) offsets(%arg12 : memref<2048xi32, #tpu.memory_space<vmem>>) semaphore(%arg29 : memref<!tpu.dma_semaphore, #tpu.memory_space<semaphore_mem>>) {add = true}
      %dma_wait3A_101 = arith.constant 0 : i32
      %dma_wait3A_102 = tpu.memref_slice %arg6[%dma_wait3A_101] : memref<6426624xi32, #tpu.memory_space<hbm>> -> memref<2048xi32, #tpu.memory_space<hbm>>
      %dma_wait3A_103 = arith.constant 0 : i32
      %dma_wait3A_104 = tpu.memref_slice %arg6[%dma_wait3A_103] : memref<6426624xi32, #tpu.memory_space<hbm>> -> memref<2048xi32, #tpu.memory_space<hbm>>
      tpu.wait_dma2 semaphore(%arg27 : memref<!tpu.dma_semaphore, #tpu.memory_space<semaphore_mem>>) src(%dma_wait3A_104 : memref<2048xi32, #tpu.memory_space<hbm>>) dst(%arg13 : memref<2048xi32, #tpu.memory_space<vmem>>)
      %dma_wait3A_105 = arith.constant 0 : i32
      %dma_wait3A_106 = tpu.memref_slice %arg6[%dma_wait3A_105] : memref<6426624xi32, #tpu.memory_space<hbm>> -> memref<2048xi32, #tpu.memory_space<hbm>>
      %dma_wait3A_107 = arith.constant 0 : i32
      %dma_wait3A_108 = tpu.memref_slice %arg6[%dma_wait3A_107] : memref<6426624xi32, #tpu.memory_space<hbm>> -> memref<2048xi32, #tpu.memory_space<hbm>>
      tpu.wait_dma2 semaphore(%arg27 : memref<!tpu.dma_semaphore, #tpu.memory_space<semaphore_mem>>) src(%dma_wait3A_108 : memref<2048xi32, #tpu.memory_space<hbm>>) dst(%arg14 : memref<2048xi32, #tpu.memory_space<vmem>>)
      %dma_start3A_109 = arith.constant 0 : i32
      %dma_start3A_110 = tpu.memref_slice %arg21[%dma_start3A_109] : memref<100352xf32, #tpu.memory_space<vmem_shared>> -> memref<100352xf32, #tpu.memory_space<vmem_shared>>
      tpu.enqueue_indirect_dma source(%dma_start3A_110 : memref<100352xf32, #tpu.memory_space<vmem_shared>>) target(%arg18 : memref<2048xf32, #tpu.memory_space<vmem>>) offsets(%arg13 : memref<2048xi32, #tpu.memory_space<vmem>>) semaphore(%arg28 : memref<!tpu.dma_semaphore, #tpu.memory_space<semaphore_mem>>)
      %dma_start3A_111 = arith.constant 0 : i32
      %dma_start3A_112 = tpu.memref_slice %arg22[%dma_start3A_111] : memref<100352xf32, #tpu.memory_space<vmem_shared>> -> memref<100352xf32, #tpu.memory_space<vmem_shared>>
      tpu.enqueue_indirect_dma source(%dma_start3A_112 : memref<100352xf32, #tpu.memory_space<vmem_shared>>) target(%arg19 : memref<2048xf32, #tpu.memory_space<vmem>>) offsets(%arg13 : memref<2048xi32, #tpu.memory_space<vmem>>) semaphore(%arg28 : memref<!tpu.dma_semaphore, #tpu.memory_space<semaphore_mem>>)
      %dma_start3A_113 = arith.constant 0 : i32
      %dma_start3A_114 = tpu.memref_slice %arg23[%dma_start3A_113] : memref<100352xf32, #tpu.memory_space<vmem_shared>> -> memref<100352xf32, #tpu.memory_space<vmem_shared>>
      tpu.enqueue_indirect_dma source(%dma_start3A_114 : memref<100352xf32, #tpu.memory_space<vmem_shared>>) target(%arg20 : memref<2048xf32, #tpu.memory_space<vmem>>) offsets(%arg13 : memref<2048xi32, #tpu.memory_space<vmem>>) semaphore(%arg28 : memref<!tpu.dma_semaphore, #tpu.memory_space<semaphore_mem>>)
      %dma_wait3A_115 = arith.constant 0 : i32
      %dma_wait3A_116 = tpu.memref_slice %arg24[%dma_wait3A_115] : memref<100352xf32, #tpu.memory_space<vmem_shared>> -> memref<100352xf32, #tpu.memory_space<vmem_shared>>
      tpu.wait_indirect_dma semaphore(%arg29 : memref<!tpu.dma_semaphore, #tpu.memory_space<semaphore_mem>>) src(%arg15 : memref<2048xf32, #tpu.memory_space<vmem>>) dst(%dma_wait3A_116 : memref<100352xf32, #tpu.memory_space<vmem_shared>>)
      %dma_wait3A_117 = arith.constant 0 : i32
      %dma_wait3A_118 = tpu.memref_slice %arg25[%dma_wait3A_117] : memref<100352xf32, #tpu.memory_space<vmem_shared>> -> memref<100352xf32, #tpu.memory_space<vmem_shared>>
      tpu.wait_indirect_dma semaphore(%arg29 : memref<!tpu.dma_semaphore, #tpu.memory_space<semaphore_mem>>) src(%arg16 : memref<2048xf32, #tpu.memory_space<vmem>>) dst(%dma_wait3A_118 : memref<100352xf32, #tpu.memory_space<vmem_shared>>)
      %dma_wait3A_119 = arith.constant 0 : i32
      %dma_wait3A_120 = tpu.memref_slice %arg26[%dma_wait3A_119] : memref<100352xf32, #tpu.memory_space<vmem_shared>> -> memref<100352xf32, #tpu.memory_space<vmem_shared>>
      tpu.wait_indirect_dma semaphore(%arg29 : memref<!tpu.dma_semaphore, #tpu.memory_space<semaphore_mem>>) src(%arg17 : memref<2048xf32, #tpu.memory_space<vmem>>) dst(%dma_wait3A_120 : memref<100352xf32, #tpu.memory_space<vmem_shared>>)
      %add3A_121 = arith.constant 4096 : i32
      %add3A_122 = arith.addi %add3A_82, %add3A_121 : i32
      %dma_start3A_123 = tpu.memref_slice %arg6[%add3A_122] : memref<6426624xi32, #tpu.memory_space<hbm>> -> memref<2048xi32, #tpu.memory_space<hbm>>
      %dma_start3A_124 = tpu.memref_slice %arg6[%add3A_122] : memref<6426624xi32, #tpu.memory_space<hbm>> -> memref<2048xi32, #tpu.memory_space<hbm>>
      tpu.enqueue_dma source(%dma_start3A_124 : memref<2048xi32, #tpu.memory_space<hbm>>) target(%arg11 : memref<2048xi32, #tpu.memory_space<vmem>>) target_semaphore(%arg27 : memref<!tpu.dma_semaphore, #tpu.memory_space<semaphore_mem>>)
      %add3A_125 = arith.constant 4096 : i32
      %add3A_126 = arith.addi %add3A_82, %add3A_125 : i32
      %dma_start3A_127 = tpu.memref_slice %arg7[%add3A_126] : memref<6426624xi32, #tpu.memory_space<hbm>> -> memref<2048xi32, #tpu.memory_space<hbm>>
      %dma_start3A_128 = tpu.memref_slice %arg7[%add3A_126] : memref<6426624xi32, #tpu.memory_space<hbm>> -> memref<2048xi32, #tpu.memory_space<hbm>>
      tpu.enqueue_dma source(%dma_start3A_128 : memref<2048xi32, #tpu.memory_space<hbm>>) target(%arg12 : memref<2048xi32, #tpu.memory_space<vmem>>) target_semaphore(%arg27 : memref<!tpu.dma_semaphore, #tpu.memory_space<semaphore_mem>>)
      %dma_wait3A_129 = arith.constant 0 : i32
      %dma_wait3A_130 = tpu.memref_slice %arg21[%dma_wait3A_129] : memref<100352xf32, #tpu.memory_space<vmem_shared>> -> memref<100352xf32, #tpu.memory_space<vmem_shared>>
      tpu.wait_indirect_dma semaphore(%arg28 : memref<!tpu.dma_semaphore, #tpu.memory_space<semaphore_mem>>) src(%dma_wait3A_130 : memref<100352xf32, #tpu.memory_space<vmem_shared>>) dst(%arg18 : memref<2048xf32, #tpu.memory_space<vmem>>)
      %dma_wait3A_131 = arith.constant 0 : i32
      %dma_wait3A_132 = tpu.memref_slice %arg22[%dma_wait3A_131] : memref<100352xf32, #tpu.memory_space<vmem_shared>> -> memref<100352xf32, #tpu.memory_space<vmem_shared>>
      tpu.wait_indirect_dma semaphore(%arg28 : memref<!tpu.dma_semaphore, #tpu.memory_space<semaphore_mem>>) src(%dma_wait3A_132 : memref<100352xf32, #tpu.memory_space<vmem_shared>>) dst(%arg19 : memref<2048xf32, #tpu.memory_space<vmem>>)
      %dma_wait3A_133 = arith.constant 0 : i32
      %dma_wait3A_134 = tpu.memref_slice %arg23[%dma_wait3A_133] : memref<100352xf32, #tpu.memory_space<vmem_shared>> -> memref<100352xf32, #tpu.memory_space<vmem_shared>>
      tpu.wait_indirect_dma semaphore(%arg28 : memref<!tpu.dma_semaphore, #tpu.memory_space<semaphore_mem>>) src(%dma_wait3A_134 : memref<100352xf32, #tpu.memory_space<vmem_shared>>) dst(%arg20 : memref<2048xf32, #tpu.memory_space<vmem>>)
      %dma_start3A_135 = arith.constant 0 : i32
      %dma_start3A_136 = tpu.memref_slice %arg24[%dma_start3A_135] : memref<100352xf32, #tpu.memory_space<vmem_shared>> -> memref<100352xf32, #tpu.memory_space<vmem_shared>>
      tpu.enqueue_indirect_dma source(%arg18 : memref<2048xf32, #tpu.memory_space<vmem>>) target(%dma_start3A_136 : memref<100352xf32, #tpu.memory_space<vmem_shared>>) offsets(%arg14 : memref<2048xi32, #tpu.memory_space<vmem>>) semaphore(%arg29 : memref<!tpu.dma_semaphore, #tpu.memory_space<semaphore_mem>>) {add = true}
      %dma_start3A_137 = arith.constant 0 : i32
      %dma_start3A_138 = tpu.memref_slice %arg25[%dma_start3A_137] : memref<100352xf32, #tpu.memory_space<vmem_shared>> -> memref<100352xf32, #tpu.memory_space<vmem_shared>>
      tpu.enqueue_indirect_dma source(%arg19 : memref<2048xf32, #tpu.memory_space<vmem>>) target(%dma_start3A_138 : memref<100352xf32, #tpu.memory_space<vmem_shared>>) offsets(%arg14 : memref<2048xi32, #tpu.memory_space<vmem>>) semaphore(%arg29 : memref<!tpu.dma_semaphore, #tpu.memory_space<semaphore_mem>>) {add = true}
      %dma_start3A_139 = arith.constant 0 : i32
      %dma_start3A_140 = tpu.memref_slice %arg26[%dma_start3A_139] : memref<100352xf32, #tpu.memory_space<vmem_shared>> -> memref<100352xf32, #tpu.memory_space<vmem_shared>>
      tpu.enqueue_indirect_dma source(%arg20 : memref<2048xf32, #tpu.memory_space<vmem>>) target(%dma_start3A_140 : memref<100352xf32, #tpu.memory_space<vmem_shared>>) offsets(%arg14 : memref<2048xi32, #tpu.memory_space<vmem>>) semaphore(%arg29 : memref<!tpu.dma_semaphore, #tpu.memory_space<semaphore_mem>>) {add = true}
      %dma_wait3A_141 = arith.constant 0 : i32
      %dma_wait3A_142 = tpu.memref_slice %arg6[%dma_wait3A_141] : memref<6426624xi32, #tpu.memory_space<hbm>> -> memref<2048xi32, #tpu.memory_space<hbm>>
      %dma_wait3A_143 = arith.constant 0 : i32
      %dma_wait3A_144 = tpu.memref_slice %arg6[%dma_wait3A_143] : memref<6426624xi32, #tpu.memory_space<hbm>> -> memref<2048xi32, #tpu.memory_space<hbm>>
      tpu.wait_dma2 semaphore(%arg27 : memref<!tpu.dma_semaphore, #tpu.memory_space<semaphore_mem>>) src(%dma_wait3A_144 : memref<2048xi32, #tpu.memory_space<hbm>>) dst(%arg11 : memref<2048xi32, #tpu.memory_space<vmem>>)
      %dma_wait3A_145 = arith.constant 0 : i32
      %dma_wait3A_146 = tpu.memref_slice %arg6[%dma_wait3A_145] : memref<6426624xi32, #tpu.memory_space<hbm>> -> memref<2048xi32, #tpu.memory_space<hbm>>
      %dma_wait3A_147 = arith.constant 0 : i32
      %dma_wait3A_148 = tpu.memref_slice %arg6[%dma_wait3A_147] : memref<6426624xi32, #tpu.memory_space<hbm>> -> memref<2048xi32, #tpu.memory_space<hbm>>
      tpu.wait_dma2 semaphore(%arg27 : memref<!tpu.dma_semaphore, #tpu.memory_space<semaphore_mem>>) src(%dma_wait3A_148 : memref<2048xi32, #tpu.memory_space<hbm>>) dst(%arg12 : memref<2048xi32, #tpu.memory_space<vmem>>)
      %dma_start3A_149 = arith.constant 0 : i32
      %dma_start3A_150 = tpu.memref_slice %arg21[%dma_start3A_149] : memref<100352xf32, #tpu.memory_space<vmem_shared>> -> memref<100352xf32, #tpu.memory_space<vmem_shared>>
      tpu.enqueue_indirect_dma source(%dma_start3A_150 : memref<100352xf32, #tpu.memory_space<vmem_shared>>) target(%arg15 : memref<2048xf32, #tpu.memory_space<vmem>>) offsets(%arg11 : memref<2048xi32, #tpu.memory_space<vmem>>) semaphore(%arg28 : memref<!tpu.dma_semaphore, #tpu.memory_space<semaphore_mem>>)
      %dma_start3A_151 = arith.constant 0 : i32
      %dma_start3A_152 = tpu.memref_slice %arg22[%dma_start3A_151] : memref<100352xf32, #tpu.memory_space<vmem_shared>> -> memref<100352xf32, #tpu.memory_space<vmem_shared>>
      tpu.enqueue_indirect_dma source(%dma_start3A_152 : memref<100352xf32, #tpu.memory_space<vmem_shared>>) target(%arg16 : memref<2048xf32, #tpu.memory_space<vmem>>) offsets(%arg11 : memref<2048xi32, #tpu.memory_space<vmem>>) semaphore(%arg28 : memref<!tpu.dma_semaphore, #tpu.memory_space<semaphore_mem>>)
      %dma_start3A_153 = arith.constant 0 : i32
      %dma_start3A_154 = tpu.memref_slice %arg23[%dma_start3A_153] : memref<100352xf32, #tpu.memory_space<vmem_shared>> -> memref<100352xf32, #tpu.memory_space<vmem_shared>>
      tpu.enqueue_indirect_dma source(%dma_start3A_154 : memref<100352xf32, #tpu.memory_space<vmem_shared>>) target(%arg17 : memref<2048xf32, #tpu.memory_space<vmem>>) offsets(%arg11 : memref<2048xi32, #tpu.memory_space<vmem>>) semaphore(%arg28 : memref<!tpu.dma_semaphore, #tpu.memory_space<semaphore_mem>>)
      %dma_wait3A_155 = arith.constant 0 : i32
      %dma_wait3A_156 = tpu.memref_slice %arg24[%dma_wait3A_155] : memref<100352xf32, #tpu.memory_space<vmem_shared>> -> memref<100352xf32, #tpu.memory_space<vmem_shared>>
      tpu.wait_indirect_dma semaphore(%arg29 : memref<!tpu.dma_semaphore, #tpu.memory_space<semaphore_mem>>) src(%arg18 : memref<2048xf32, #tpu.memory_space<vmem>>) dst(%dma_wait3A_156 : memref<100352xf32, #tpu.memory_space<vmem_shared>>)
      %dma_wait3A_157 = arith.constant 0 : i32
      %dma_wait3A_158 = tpu.memref_slice %arg25[%dma_wait3A_157] : memref<100352xf32, #tpu.memory_space<vmem_shared>> -> memref<100352xf32, #tpu.memory_space<vmem_shared>>
      tpu.wait_indirect_dma semaphore(%arg29 : memref<!tpu.dma_semaphore, #tpu.memory_space<semaphore_mem>>) src(%arg19 : memref<2048xf32, #tpu.memory_space<vmem>>) dst(%dma_wait3A_158 : memref<100352xf32, #tpu.memory_space<vmem_shared>>)
      %dma_wait3A_159 = arith.constant 0 : i32
      %dma_wait3A_160 = tpu.memref_slice %arg26[%dma_wait3A_159] : memref<100352xf32, #tpu.memory_space<vmem_shared>> -> memref<100352xf32, #tpu.memory_space<vmem_shared>>
      tpu.wait_indirect_dma semaphore(%arg29 : memref<!tpu.dma_semaphore, #tpu.memory_space<semaphore_mem>>) src(%arg20 : memref<2048xf32, #tpu.memory_space<vmem>>) dst(%dma_wait3A_160 : memref<100352xf32, #tpu.memory_space<vmem_shared>>)
      %add3A_161 = arith.constant 6144 : i32
      %add3A_162 = arith.addi %add3A_82, %add3A_161 : i32
      %dma_start3A_163 = tpu.memref_slice %arg6[%add3A_162] : memref<6426624xi32, #tpu.memory_space<hbm>> -> memref<2048xi32, #tpu.memory_space<hbm>>
      %dma_start3A_164 = tpu.memref_slice %arg6[%add3A_162] : memref<6426624xi32, #tpu.memory_space<hbm>> -> memref<2048xi32, #tpu.memory_space<hbm>>
      tpu.enqueue_dma source(%dma_start3A_164 : memref<2048xi32, #tpu.memory_space<hbm>>) target(%arg13 : memref<2048xi32, #tpu.memory_space<vmem>>) target_semaphore(%arg27 : memref<!tpu.dma_semaphore, #tpu.memory_space<semaphore_mem>>)
      %add3A_165 = arith.constant 6144 : i32
      %add3A_166 = arith.addi %add3A_82, %add3A_165 : i32
      %dma_start3A_167 = tpu.memref_slice %arg7[%add3A_166] : memref<6426624xi32, #tpu.memory_space<hbm>> -> memref<2048xi32, #tpu.memory_space<hbm>>
      %dma_start3A_168 = tpu.memref_slice %arg7[%add3A_166] : memref<6426624xi32, #tpu.memory_space<hbm>> -> memref<2048xi32, #tpu.memory_space<hbm>>
      tpu.enqueue_dma source(%dma_start3A_168 : memref<2048xi32, #tpu.memory_space<hbm>>) target(%arg14 : memref<2048xi32, #tpu.memory_space<vmem>>) target_semaphore(%arg27 : memref<!tpu.dma_semaphore, #tpu.memory_space<semaphore_mem>>)
    }
    %scan3A_44 = arith.constant 49 : i32
    %dma_wait3A = arith.constant 0 : i32
    %dma_wait3A_45 = tpu.memref_slice %arg5[%dma_wait3A] : memref<100352xf32, #tpu.memory_space<hbm>> -> memref<2048xf32, #tpu.memory_space<hbm>>
    %dma_wait3A_46 = arith.constant 0 : i32
    %dma_wait3A_47 = tpu.memref_slice %arg5[%dma_wait3A_46] : memref<100352xf32, #tpu.memory_space<hbm>> -> memref<2048xf32, #tpu.memory_space<hbm>>
    tpu.wait_dma2 semaphore(%arg28 : memref<!tpu.dma_semaphore, #tpu.memory_space<semaphore_mem>>) src(%dma_wait3A_47 : memref<2048xf32, #tpu.memory_space<hbm>>) dst(%arg15 : memref<2048xf32, #tpu.memory_space<vmem>>)
    %dma_wait3A_48 = arith.constant 0 : i32
    %dma_wait3A_49 = tpu.memref_slice %arg5[%dma_wait3A_48] : memref<100352xf32, #tpu.memory_space<hbm>> -> memref<2048xf32, #tpu.memory_space<hbm>>
    %dma_wait3A_50 = arith.constant 0 : i32
    %dma_wait3A_51 = tpu.memref_slice %arg5[%dma_wait3A_50] : memref<100352xf32, #tpu.memory_space<hbm>> -> memref<2048xf32, #tpu.memory_space<hbm>>
    tpu.wait_dma2 semaphore(%arg28 : memref<!tpu.dma_semaphore, #tpu.memory_space<semaphore_mem>>) src(%dma_wait3A_51 : memref<2048xf32, #tpu.memory_space<hbm>>) dst(%arg16 : memref<2048xf32, #tpu.memory_space<vmem>>)
    %dma_wait3A_52 = arith.constant 0 : i32
    %dma_wait3A_53 = tpu.memref_slice %arg5[%dma_wait3A_52] : memref<100352xf32, #tpu.memory_space<hbm>> -> memref<2048xf32, #tpu.memory_space<hbm>>
    %dma_wait3A_54 = arith.constant 0 : i32
    %dma_wait3A_55 = tpu.memref_slice %arg5[%dma_wait3A_54] : memref<100352xf32, #tpu.memory_space<hbm>> -> memref<2048xf32, #tpu.memory_space<hbm>>
    tpu.wait_dma2 semaphore(%arg28 : memref<!tpu.dma_semaphore, #tpu.memory_space<semaphore_mem>>) src(%dma_wait3A_55 : memref<2048xf32, #tpu.memory_space<hbm>>) dst(%arg17 : memref<2048xf32, #tpu.memory_space<vmem>>)
    %dma_wait3A_56 = arith.constant 0 : i32
    %dma_wait3A_57 = tpu.memref_slice %arg6[%dma_wait3A_56] : memref<6426624xi32, #tpu.memory_space<hbm>> -> memref<2048xi32, #tpu.memory_space<hbm>>
    %dma_wait3A_58 = arith.constant 0 : i32
    %dma_wait3A_59 = tpu.memref_slice %arg6[%dma_wait3A_58] : memref<6426624xi32, #tpu.memory_space<hbm>> -> memref<2048xi32, #tpu.memory_space<hbm>>
    tpu.wait_dma2 semaphore(%arg27 : memref<!tpu.dma_semaphore, #tpu.memory_space<semaphore_mem>>) src(%dma_wait3A_59 : memref<2048xi32, #tpu.memory_space<hbm>>) dst(%arg13 : memref<2048xi32, #tpu.memory_space<vmem>>)
    %dma_wait3A_60 = arith.constant 0 : i32
    %dma_wait3A_61 = tpu.memref_slice %arg6[%dma_wait3A_60] : memref<6426624xi32, #tpu.memory_space<hbm>> -> memref<2048xi32, #tpu.memory_space<hbm>>
    %dma_wait3A_62 = arith.constant 0 : i32
    %dma_wait3A_63 = tpu.memref_slice %arg6[%dma_wait3A_62] : memref<6426624xi32, #tpu.memory_space<hbm>> -> memref<2048xi32, #tpu.memory_space<hbm>>
    tpu.wait_dma2 semaphore(%arg27 : memref<!tpu.dma_semaphore, #tpu.memory_space<semaphore_mem>>) src(%dma_wait3A_63 : memref<2048xi32, #tpu.memory_space<hbm>>) dst(%arg14 : memref<2048xi32, #tpu.memory_space<vmem>>)
    %barrier3A_64 = arith.constant 0 : index
    tpu.barrier barrier_id(%barrier3A_64)
    %mul3A_65 = arith.constant 6272 : i32
    %mul3A_66 = arith.muli %arg1, %mul3A_65 : i32
    %mul3A_67 = arith.constant 6272 : i32
    %mul3A_68 = arith.muli %arg1, %mul3A_67 : i32
    "tpu.region"() ({
      %run_scoped3A = tpu.sem_alloc : memref<!tpu.dma_semaphore, #tpu.memory_space<semaphore_mem>>
      %dma_start3A_77 = tpu.memref_slice %arg8[%arg0, %mul3A_68] : memref<2x100352xf32, #tpu.memory_space<hbm>> -> memref<1x6272xf32, #tpu.memory_space<hbm>>
      %dma_start3A_78 = tpu.memref_squeeze %dma_start3A_77 : memref<1x6272xf32, #tpu.memory_space<hbm>> -> memref<6272xf32, #tpu.memory_space<hbm>>
      %dma_start3A_79 = tpu.memref_slice %arg24[%mul3A_66] : memref<100352xf32, #tpu.memory_space<vmem_shared>> -> memref<6272xf32, #tpu.memory_space<vmem_shared>>
      tpu.enqueue_dma source(%dma_start3A_79 : memref<6272xf32, #tpu.memory_space<vmem_shared>>) target(%dma_start3A_78 : memref<6272xf32, #tpu.memory_space<hbm>>) target_semaphore(%run_scoped3A : memref<!tpu.dma_semaphore, #tpu.memory_space<semaphore_mem>>)
      %dma_wait3A_80 = tpu.memref_slice %arg8[%arg0, %mul3A_68] : memref<2x100352xf32, #tpu.memory_space<hbm>> -> memref<1x6272xf32, #tpu.memory_space<hbm>>
      %dma_wait3A_81 = tpu.memref_squeeze %dma_wait3A_80 : memref<1x6272xf32, #tpu.memory_space<hbm>> -> memref<6272xf32, #tpu.memory_space<hbm>>
      %dma_wait3A_82 = tpu.memref_slice %arg24[%mul3A_66] : memref<100352xf32, #tpu.memory_space<vmem_shared>> -> memref<6272xf32, #tpu.memory_space<vmem_shared>>
      tpu.wait_dma2 semaphore(%run_scoped3A : memref<!tpu.dma_semaphore, #tpu.memory_space<semaphore_mem>>) src(%dma_wait3A_82 : memref<6272xf32, #tpu.memory_space<vmem_shared>>) dst(%dma_wait3A_81 : memref<6272xf32, #tpu.memory_space<hbm>>)
      tpu.yield
    }) : () -> ()
    %mul3A_69 = arith.constant 6272 : i32
    %mul3A_70 = arith.muli %arg1, %mul3A_69 : i32
    %mul3A_71 = arith.constant 6272 : i32
    %mul3A_72 = arith.muli %arg1, %mul3A_71 : i32
    "tpu.region"() ({
      %run_scoped3A = tpu.sem_alloc : memref<!tpu.dma_semaphore, #tpu.memory_space<semaphore_mem>>
      %dma_start3A_77 = tpu.memref_slice %arg9[%arg0, %mul3A_72] : memref<2x100352xf32, #tpu.memory_space<hbm>> -> memref<1x6272xf32, #tpu.memory_space<hbm>>
      %dma_start3A_78 = tpu.memref_squeeze %dma_start3A_77 : memref<1x6272xf32, #tpu.memory_space<hbm>> -> memref<6272xf32, #tpu.memory_space<hbm>>
      %dma_start3A_79 = tpu.memref_slice %arg25[%mul3A_70] : memref<100352xf32, #tpu.memory_space<vmem_shared>> -> memref<6272xf32, #tpu.memory_space<vmem_shared>>
      tpu.enqueue_dma source(%dma_start3A_79 : memref<6272xf32, #tpu.memory_space<vmem_shared>>) target(%dma_start3A_78 : memref<6272xf32, #tpu.memory_space<hbm>>) target_semaphore(%run_scoped3A : memref<!tpu.dma_semaphore, #tpu.memory_space<semaphore_mem>>)
      %dma_wait3A_80 = tpu.memref_slice %arg9[%arg0, %mul3A_72] : memref<2x100352xf32, #tpu.memory_space<hbm>> -> memref<1x6272xf32, #tpu.memory_space<hbm>>
      %dma_wait3A_81 = tpu.memref_squeeze %dma_wait3A_80 : memref<1x6272xf32, #tpu.memory_space<hbm>> -> memref<6272xf32, #tpu.memory_space<hbm>>
      %dma_wait3A_82 = tpu.memref_slice %arg25[%mul3A_70] : memref<100352xf32, #tpu.memory_space<vmem_shared>> -> memref<6272xf32, #tpu.memory_space<vmem_shared>>
      tpu.wait_dma2 semaphore(%run_scoped3A : memref<!tpu.dma_semaphore, #tpu.memory_space<semaphore_mem>>) src(%dma_wait3A_82 : memref<6272xf32, #tpu.memory_space<vmem_shared>>) dst(%dma_wait3A_81 : memref<6272xf32, #tpu.memory_space<hbm>>)
      tpu.yield
    }) : () -> ()
    %mul3A_73 = arith.constant 6272 : i32
    %mul3A_74 = arith.muli %arg1, %mul3A_73 : i32
    %mul3A_75 = arith.constant 6272 : i32
    %mul3A_76 = arith.muli %arg1, %mul3A_75 : i32
    "tpu.region"() ({
      %run_scoped3A = tpu.sem_alloc : memref<!tpu.dma_semaphore, #tpu.memory_space<semaphore_mem>>
      %dma_start3A_77 = tpu.memref_slice %arg10[%arg0, %mul3A_76] : memref<2x100352xf32, #tpu.memory_space<hbm>> -> memref<1x6272xf32, #tpu.memory_space<hbm>>
      %dma_start3A_78 = tpu.memref_squeeze %dma_start3A_77 : memref<1x6272xf32, #tpu.memory_space<hbm>> -> memref<6272xf32, #tpu.memory_space<hbm>>
      %dma_start3A_79 = tpu.memref_slice %arg26[%mul3A_74] : memref<100352xf32, #tpu.memory_space<vmem_shared>> -> memref<6272xf32, #tpu.memory_space<vmem_shared>>
      tpu.enqueue_dma source(%dma_start3A_79 : memref<6272xf32, #tpu.memory_space<vmem_shared>>) target(%dma_start3A_78 : memref<6272xf32, #tpu.memory_space<hbm>>) target_semaphore(%run_scoped3A : memref<!tpu.dma_semaphore, #tpu.memory_space<semaphore_mem>>)
      %dma_wait3A_80 = tpu.memref_slice %arg10[%arg0, %mul3A_76] : memref<2x100352xf32, #tpu.memory_space<hbm>> -> memref<1x6272xf32, #tpu.memory_space<hbm>>
      %dma_wait3A_81 = tpu.memref_squeeze %dma_wait3A_80 : memref<1x6272xf32, #tpu.memory_space<hbm>> -> memref<6272xf32, #tpu.memory_space<hbm>>
      %dma_wait3A_82 = tpu.memref_slice %arg26[%mul3A_74] : memref<100352xf32, #tpu.memory_space<vmem_shared>> -> memref<6272xf32, #tpu.memory_space<vmem_shared>>
      tpu.wait_dma2 semaphore(%run_scoped3A : memref<!tpu.dma_semaphore, #tpu.memory_space<semaphore_mem>>) src(%dma_wait3A_82 : memref<6272xf32, #tpu.memory_space<vmem_shared>>) dst(%dma_wait3A_81 : memref<6272xf32, #tpu.memory_space<hbm>>)
      tpu.yield
    }) : () -> ()
    return
  }
}

module attributes {stable_mosaic.version = 14 : i64} {
  func.func @_prep_body(%arg0: memref<2x784x128xf32, #tpu.memory_space<vmem>>, %arg1: memref<3x784x128xf32, #tpu.memory_space<vmem>>, %arg2: memref<784x128xf32, #tpu.memory_space<vmem>>, %arg3: memref<3x784x128xf32, #tpu.memory_space<vmem>>) attributes {dimension_semantics = [], scalar_prefetch = 0 : i64, scratch_operands = 0 : i64, tpu.core_type = #tpu.core_type<tc>} {
    %get3A = arith.constant 0 : index
    %get3A_0 = arith.constant 0 : index
    %get3A_1 = arith.constant 0 : index
    %get3A_2 = vector.load %arg0[%get3A, %get3A_0, %get3A_1] : memref<2x784x128xf32, #tpu.memory_space<vmem>>, vector<1x784x128xf32>
    %get3A_3 = vector.shape_cast %get3A_2 : vector<1x784x128xf32> to vector<784x128xf32>
    %add3A = arith.constant 1.000000e+00 : f32
    %add3A_4 = vector.broadcast %add3A : f32 to vector<784x128xf32>
    %add3A_5 = arith.addf %add3A_4, %get3A_3 : vector<784x128xf32>
    %get3A_6 = arith.constant 1 : index
    %get3A_7 = arith.constant 0 : index
    %get3A_8 = arith.constant 0 : index
    %get3A_9 = vector.load %arg0[%get3A_6, %get3A_7, %get3A_8] : memref<2x784x128xf32, #tpu.memory_space<vmem>>, vector<1x784x128xf32>
    %get3A_10 = vector.shape_cast %get3A_9 : vector<1x784x128xf32> to vector<784x128xf32>
    %add3A_11 = arith.addf %add3A_5, %get3A_10 : vector<784x128xf32>
    %rsqrt3A = math.rsqrt %add3A_11 : vector<784x128xf32>
    %swap3A = arith.constant 0 : index
    %swap3A_12 = arith.constant 0 : index
    %swap3A_13 = vector.load %arg2[%swap3A, %swap3A_12] : memref<784x128xf32, #tpu.memory_space<vmem>>, vector<784x128xf32>
    tpu.vector_store %arg2[%swap3A, %swap3A_12], %rsqrt3A {strides = array<i32>} : memref<784x128xf32, #tpu.memory_space<vmem>>, vector<784x128xf32>,
    %get3A_14 = arith.constant 0 : index
    %get3A_15 = arith.constant 0 : index
    %get3A_16 = arith.constant 0 : index
    %get3A_17 = vector.load %arg1[%get3A_14, %get3A_15, %get3A_16] : memref<3x784x128xf32, #tpu.memory_space<vmem>>, vector<1x784x128xf32>
    %get3A_18 = vector.shape_cast %get3A_17 : vector<1x784x128xf32> to vector<784x128xf32>
    %mul3A = arith.mulf %get3A_18, %rsqrt3A : vector<784x128xf32>
    %swap3A_19 = arith.constant 0 : index
    %swap3A_20 = arith.constant 0 : index
    %swap3A_21 = arith.constant 0 : index
    %swap3A_22 = vector.load %arg3[%swap3A_19, %swap3A_20, %swap3A_21] : memref<3x784x128xf32, #tpu.memory_space<vmem>>, vector<1x784x128xf32>
    %swap3A_23 = vector.shape_cast %swap3A_22 : vector<1x784x128xf32> to vector<784x128xf32>
    %swap3A_24 = vector.shape_cast %mul3A : vector<784x128xf32> to vector<1x784x128xf32>
    tpu.vector_store %arg3[%swap3A_19, %swap3A_20, %swap3A_21], %swap3A_24 {strides = array<i32>} : memref<3x784x128xf32, #tpu.memory_space<vmem>>, vector<1x784x128xf32>,
    %get3A_25 = arith.constant 1 : index
    %get3A_26 = arith.constant 0 : index
    %get3A_27 = arith.constant 0 : index
    %get3A_28 = vector.load %arg1[%get3A_25, %get3A_26, %get3A_27] : memref<3x784x128xf32, #tpu.memory_space<vmem>>, vector<1x784x128xf32>
    %get3A_29 = vector.shape_cast %get3A_28 : vector<1x784x128xf32> to vector<784x128xf32>
    %mul3A_30 = arith.mulf %get3A_29, %rsqrt3A : vector<784x128xf32>
    %swap3A_31 = arith.constant 1 : index
    %swap3A_32 = arith.constant 0 : index
    %swap3A_33 = arith.constant 0 : index
    %swap3A_34 = vector.load %arg3[%swap3A_31, %swap3A_32, %swap3A_33] : memref<3x784x128xf32, #tpu.memory_space<vmem>>, vector<1x784x128xf32>
    %swap3A_35 = vector.shape_cast %swap3A_34 : vector<1x784x128xf32> to vector<784x128xf32>
    %swap3A_36 = vector.shape_cast %mul3A_30 : vector<784x128xf32> to vector<1x784x128xf32>
    tpu.vector_store %arg3[%swap3A_31, %swap3A_32, %swap3A_33], %swap3A_36 {strides = array<i32>} : memref<3x784x128xf32, #tpu.memory_space<vmem>>, vector<1x784x128xf32>,
    %get3A_37 = arith.constant 2 : index
    %get3A_38 = arith.constant 0 : index
    %get3A_39 = arith.constant 0 : index
    %get3A_40 = vector.load %arg1[%get3A_37, %get3A_38, %get3A_39] : memref<3x784x128xf32, #tpu.memory_space<vmem>>, vector<1x784x128xf32>
    %get3A_41 = vector.shape_cast %get3A_40 : vector<1x784x128xf32> to vector<784x128xf32>
    %mul3A_42 = arith.mulf %get3A_41, %rsqrt3A : vector<784x128xf32>
    %swap3A_43 = arith.constant 2 : index
    %swap3A_44 = arith.constant 0 : index
    %swap3A_45 = arith.constant 0 : index
    %swap3A_46 = vector.load %arg3[%swap3A_43, %swap3A_44, %swap3A_45] : memref<3x784x128xf32, #tpu.memory_space<vmem>>, vector<1x784x128xf32>
    %swap3A_47 = vector.shape_cast %swap3A_46 : vector<1x784x128xf32> to vector<784x128xf32>
    %swap3A_48 = vector.shape_cast %mul3A_42 : vector<784x128xf32> to vector<1x784x128xf32>
    tpu.vector_store %arg3[%swap3A_43, %swap3A_44, %swap3A_45], %swap3A_48 {strides = array<i32>} : memref<3x784x128xf32, #tpu.memory_space<vmem>>, vector<1x784x128xf32>,
    return
  }
}

module attributes {stable_mosaic.version = 14 : i64} {
  func.func @_mid_body(%arg0: memref<2x784x128xf32, #tpu.memory_space<vmem>>, %arg1: memref<2x784x128xf32, #tpu.memory_space<vmem>>, %arg2: memref<2x784x128xf32, #tpu.memory_space<vmem>>, %arg3: memref<3x784x128xf32, #tpu.memory_space<vmem>>, %arg4: memref<784x128xf32, #tpu.memory_space<vmem>>, %arg5: memref<16x3xf32, #tpu.memory_space<vmem>>, %arg6: memref<16x1xf32, #tpu.memory_space<vmem>>, %arg7: memref<2x16xf32, #tpu.memory_space<vmem>>, %arg8: memref<2x784x128xf32, #tpu.memory_space<vmem>>) attributes {dimension_semantics = [], scalar_prefetch = 0 : i64, scratch_operands = 0 : i64, tpu.core_type = #tpu.core_type<tc>} {
    %get3A = arith.constant 0 : index
    %get3A_0 = arith.constant 0 : index
    %get3A_1 = vector.load %arg4[%get3A, %get3A_0] : memref<784x128xf32, #tpu.memory_space<vmem>>, vector<784x128xf32>
    %get3A_2 = arith.constant 0 : index
    %get3A_3 = arith.constant 0 : index
    %get3A_4 = arith.constant 0 : index
    %get3A_5 = vector.load %arg3[%get3A_2, %get3A_3, %get3A_4] : memref<3x784x128xf32, #tpu.memory_space<vmem>>, vector<1x784x128xf32>
    %get3A_6 = vector.shape_cast %get3A_5 : vector<1x784x128xf32> to vector<784x128xf32>
    %get3A_7 = arith.constant 0 : index
    %get3A_8 = arith.constant 0 : index
    %get3A_9 = arith.constant 0 : index
    %get3A_10 = vector.load %arg0[%get3A_7, %get3A_8, %get3A_9] : memref<2x784x128xf32, #tpu.memory_space<vmem>>, vector<1x784x128xf32>
    %get3A_11 = vector.shape_cast %get3A_10 : vector<1x784x128xf32> to vector<784x128xf32>
    %add3A = arith.addf %get3A_6, %get3A_11 : vector<784x128xf32>
    %get3A_12 = arith.constant 1 : index
    %get3A_13 = arith.constant 0 : index
    %get3A_14 = arith.constant 0 : index
    %get3A_15 = vector.load %arg0[%get3A_12, %get3A_13, %get3A_14] : memref<2x784x128xf32, #tpu.memory_space<vmem>>, vector<1x784x128xf32>
    %get3A_16 = vector.shape_cast %get3A_15 : vector<1x784x128xf32> to vector<784x128xf32>
    %add3A_17 = arith.addf %add3A, %get3A_16 : vector<784x128xf32>
    %mul3A = arith.mulf %add3A_17, %get3A_1 : vector<784x128xf32>
    %get3A_18 = arith.constant 1 : index
    %get3A_19 = arith.constant 0 : index
    %get3A_20 = arith.constant 0 : index
    %get3A_21 = vector.load %arg3[%get3A_18, %get3A_19, %get3A_20] : memref<3x784x128xf32, #tpu.memory_space<vmem>>, vector<1x784x128xf32>
    %get3A_22 = vector.shape_cast %get3A_21 : vector<1x784x128xf32> to vector<784x128xf32>
    %get3A_23 = arith.constant 0 : index
    %get3A_24 = arith.constant 0 : index
    %get3A_25 = arith.constant 0 : index
    %get3A_26 = vector.load %arg1[%get3A_23, %get3A_24, %get3A_25] : memref<2x784x128xf32, #tpu.memory_space<vmem>>, vector<1x784x128xf32>
    %get3A_27 = vector.shape_cast %get3A_26 : vector<1x784x128xf32> to vector<784x128xf32>
    %add3A_28 = arith.addf %get3A_22, %get3A_27 : vector<784x128xf32>
    %get3A_29 = arith.constant 1 : index
    %get3A_30 = arith.constant 0 : index
    %get3A_31 = arith.constant 0 : index
    %get3A_32 = vector.load %arg1[%get3A_29, %get3A_30, %get3A_31] : memref<2x784x128xf32, #tpu.memory_space<vmem>>, vector<1x784x128xf32>
    %get3A_33 = vector.shape_cast %get3A_32 : vector<1x784x128xf32> to vector<784x128xf32>
    %add3A_34 = arith.addf %add3A_28, %get3A_33 : vector<784x128xf32>
    %mul3A_35 = arith.mulf %add3A_34, %get3A_1 : vector<784x128xf32>
    %get3A_36 = arith.constant 2 : index
    %get3A_37 = arith.constant 0 : index
    %get3A_38 = arith.constant 0 : index
    %get3A_39 = vector.load %arg3[%get3A_36, %get3A_37, %get3A_38] : memref<3x784x128xf32, #tpu.memory_space<vmem>>, vector<1x784x128xf32>
    %get3A_40 = vector.shape_cast %get3A_39 : vector<1x784x128xf32> to vector<784x128xf32>
    %get3A_41 = arith.constant 0 : index
    %get3A_42 = arith.constant 0 : index
    %get3A_43 = arith.constant 0 : index
    %get3A_44 = vector.load %arg2[%get3A_41, %get3A_42, %get3A_43] : memref<2x784x128xf32, #tpu.memory_space<vmem>>, vector<1x784x128xf32>
    %get3A_45 = vector.shape_cast %get3A_44 : vector<1x784x128xf32> to vector<784x128xf32>
    %add3A_46 = arith.addf %get3A_40, %get3A_45 : vector<784x128xf32>
    %get3A_47 = arith.constant 1 : index
    %get3A_48 = arith.constant 0 : index
    %get3A_49 = arith.constant 0 : index
    %get3A_50 = vector.load %arg2[%get3A_47, %get3A_48, %get3A_49] : memref<2x784x128xf32, #tpu.memory_space<vmem>>, vector<1x784x128xf32>
    %get3A_51 = vector.shape_cast %get3A_50 : vector<1x784x128xf32> to vector<784x128xf32>
    %add3A_52 = arith.addf %add3A_46, %get3A_51 : vector<784x128xf32>
    %mul3A_53 = arith.mulf %add3A_52, %get3A_1 : vector<784x128xf32>
    %get3A_54 = arith.constant 0 : index
    %get3A_55 = arith.constant 0 : index
    %get3A_56 = vector.load %arg5[%get3A_54, %get3A_55] : memref<16x3xf32, #tpu.memory_space<vmem>>, vector<1x1xf32>
    %mul3A_57 = vector.broadcast %get3A_56 : vector<1x1xf32> to vector<784x128xf32>
    %mul3A_58 = arith.mulf %mul3A_57, %mul3A : vector<784x128xf32>
    %add3A_59 = arith.constant 0.000000e+00 : f32
    %add3A_60 = vector.broadcast %add3A_59 : f32 to vector<784x128xf32>
    %add3A_61 = arith.addf %add3A_60, %mul3A_58 : vector<784x128xf32>
    %get3A_62 = arith.constant 0 : index
    %get3A_63 = arith.constant 1 : index
    %get3A_64 = vector.load %arg5[%get3A_62, %get3A_63] : memref<16x3xf32, #tpu.memory_space<vmem>>, vector<1x1xf32>
    %mul3A_65 = vector.broadcast %get3A_64 : vector<1x1xf32> to vector<784x128xf32>
    %mul3A_66 = arith.mulf %mul3A_65, %mul3A_35 : vector<784x128xf32>
    %add3A_67 = arith.addf %add3A_61, %mul3A_66 : vector<784x128xf32>
    %get3A_68 = arith.constant 0 : index
    %get3A_69 = arith.constant 2 : index
    %get3A_70 = vector.load %arg5[%get3A_68, %get3A_69] : memref<16x3xf32, #tpu.memory_space<vmem>>, vector<1x1xf32>
    %mul3A_71 = vector.broadcast %get3A_70 : vector<1x1xf32> to vector<784x128xf32>
    %mul3A_72 = arith.mulf %mul3A_71, %mul3A_53 : vector<784x128xf32>
    %add3A_73 = arith.addf %add3A_67, %mul3A_72 : vector<784x128xf32>
    %get3A_74 = arith.constant 0 : index
    %get3A_75 = arith.constant 0 : index
    %get3A_76 = vector.load %arg6[%get3A_74, %get3A_75] : memref<16x1xf32, #tpu.memory_space<vmem>>, vector<1x1xf32>
    %add3A_77 = vector.broadcast %get3A_76 : vector<1x1xf32> to vector<784x128xf32>
    %add3A_78 = arith.addf %add3A_73, %add3A_77 : vector<784x128xf32>
    %max3A = arith.constant 0.000000e+00 : f32
    %max3A_79 = vector.broadcast %max3A : f32 to vector<784x128xf32>
    %max3A_80 = arith.maximumf %add3A_78, %max3A_79 : vector<784x128xf32>
    %get3A_81 = arith.constant 1 : index
    %get3A_82 = arith.constant 0 : index
    %get3A_83 = vector.load %arg5[%get3A_81, %get3A_82] : memref<16x3xf32, #tpu.memory_space<vmem>>, vector<1x1xf32>
    %mul3A_84 = vector.broadcast %get3A_83 : vector<1x1xf32> to vector<784x128xf32>
    %mul3A_85 = arith.mulf %mul3A_84, %mul3A : vector<784x128xf32>
    %add3A_86 = arith.constant 0.000000e+00 : f32
    %add3A_87 = vector.broadcast %add3A_86 : f32 to vector<784x128xf32>
    %add3A_88 = arith.addf %add3A_87, %mul3A_85 : vector<784x128xf32>
    %get3A_89 = arith.constant 1 : index
    %get3A_90 = arith.constant 1 : index
    %get3A_91 = vector.load %arg5[%get3A_89, %get3A_90] : memref<16x3xf32, #tpu.memory_space<vmem>>, vector<1x1xf32>
    %mul3A_92 = vector.broadcast %get3A_91 : vector<1x1xf32> to vector<784x128xf32>
    %mul3A_93 = arith.mulf %mul3A_92, %mul3A_35 : vector<784x128xf32>
    %add3A_94 = arith.addf %add3A_88, %mul3A_93 : vector<784x128xf32>
    %get3A_95 = arith.constant 1 : index
    %get3A_96 = arith.constant 2 : index
    %get3A_97 = vector.load %arg5[%get3A_95, %get3A_96] : memref<16x3xf32, #tpu.memory_space<vmem>>, vector<1x1xf32>
    %mul3A_98 = vector.broadcast %get3A_97 : vector<1x1xf32> to vector<784x128xf32>
    %mul3A_99 = arith.mulf %mul3A_98, %mul3A_53 : vector<784x128xf32>
    %add3A_100 = arith.addf %add3A_94, %mul3A_99 : vector<784x128xf32>
    %get3A_101 = arith.constant 1 : index
    %get3A_102 = arith.constant 0 : index
    %get3A_103 = vector.load %arg6[%get3A_101, %get3A_102] : memref<16x1xf32, #tpu.memory_space<vmem>>, vector<1x1xf32>
    %add3A_104 = vector.broadcast %get3A_103 : vector<1x1xf32> to vector<784x128xf32>
    %add3A_105 = arith.addf %add3A_100, %add3A_104 : vector<784x128xf32>
    %max3A_106 = arith.constant 0.000000e+00 : f32
    %max3A_107 = vector.broadcast %max3A_106 : f32 to vector<784x128xf32>
    %max3A_108 = arith.maximumf %add3A_105, %max3A_107 : vector<784x128xf32>
    %get3A_109 = arith.constant 2 : index
    %get3A_110 = arith.constant 0 : index
    %get3A_111 = vector.load %arg5[%get3A_109, %get3A_110] : memref<16x3xf32, #tpu.memory_space<vmem>>, vector<1x1xf32>
    %mul3A_112 = vector.broadcast %get3A_111 : vector<1x1xf32> to vector<784x128xf32>
    %mul3A_113 = arith.mulf %mul3A_112, %mul3A : vector<784x128xf32>
    %add3A_114 = arith.constant 0.000000e+00 : f32
    %add3A_115 = vector.broadcast %add3A_114 : f32 to vector<784x128xf32>
    %add3A_116 = arith.addf %add3A_115, %mul3A_113 : vector<784x128xf32>
    %get3A_117 = arith.constant 2 : index
    %get3A_118 = arith.constant 1 : index
    %get3A_119 = vector.load %arg5[%get3A_117, %get3A_118] : memref<16x3xf32, #tpu.memory_space<vmem>>, vector<1x1xf32>
    %mul3A_120 = vector.broadcast %get3A_119 : vector<1x1xf32> to vector<784x128xf32>
    %mul3A_121 = arith.mulf %mul3A_120, %mul3A_35 : vector<784x128xf32>
    %add3A_122 = arith.addf %add3A_116, %mul3A_121 : vector<784x128xf32>
    %get3A_123 = arith.constant 2 : index
    %get3A_124 = arith.constant 2 : index
    %get3A_125 = vector.load %arg5[%get3A_123, %get3A_124] : memref<16x3xf32, #tpu.memory_space<vmem>>, vector<1x1xf32>
    %mul3A_126 = vector.broadcast %get3A_125 : vector<1x1xf32> to vector<784x128xf32>
    %mul3A_127 = arith.mulf %mul3A_126, %mul3A_53 : vector<784x128xf32>
    %add3A_128 = arith.addf %add3A_122, %mul3A_127 : vector<784x128xf32>
    %get3A_129 = arith.constant 2 : index
    %get3A_130 = arith.constant 0 : index
    %get3A_131 = vector.load %arg6[%get3A_129, %get3A_130] : memref<16x1xf32, #tpu.memory_space<vmem>>, vector<1x1xf32>
    %add3A_132 = vector.broadcast %get3A_131 : vector<1x1xf32> to vector<784x128xf32>
    %add3A_133 = arith.addf %add3A_128, %add3A_132 : vector<784x128xf32>
    %max3A_134 = arith.constant 0.000000e+00 : f32
    %max3A_135 = vector.broadcast %max3A_134 : f32 to vector<784x128xf32>
    %max3A_136 = arith.maximumf %add3A_133, %max3A_135 : vector<784x128xf32>
    %get3A_137 = arith.constant 3 : index
    %get3A_138 = arith.constant 0 : index
    %get3A_139 = vector.load %arg5[%get3A_137, %get3A_138] : memref<16x3xf32, #tpu.memory_space<vmem>>, vector<1x1xf32>
    %mul3A_140 = vector.broadcast %get3A_139 : vector<1x1xf32> to vector<784x128xf32>
    %mul3A_141 = arith.mulf %mul3A_140, %mul3A : vector<784x128xf32>
    %add3A_142 = arith.constant 0.000000e+00 : f32
    %add3A_143 = vector.broadcast %add3A_142 : f32 to vector<784x128xf32>
    %add3A_144 = arith.addf %add3A_143, %mul3A_141 : vector<784x128xf32>
    %get3A_145 = arith.constant 3 : index
    %get3A_146 = arith.constant 1 : index
    %get3A_147 = vector.load %arg5[%get3A_145, %get3A_146] : memref<16x3xf32, #tpu.memory_space<vmem>>, vector<1x1xf32>
    %mul3A_148 = vector.broadcast %get3A_147 : vector<1x1xf32> to vector<784x128xf32>
    %mul3A_149 = arith.mulf %mul3A_148, %mul3A_35 : vector<784x128xf32>
    %add3A_150 = arith.addf %add3A_144, %mul3A_149 : vector<784x128xf32>
    %get3A_151 = arith.constant 3 : index
    %get3A_152 = arith.constant 2 : index
    %get3A_153 = vector.load %arg5[%get3A_151, %get3A_152] : memref<16x3xf32, #tpu.memory_space<vmem>>, vector<1x1xf32>
    %mul3A_154 = vector.broadcast %get3A_153 : vector<1x1xf32> to vector<784x128xf32>
    %mul3A_155 = arith.mulf %mul3A_154, %mul3A_53 : vector<784x128xf32>
    %add3A_156 = arith.addf %add3A_150, %mul3A_155 : vector<784x128xf32>
    %get3A_157 = arith.constant 3 : index
    %get3A_158 = arith.constant 0 : index
    %get3A_159 = vector.load %arg6[%get3A_157, %get3A_158] : memref<16x1xf32, #tpu.memory_space<vmem>>, vector<1x1xf32>
    %add3A_160 = vector.broadcast %get3A_159 : vector<1x1xf32> to vector<784x128xf32>
    %add3A_161 = arith.addf %add3A_156, %add3A_160 : vector<784x128xf32>
    %max3A_162 = arith.constant 0.000000e+00 : f32
    %max3A_163 = vector.broadcast %max3A_162 : f32 to vector<784x128xf32>
    %max3A_164 = arith.maximumf %add3A_161, %max3A_163 : vector<784x128xf32>
    %get3A_165 = arith.constant 4 : index
    %get3A_166 = arith.constant 0 : index
    %get3A_167 = vector.load %arg5[%get3A_165, %get3A_166] : memref<16x3xf32, #tpu.memory_space<vmem>>, vector<1x1xf32>
    %mul3A_168 = vector.broadcast %get3A_167 : vector<1x1xf32> to vector<784x128xf32>
    %mul3A_169 = arith.mulf %mul3A_168, %mul3A : vector<784x128xf32>
    %add3A_170 = arith.constant 0.000000e+00 : f32
    %add3A_171 = vector.broadcast %add3A_170 : f32 to vector<784x128xf32>
    %add3A_172 = arith.addf %add3A_171, %mul3A_169 : vector<784x128xf32>
    %get3A_173 = arith.constant 4 : index
    %get3A_174 = arith.constant 1 : index
    %get3A_175 = vector.load %arg5[%get3A_173, %get3A_174] : memref<16x3xf32, #tpu.memory_space<vmem>>, vector<1x1xf32>
    %mul3A_176 = vector.broadcast %get3A_175 : vector<1x1xf32> to vector<784x128xf32>
    %mul3A_177 = arith.mulf %mul3A_176, %mul3A_35 : vector<784x128xf32>
    %add3A_178 = arith.addf %add3A_172, %mul3A_177 : vector<784x128xf32>
    %get3A_179 = arith.constant 4 : index
    %get3A_180 = arith.constant 2 : index
    %get3A_181 = vector.load %arg5[%get3A_179, %get3A_180] : memref<16x3xf32, #tpu.memory_space<vmem>>, vector<1x1xf32>
    %mul3A_182 = vector.broadcast %get3A_181 : vector<1x1xf32> to vector<784x128xf32>
    %mul3A_183 = arith.mulf %mul3A_182, %mul3A_53 : vector<784x128xf32>
    %add3A_184 = arith.addf %add3A_178, %mul3A_183 : vector<784x128xf32>
    %get3A_185 = arith.constant 4 : index
    %get3A_186 = arith.constant 0 : index
    %get3A_187 = vector.load %arg6[%get3A_185, %get3A_186] : memref<16x1xf32, #tpu.memory_space<vmem>>, vector<1x1xf32>
    %add3A_188 = vector.broadcast %get3A_187 : vector<1x1xf32> to vector<784x128xf32>
    %add3A_189 = arith.addf %add3A_184, %add3A_188 : vector<784x128xf32>
    %max3A_190 = arith.constant 0.000000e+00 : f32
    %max3A_191 = vector.broadcast %max3A_190 : f32 to vector<784x128xf32>
    %max3A_192 = arith.maximumf %add3A_189, %max3A_191 : vector<784x128xf32>
    %get3A_193 = arith.constant 5 : index
    %get3A_194 = arith.constant 0 : index
    %get3A_195 = vector.load %arg5[%get3A_193, %get3A_194] : memref<16x3xf32, #tpu.memory_space<vmem>>, vector<1x1xf32>
    %mul3A_196 = vector.broadcast %get3A_195 : vector<1x1xf32> to vector<784x128xf32>
    %mul3A_197 = arith.mulf %mul3A_196, %mul3A : vector<784x128xf32>
    %add3A_198 = arith.constant 0.000000e+00 : f32
    %add3A_199 = vector.broadcast %add3A_198 : f32 to vector<784x128xf32>
    %add3A_200 = arith.addf %add3A_199, %mul3A_197 : vector<784x128xf32>
    %get3A_201 = arith.constant 5 : index
    %get3A_202 = arith.constant 1 : index
    %get3A_203 = vector.load %arg5[%get3A_201, %get3A_202] : memref<16x3xf32, #tpu.memory_space<vmem>>, vector<1x1xf32>
    %mul3A_204 = vector.broadcast %get3A_203 : vector<1x1xf32> to vector<784x128xf32>
    %mul3A_205 = arith.mulf %mul3A_204, %mul3A_35 : vector<784x128xf32>
    %add3A_206 = arith.addf %add3A_200, %mul3A_205 : vector<784x128xf32>
    %get3A_207 = arith.constant 5 : index
    %get3A_208 = arith.constant 2 : index
    %get3A_209 = vector.load %arg5[%get3A_207, %get3A_208] : memref<16x3xf32, #tpu.memory_space<vmem>>, vector<1x1xf32>
    %mul3A_210 = vector.broadcast %get3A_209 : vector<1x1xf32> to vector<784x128xf32>
    %mul3A_211 = arith.mulf %mul3A_210, %mul3A_53 : vector<784x128xf32>
    %add3A_212 = arith.addf %add3A_206, %mul3A_211 : vector<784x128xf32>
    %get3A_213 = arith.constant 5 : index
    %get3A_214 = arith.constant 0 : index
    %get3A_215 = vector.load %arg6[%get3A_213, %get3A_214] : memref<16x1xf32, #tpu.memory_space<vmem>>, vector<1x1xf32>
    %add3A_216 = vector.broadcast %get3A_215 : vector<1x1xf32> to vector<784x128xf32>
    %add3A_217 = arith.addf %add3A_212, %add3A_216 : vector<784x128xf32>
    %max3A_218 = arith.constant 0.000000e+00 : f32
    %max3A_219 = vector.broadcast %max3A_218 : f32 to vector<784x128xf32>
    %max3A_220 = arith.maximumf %add3A_217, %max3A_219 : vector<784x128xf32>
    %get3A_221 = arith.constant 6 : index
    %get3A_222 = arith.constant 0 : index
    %get3A_223 = vector.load %arg5[%get3A_221, %get3A_222] : memref<16x3xf32, #tpu.memory_space<vmem>>, vector<1x1xf32>
    %mul3A_224 = vector.broadcast %get3A_223 : vector<1x1xf32> to vector<784x128xf32>
    %mul3A_225 = arith.mulf %mul3A_224, %mul3A : vector<784x128xf32>
    %add3A_226 = arith.constant 0.000000e+00 : f32
    %add3A_227 = vector.broadcast %add3A_226 : f32 to vector<784x128xf32>
    %add3A_228 = arith.addf %add3A_227, %mul3A_225 : vector<784x128xf32>
    %get3A_229 = arith.constant 6 : index
    %get3A_230 = arith.constant 1 : index
    %get3A_231 = vector.load %arg5[%get3A_229, %get3A_230] : memref<16x3xf32, #tpu.memory_space<vmem>>, vector<1x1xf32>
    %mul3A_232 = vector.broadcast %get3A_231 : vector<1x1xf32> to vector<784x128xf32>
    %mul3A_233 = arith.mulf %mul3A_232, %mul3A_35 : vector<784x128xf32>
    %add3A_234 = arith.addf %add3A_228, %mul3A_233 : vector<784x128xf32>
    %get3A_235 = arith.constant 6 : index
    %get3A_236 = arith.constant 2 : index
    %get3A_237 = vector.load %arg5[%get3A_235, %get3A_236] : memref<16x3xf32, #tpu.memory_space<vmem>>, vector<1x1xf32>
    %mul3A_238 = vector.broadcast %get3A_237 : vector<1x1xf32> to vector<784x128xf32>
    %mul3A_239 = arith.mulf %mul3A_238, %mul3A_53 : vector<784x128xf32>
    %add3A_240 = arith.addf %add3A_234, %mul3A_239 : vector<784x128xf32>
    %get3A_241 = arith.constant 6 : index
    %get3A_242 = arith.constant 0 : index
    %get3A_243 = vector.load %arg6[%get3A_241, %get3A_242] : memref<16x1xf32, #tpu.memory_space<vmem>>, vector<1x1xf32>
    %add3A_244 = vector.broadcast %get3A_243 : vector<1x1xf32> to vector<784x128xf32>
    %add3A_245 = arith.addf %add3A_240, %add3A_244 : vector<784x128xf32>
    %max3A_246 = arith.constant 0.000000e+00 : f32
    %max3A_247 = vector.broadcast %max3A_246 : f32 to vector<784x128xf32>
    %max3A_248 = arith.maximumf %add3A_245, %max3A_247 : vector<784x128xf32>
    %get3A_249 = arith.constant 7 : index
    %get3A_250 = arith.constant 0 : index
    %get3A_251 = vector.load %arg5[%get3A_249, %get3A_250] : memref<16x3xf32, #tpu.memory_space<vmem>>, vector<1x1xf32>
    %mul3A_252 = vector.broadcast %get3A_251 : vector<1x1xf32> to vector<784x128xf32>
    %mul3A_253 = arith.mulf %mul3A_252, %mul3A : vector<784x128xf32>
    %add3A_254 = arith.constant 0.000000e+00 : f32
    %add3A_255 = vector.broadcast %add3A_254 : f32 to vector<784x128xf32>
    %add3A_256 = arith.addf %add3A_255, %mul3A_253 : vector<784x128xf32>
    %get3A_257 = arith.constant 7 : index
    %get3A_258 = arith.constant 1 : index
    %get3A_259 = vector.load %arg5[%get3A_257, %get3A_258] : memref<16x3xf32, #tpu.memory_space<vmem>>, vector<1x1xf32>
    %mul3A_260 = vector.broadcast %get3A_259 : vector<1x1xf32> to vector<784x128xf32>
    %mul3A_261 = arith.mulf %mul3A_260, %mul3A_35 : vector<784x128xf32>
    %add3A_262 = arith.addf %add3A_256, %mul3A_261 : vector<784x128xf32>
    %get3A_263 = arith.constant 7 : index
    %get3A_264 = arith.constant 2 : index
    %get3A_265 = vector.load %arg5[%get3A_263, %get3A_264] : memref<16x3xf32, #tpu.memory_space<vmem>>, vector<1x1xf32>
    %mul3A_266 = vector.broadcast %get3A_265 : vector<1x1xf32> to vector<784x128xf32>
    %mul3A_267 = arith.mulf %mul3A_266, %mul3A_53 : vector<784x128xf32>
    %add3A_268 = arith.addf %add3A_262, %mul3A_267 : vector<784x128xf32>
    %get3A_269 = arith.constant 7 : index
    %get3A_270 = arith.constant 0 : index
    %get3A_271 = vector.load %arg6[%get3A_269, %get3A_270] : memref<16x1xf32, #tpu.memory_space<vmem>>, vector<1x1xf32>
    %add3A_272 = vector.broadcast %get3A_271 : vector<1x1xf32> to vector<784x128xf32>
    %add3A_273 = arith.addf %add3A_268, %add3A_272 : vector<784x128xf32>
    %max3A_274 = arith.constant 0.000000e+00 : f32
    %max3A_275 = vector.broadcast %max3A_274 : f32 to vector<784x128xf32>
    %max3A_276 = arith.maximumf %add3A_273, %max3A_275 : vector<784x128xf32>
    %get3A_277 = arith.constant 8 : index
    %get3A_278 = arith.constant 0 : index
    %get3A_279 = vector.load %arg5[%get3A_277, %get3A_278] : memref<16x3xf32, #tpu.memory_space<vmem>>, vector<1x1xf32>
    %mul3A_280 = vector.broadcast %get3A_279 : vector<1x1xf32> to vector<784x128xf32>
    %mul3A_281 = arith.mulf %mul3A_280, %mul3A : vector<784x128xf32>
    %add3A_282 = arith.constant 0.000000e+00 : f32
    %add3A_283 = vector.broadcast %add3A_282 : f32 to vector<784x128xf32>
    %add3A_284 = arith.addf %add3A_283, %mul3A_281 : vector<784x128xf32>
    %get3A_285 = arith.constant 8 : index
    %get3A_286 = arith.constant 1 : index
    %get3A_287 = vector.load %arg5[%get3A_285, %get3A_286] : memref<16x3xf32, #tpu.memory_space<vmem>>, vector<1x1xf32>
    %mul3A_288 = vector.broadcast %get3A_287 : vector<1x1xf32> to vector<784x128xf32>
    %mul3A_289 = arith.mulf %mul3A_288, %mul3A_35 : vector<784x128xf32>
    %add3A_290 = arith.addf %add3A_284, %mul3A_289 : vector<784x128xf32>
    %get3A_291 = arith.constant 8 : index
    %get3A_292 = arith.constant 2 : index
    %get3A_293 = vector.load %arg5[%get3A_291, %get3A_292] : memref<16x3xf32, #tpu.memory_space<vmem>>, vector<1x1xf32>
    %mul3A_294 = vector.broadcast %get3A_293 : vector<1x1xf32> to vector<784x128xf32>
    %mul3A_295 = arith.mulf %mul3A_294, %mul3A_53 : vector<784x128xf32>
    %add3A_296 = arith.addf %add3A_290, %mul3A_295 : vector<784x128xf32>
    %get3A_297 = arith.constant 8 : index
    %get3A_298 = arith.constant 0 : index
    %get3A_299 = vector.load %arg6[%get3A_297, %get3A_298] : memref<16x1xf32, #tpu.memory_space<vmem>>, vector<1x1xf32>
    %add3A_300 = vector.broadcast %get3A_299 : vector<1x1xf32> to vector<784x128xf32>
    %add3A_301 = arith.addf %add3A_296, %add3A_300 : vector<784x128xf32>
    %max3A_302 = arith.constant 0.000000e+00 : f32
    %max3A_303 = vector.broadcast %max3A_302 : f32 to vector<784x128xf32>
    %max3A_304 = arith.maximumf %add3A_301, %max3A_303 : vector<784x128xf32>
    %get3A_305 = arith.constant 9 : index
    %get3A_306 = arith.constant 0 : index
    %get3A_307 = vector.load %arg5[%get3A_305, %get3A_306] : memref<16x3xf32, #tpu.memory_space<vmem>>, vector<1x1xf32>
    %mul3A_308 = vector.broadcast %get3A_307 : vector<1x1xf32> to vector<784x128xf32>
    %mul3A_309 = arith.mulf %mul3A_308, %mul3A : vector<784x128xf32>
    %add3A_310 = arith.constant 0.000000e+00 : f32
    %add3A_311 = vector.broadcast %add3A_310 : f32 to vector<784x128xf32>
    %add3A_312 = arith.addf %add3A_311, %mul3A_309 : vector<784x128xf32>
    %get3A_313 = arith.constant 9 : index
    %get3A_314 = arith.constant 1 : index
    %get3A_315 = vector.load %arg5[%get3A_313, %get3A_314] : memref<16x3xf32, #tpu.memory_space<vmem>>, vector<1x1xf32>
    %mul3A_316 = vector.broadcast %get3A_315 : vector<1x1xf32> to vector<784x128xf32>
    %mul3A_317 = arith.mulf %mul3A_316, %mul3A_35 : vector<784x128xf32>
    %add3A_318 = arith.addf %add3A_312, %mul3A_317 : vector<784x128xf32>
    %get3A_319 = arith.constant 9 : index
    %get3A_320 = arith.constant 2 : index
    %get3A_321 = vector.load %arg5[%get3A_319, %get3A_320] : memref<16x3xf32, #tpu.memory_space<vmem>>, vector<1x1xf32>
    %mul3A_322 = vector.broadcast %get3A_321 : vector<1x1xf32> to vector<784x128xf32>
    %mul3A_323 = arith.mulf %mul3A_322, %mul3A_53 : vector<784x128xf32>
    %add3A_324 = arith.addf %add3A_318, %mul3A_323 : vector<784x128xf32>
    %get3A_325 = arith.constant 9 : index
    %get3A_326 = arith.constant 0 : index
    %get3A_327 = vector.load %arg6[%get3A_325, %get3A_326] : memref<16x1xf32, #tpu.memory_space<vmem>>, vector<1x1xf32>
    %add3A_328 = vector.broadcast %get3A_327 : vector<1x1xf32> to vector<784x128xf32>
    %add3A_329 = arith.addf %add3A_324, %add3A_328 : vector<784x128xf32>
    %max3A_330 = arith.constant 0.000000e+00 : f32
    %max3A_331 = vector.broadcast %max3A_330 : f32 to vector<784x128xf32>
    %max3A_332 = arith.maximumf %add3A_329, %max3A_331 : vector<784x128xf32>
    %get3A_333 = arith.constant 10 : index
    %get3A_334 = arith.constant 0 : index
    %get3A_335 = vector.load %arg5[%get3A_333, %get3A_334] : memref<16x3xf32, #tpu.memory_space<vmem>>, vector<1x1xf32>
    %mul3A_336 = vector.broadcast %get3A_335 : vector<1x1xf32> to vector<784x128xf32>
    %mul3A_337 = arith.mulf %mul3A_336, %mul3A : vector<784x128xf32>
    %add3A_338 = arith.constant 0.000000e+00 : f32
    %add3A_339 = vector.broadcast %add3A_338 : f32 to vector<784x128xf32>
    %add3A_340 = arith.addf %add3A_339, %mul3A_337 : vector<784x128xf32>
    %get3A_341 = arith.constant 10 : index
    %get3A_342 = arith.constant 1 : index
    %get3A_343 = vector.load %arg5[%get3A_341, %get3A_342] : memref<16x3xf32, #tpu.memory_space<vmem>>, vector<1x1xf32>
    %mul3A_344 = vector.broadcast %get3A_343 : vector<1x1xf32> to vector<784x128xf32>
    %mul3A_345 = arith.mulf %mul3A_344, %mul3A_35 : vector<784x128xf32>
    %add3A_346 = arith.addf %add3A_340, %mul3A_345 : vector<784x128xf32>
    %get3A_347 = arith.constant 10 : index
    %get3A_348 = arith.constant 2 : index
    %get3A_349 = vector.load %arg5[%get3A_347, %get3A_348] : memref<16x3xf32, #tpu.memory_space<vmem>>, vector<1x1xf32>
    %mul3A_350 = vector.broadcast %get3A_349 : vector<1x1xf32> to vector<784x128xf32>
    %mul3A_351 = arith.mulf %mul3A_350, %mul3A_53 : vector<784x128xf32>
    %add3A_352 = arith.addf %add3A_346, %mul3A_351 : vector<784x128xf32>
    %get3A_353 = arith.constant 10 : index
    %get3A_354 = arith.constant 0 : index
    %get3A_355 = vector.load %arg6[%get3A_353, %get3A_354] : memref<16x1xf32, #tpu.memory_space<vmem>>, vector<1x1xf32>
    %add3A_356 = vector.broadcast %get3A_355 : vector<1x1xf32> to vector<784x128xf32>
    %add3A_357 = arith.addf %add3A_352, %add3A_356 : vector<784x128xf32>
    %max3A_358 = arith.constant 0.000000e+00 : f32
    %max3A_359 = vector.broadcast %max3A_358 : f32 to vector<784x128xf32>
    %max3A_360 = arith.maximumf %add3A_357, %max3A_359 : vector<784x128xf32>
    %get3A_361 = arith.constant 11 : index
    %get3A_362 = arith.constant 0 : index
    %get3A_363 = vector.load %arg5[%get3A_361, %get3A_362] : memref<16x3xf32, #tpu.memory_space<vmem>>, vector<1x1xf32>
    %mul3A_364 = vector.broadcast %get3A_363 : vector<1x1xf32> to vector<784x128xf32>
    %mul3A_365 = arith.mulf %mul3A_364, %mul3A : vector<784x128xf32>
    %add3A_366 = arith.constant 0.000000e+00 : f32
    %add3A_367 = vector.broadcast %add3A_366 : f32 to vector<784x128xf32>
    %add3A_368 = arith.addf %add3A_367, %mul3A_365 : vector<784x128xf32>
    %get3A_369 = arith.constant 11 : index
    %get3A_370 = arith.constant 1 : index
    %get3A_371 = vector.load %arg5[%get3A_369, %get3A_370] : memref<16x3xf32, #tpu.memory_space<vmem>>, vector<1x1xf32>
    %mul3A_372 = vector.broadcast %get3A_371 : vector<1x1xf32> to vector<784x128xf32>
    %mul3A_373 = arith.mulf %mul3A_372, %mul3A_35 : vector<784x128xf32>
    %add3A_374 = arith.addf %add3A_368, %mul3A_373 : vector<784x128xf32>
    %get3A_375 = arith.constant 11 : index
    %get3A_376 = arith.constant 2 : index
    %get3A_377 = vector.load %arg5[%get3A_375, %get3A_376] : memref<16x3xf32, #tpu.memory_space<vmem>>, vector<1x1xf32>
    %mul3A_378 = vector.broadcast %get3A_377 : vector<1x1xf32> to vector<784x128xf32>
    %mul3A_379 = arith.mulf %mul3A_378, %mul3A_53 : vector<784x128xf32>
    %add3A_380 = arith.addf %add3A_374, %mul3A_379 : vector<784x128xf32>
    %get3A_381 = arith.constant 11 : index
    %get3A_382 = arith.constant 0 : index
    %get3A_383 = vector.load %arg6[%get3A_381, %get3A_382] : memref<16x1xf32, #tpu.memory_space<vmem>>, vector<1x1xf32>
    %add3A_384 = vector.broadcast %get3A_383 : vector<1x1xf32> to vector<784x128xf32>
    %add3A_385 = arith.addf %add3A_380, %add3A_384 : vector<784x128xf32>
    %max3A_386 = arith.constant 0.000000e+00 : f32
    %max3A_387 = vector.broadcast %max3A_386 : f32 to vector<784x128xf32>
    %max3A_388 = arith.maximumf %add3A_385, %max3A_387 : vector<784x128xf32>
    %get3A_389 = arith.constant 12 : index
    %get3A_390 = arith.constant 0 : index
    %get3A_391 = vector.load %arg5[%get3A_389, %get3A_390] : memref<16x3xf32, #tpu.memory_space<vmem>>, vector<1x1xf32>
    %mul3A_392 = vector.broadcast %get3A_391 : vector<1x1xf32> to vector<784x128xf32>
    %mul3A_393 = arith.mulf %mul3A_392, %mul3A : vector<784x128xf32>
    %add3A_394 = arith.constant 0.000000e+00 : f32
    %add3A_395 = vector.broadcast %add3A_394 : f32 to vector<784x128xf32>
    %add3A_396 = arith.addf %add3A_395, %mul3A_393 : vector<784x128xf32>
    %get3A_397 = arith.constant 12 : index
    %get3A_398 = arith.constant 1 : index
    %get3A_399 = vector.load %arg5[%get3A_397, %get3A_398] : memref<16x3xf32, #tpu.memory_space<vmem>>, vector<1x1xf32>
    %mul3A_400 = vector.broadcast %get3A_399 : vector<1x1xf32> to vector<784x128xf32>
    %mul3A_401 = arith.mulf %mul3A_400, %mul3A_35 : vector<784x128xf32>
    %add3A_402 = arith.addf %add3A_396, %mul3A_401 : vector<784x128xf32>
    %get3A_403 = arith.constant 12 : index
    %get3A_404 = arith.constant 2 : index
    %get3A_405 = vector.load %arg5[%get3A_403, %get3A_404] : memref<16x3xf32, #tpu.memory_space<vmem>>, vector<1x1xf32>
    %mul3A_406 = vector.broadcast %get3A_405 : vector<1x1xf32> to vector<784x128xf32>
    %mul3A_407 = arith.mulf %mul3A_406, %mul3A_53 : vector<784x128xf32>
    %add3A_408 = arith.addf %add3A_402, %mul3A_407 : vector<784x128xf32>
    %get3A_409 = arith.constant 12 : index
    %get3A_410 = arith.constant 0 : index
    %get3A_411 = vector.load %arg6[%get3A_409, %get3A_410] : memref<16x1xf32, #tpu.memory_space<vmem>>, vector<1x1xf32>
    %add3A_412 = vector.broadcast %get3A_411 : vector<1x1xf32> to vector<784x128xf32>
    %add3A_413 = arith.addf %add3A_408, %add3A_412 : vector<784x128xf32>
    %max3A_414 = arith.constant 0.000000e+00 : f32
    %max3A_415 = vector.broadcast %max3A_414 : f32 to vector<784x128xf32>
    %max3A_416 = arith.maximumf %add3A_413, %max3A_415 : vector<784x128xf32>
    %get3A_417 = arith.constant 13 : index
    %get3A_418 = arith.constant 0 : index
    %get3A_419 = vector.load %arg5[%get3A_417, %get3A_418] : memref<16x3xf32, #tpu.memory_space<vmem>>, vector<1x1xf32>
    %mul3A_420 = vector.broadcast %get3A_419 : vector<1x1xf32> to vector<784x128xf32>
    %mul3A_421 = arith.mulf %mul3A_420, %mul3A : vector<784x128xf32>
    %add3A_422 = arith.constant 0.000000e+00 : f32
    %add3A_423 = vector.broadcast %add3A_422 : f32 to vector<784x128xf32>
    %add3A_424 = arith.addf %add3A_423, %mul3A_421 : vector<784x128xf32>
    %get3A_425 = arith.constant 13 : index
    %get3A_426 = arith.constant 1 : index
    %get3A_427 = vector.load %arg5[%get3A_425, %get3A_426] : memref<16x3xf32, #tpu.memory_space<vmem>>, vector<1x1xf32>
    %mul3A_428 = vector.broadcast %get3A_427 : vector<1x1xf32> to vector<784x128xf32>
    %mul3A_429 = arith.mulf %mul3A_428, %mul3A_35 : vector<784x128xf32>
    %add3A_430 = arith.addf %add3A_424, %mul3A_429 : vector<784x128xf32>
    %get3A_431 = arith.constant 13 : index
    %get3A_432 = arith.constant 2 : index
    %get3A_433 = vector.load %arg5[%get3A_431, %get3A_432] : memref<16x3xf32, #tpu.memory_space<vmem>>, vector<1x1xf32>
    %mul3A_434 = vector.broadcast %get3A_433 : vector<1x1xf32> to vector<784x128xf32>
    %mul3A_435 = arith.mulf %mul3A_434, %mul3A_53 : vector<784x128xf32>
    %add3A_436 = arith.addf %add3A_430, %mul3A_435 : vector<784x128xf32>
    %get3A_437 = arith.constant 13 : index
    %get3A_438 = arith.constant 0 : index
    %get3A_439 = vector.load %arg6[%get3A_437, %get3A_438] : memref<16x1xf32, #tpu.memory_space<vmem>>, vector<1x1xf32>
    %add3A_440 = vector.broadcast %get3A_439 : vector<1x1xf32> to vector<784x128xf32>
    %add3A_441 = arith.addf %add3A_436, %add3A_440 : vector<784x128xf32>
    %max3A_442 = arith.constant 0.000000e+00 : f32
    %max3A_443 = vector.broadcast %max3A_442 : f32 to vector<784x128xf32>
    %max3A_444 = arith.maximumf %add3A_441, %max3A_443 : vector<784x128xf32>
    %get3A_445 = arith.constant 14 : index
    %get3A_446 = arith.constant 0 : index
    %get3A_447 = vector.load %arg5[%get3A_445, %get3A_446] : memref<16x3xf32, #tpu.memory_space<vmem>>, vector<1x1xf32>
    %mul3A_448 = vector.broadcast %get3A_447 : vector<1x1xf32> to vector<784x128xf32>
    %mul3A_449 = arith.mulf %mul3A_448, %mul3A : vector<784x128xf32>
    %add3A_450 = arith.constant 0.000000e+00 : f32
    %add3A_451 = vector.broadcast %add3A_450 : f32 to vector<784x128xf32>
    %add3A_452 = arith.addf %add3A_451, %mul3A_449 : vector<784x128xf32>
    %get3A_453 = arith.constant 14 : index
    %get3A_454 = arith.constant 1 : index
    %get3A_455 = vector.load %arg5[%get3A_453, %get3A_454] : memref<16x3xf32, #tpu.memory_space<vmem>>, vector<1x1xf32>
    %mul3A_456 = vector.broadcast %get3A_455 : vector<1x1xf32> to vector<784x128xf32>
    %mul3A_457 = arith.mulf %mul3A_456, %mul3A_35 : vector<784x128xf32>
    %add3A_458 = arith.addf %add3A_452, %mul3A_457 : vector<784x128xf32>
    %get3A_459 = arith.constant 14 : index
    %get3A_460 = arith.constant 2 : index
    %get3A_461 = vector.load %arg5[%get3A_459, %get3A_460] : memref<16x3xf32, #tpu.memory_space<vmem>>, vector<1x1xf32>
    %mul3A_462 = vector.broadcast %get3A_461 : vector<1x1xf32> to vector<784x128xf32>
    %mul3A_463 = arith.mulf %mul3A_462, %mul3A_53 : vector<784x128xf32>
    %add3A_464 = arith.addf %add3A_458, %mul3A_463 : vector<784x128xf32>
    %get3A_465 = arith.constant 14 : index
    %get3A_466 = arith.constant 0 : index
    %get3A_467 = vector.load %arg6[%get3A_465, %get3A_466] : memref<16x1xf32, #tpu.memory_space<vmem>>, vector<1x1xf32>
    %add3A_468 = vector.broadcast %get3A_467 : vector<1x1xf32> to vector<784x128xf32>
    %add3A_469 = arith.addf %add3A_464, %add3A_468 : vector<784x128xf32>
    %max3A_470 = arith.constant 0.000000e+00 : f32
    %max3A_471 = vector.broadcast %max3A_470 : f32 to vector<784x128xf32>
    %max3A_472 = arith.maximumf %add3A_469, %max3A_471 : vector<784x128xf32>
    %get3A_473 = arith.constant 15 : index
    %get3A_474 = arith.constant 0 : index
    %get3A_475 = vector.load %arg5[%get3A_473, %get3A_474] : memref<16x3xf32, #tpu.memory_space<vmem>>, vector<1x1xf32>
    %mul3A_476 = vector.broadcast %get3A_475 : vector<1x1xf32> to vector<784x128xf32>
    %mul3A_477 = arith.mulf %mul3A_476, %mul3A : vector<784x128xf32>
    %add3A_478 = arith.constant 0.000000e+00 : f32
    %add3A_479 = vector.broadcast %add3A_478 : f32 to vector<784x128xf32>
    %add3A_480 = arith.addf %add3A_479, %mul3A_477 : vector<784x128xf32>
    %get3A_481 = arith.constant 15 : index
    %get3A_482 = arith.constant 1 : index
    %get3A_483 = vector.load %arg5[%get3A_481, %get3A_482] : memref<16x3xf32, #tpu.memory_space<vmem>>, vector<1x1xf32>
    %mul3A_484 = vector.broadcast %get3A_483 : vector<1x1xf32> to vector<784x128xf32>
    %mul3A_485 = arith.mulf %mul3A_484, %mul3A_35 : vector<784x128xf32>
    %add3A_486 = arith.addf %add3A_480, %mul3A_485 : vector<784x128xf32>
    %get3A_487 = arith.constant 15 : index
    %get3A_488 = arith.constant 2 : index
    %get3A_489 = vector.load %arg5[%get3A_487, %get3A_488] : memref<16x3xf32, #tpu.memory_space<vmem>>, vector<1x1xf32>
    %mul3A_490 = vector.broadcast %get3A_489 : vector<1x1xf32> to vector<784x128xf32>
    %mul3A_491 = arith.mulf %mul3A_490, %mul3A_53 : vector<784x128xf32>
    %add3A_492 = arith.addf %add3A_486, %mul3A_491 : vector<784x128xf32>
    %get3A_493 = arith.constant 15 : index
    %get3A_494 = arith.constant 0 : index
    %get3A_495 = vector.load %arg6[%get3A_493, %get3A_494] : memref<16x1xf32, #tpu.memory_space<vmem>>, vector<1x1xf32>
    %add3A_496 = vector.broadcast %get3A_495 : vector<1x1xf32> to vector<784x128xf32>
    %add3A_497 = arith.addf %add3A_492, %add3A_496 : vector<784x128xf32>
    %max3A_498 = arith.constant 0.000000e+00 : f32
    %max3A_499 = vector.broadcast %max3A_498 : f32 to vector<784x128xf32>
    %max3A_500 = arith.maximumf %add3A_497, %max3A_499 : vector<784x128xf32>
    %get3A_501 = arith.constant 0 : index
    %get3A_502 = arith.constant 0 : index
    %get3A_503 = vector.load %arg7[%get3A_501, %get3A_502] : memref<2x16xf32, #tpu.memory_space<vmem>>, vector<1x1xf32>
    %mul3A_504 = vector.broadcast %get3A_503 : vector<1x1xf32> to vector<784x128xf32>
    %mul3A_505 = arith.mulf %mul3A_504, %max3A_80 : vector<784x128xf32>
    %add3A_506 = arith.constant 0.000000e+00 : f32
    %add3A_507 = vector.broadcast %add3A_506 : f32 to vector<784x128xf32>
    %add3A_508 = arith.addf %add3A_507, %mul3A_505 : vector<784x128xf32>
    %get3A_509 = arith.constant 0 : index
    %get3A_510 = arith.constant 1 : index
    %get3A_511 = vector.load %arg7[%get3A_509, %get3A_510] : memref<2x16xf32, #tpu.memory_space<vmem>>, vector<1x1xf32>
    %mul3A_512 = vector.broadcast %get3A_511 : vector<1x1xf32> to vector<784x128xf32>
    %mul3A_513 = arith.mulf %mul3A_512, %max3A_108 : vector<784x128xf32>
    %add3A_514 = arith.addf %add3A_508, %mul3A_513 : vector<784x128xf32>
    %get3A_515 = arith.constant 0 : index
    %get3A_516 = arith.constant 2 : index
    %get3A_517 = vector.load %arg7[%get3A_515, %get3A_516] : memref<2x16xf32, #tpu.memory_space<vmem>>, vector<1x1xf32>
    %mul3A_518 = vector.broadcast %get3A_517 : vector<1x1xf32> to vector<784x128xf32>
    %mul3A_519 = arith.mulf %mul3A_518, %max3A_136 : vector<784x128xf32>
    %add3A_520 = arith.addf %add3A_514, %mul3A_519 : vector<784x128xf32>
    %get3A_521 = arith.constant 0 : index
    %get3A_522 = arith.constant 3 : index
    %get3A_523 = vector.load %arg7[%get3A_521, %get3A_522] : memref<2x16xf32, #tpu.memory_space<vmem>>, vector<1x1xf32>
    %mul3A_524 = vector.broadcast %get3A_523 : vector<1x1xf32> to vector<784x128xf32>
    %mul3A_525 = arith.mulf %mul3A_524, %max3A_164 : vector<784x128xf32>
    %add3A_526 = arith.addf %add3A_520, %mul3A_525 : vector<784x128xf32>
    %get3A_527 = arith.constant 0 : index
    %get3A_528 = arith.constant 4 : index
    %get3A_529 = vector.load %arg7[%get3A_527, %get3A_528] : memref<2x16xf32, #tpu.memory_space<vmem>>, vector<1x1xf32>
    %mul3A_530 = vector.broadcast %get3A_529 : vector<1x1xf32> to vector<784x128xf32>
    %mul3A_531 = arith.mulf %mul3A_530, %max3A_192 : vector<784x128xf32>
    %add3A_532 = arith.addf %add3A_526, %mul3A_531 : vector<784x128xf32>
    %get3A_533 = arith.constant 0 : index
    %get3A_534 = arith.constant 5 : index
    %get3A_535 = vector.load %arg7[%get3A_533, %get3A_534] : memref<2x16xf32, #tpu.memory_space<vmem>>, vector<1x1xf32>
    %mul3A_536 = vector.broadcast %get3A_535 : vector<1x1xf32> to vector<784x128xf32>
    %mul3A_537 = arith.mulf %mul3A_536, %max3A_220 : vector<784x128xf32>
    %add3A_538 = arith.addf %add3A_532, %mul3A_537 : vector<784x128xf32>
    %get3A_539 = arith.constant 0 : index
    %get3A_540 = arith.constant 6 : index
    %get3A_541 = vector.load %arg7[%get3A_539, %get3A_540] : memref<2x16xf32, #tpu.memory_space<vmem>>, vector<1x1xf32>
    %mul3A_542 = vector.broadcast %get3A_541 : vector<1x1xf32> to vector<784x128xf32>
    %mul3A_543 = arith.mulf %mul3A_542, %max3A_248 : vector<784x128xf32>
    %add3A_544 = arith.addf %add3A_538, %mul3A_543 : vector<784x128xf32>
    %get3A_545 = arith.constant 0 : index
    %get3A_546 = arith.constant 7 : index
    %get3A_547 = vector.load %arg7[%get3A_545, %get3A_546] : memref<2x16xf32, #tpu.memory_space<vmem>>, vector<1x1xf32>
    %mul3A_548 = vector.broadcast %get3A_547 : vector<1x1xf32> to vector<784x128xf32>
    %mul3A_549 = arith.mulf %mul3A_548, %max3A_276 : vector<784x128xf32>
    %add3A_550 = arith.addf %add3A_544, %mul3A_549 : vector<784x128xf32>
    %get3A_551 = arith.constant 0 : index
    %get3A_552 = arith.constant 8 : index
    %get3A_553 = vector.load %arg7[%get3A_551, %get3A_552] : memref<2x16xf32, #tpu.memory_space<vmem>>, vector<1x1xf32>
    %mul3A_554 = vector.broadcast %get3A_553 : vector<1x1xf32> to vector<784x128xf32>
    %mul3A_555 = arith.mulf %mul3A_554, %max3A_304 : vector<784x128xf32>
    %add3A_556 = arith.addf %add3A_550, %mul3A_555 : vector<784x128xf32>
    %get3A_557 = arith.constant 0 : index
    %get3A_558 = arith.constant 9 : index
    %get3A_559 = vector.load %arg7[%get3A_557, %get3A_558] : memref<2x16xf32, #tpu.memory_space<vmem>>, vector<1x1xf32>
    %mul3A_560 = vector.broadcast %get3A_559 : vector<1x1xf32> to vector<784x128xf32>
    %mul3A_561 = arith.mulf %mul3A_560, %max3A_332 : vector<784x128xf32>
    %add3A_562 = arith.addf %add3A_556, %mul3A_561 : vector<784x128xf32>
    %get3A_563 = arith.constant 0 : index
    %get3A_564 = arith.constant 10 : index
    %get3A_565 = vector.load %arg7[%get3A_563, %get3A_564] : memref<2x16xf32, #tpu.memory_space<vmem>>, vector<1x1xf32>
    %mul3A_566 = vector.broadcast %get3A_565 : vector<1x1xf32> to vector<784x128xf32>
    %mul3A_567 = arith.mulf %mul3A_566, %max3A_360 : vector<784x128xf32>
    %add3A_568 = arith.addf %add3A_562, %mul3A_567 : vector<784x128xf32>
    %get3A_569 = arith.constant 0 : index
    %get3A_570 = arith.constant 11 : index
    %get3A_571 = vector.load %arg7[%get3A_569, %get3A_570] : memref<2x16xf32, #tpu.memory_space<vmem>>, vector<1x1xf32>
    %mul3A_572 = vector.broadcast %get3A_571 : vector<1x1xf32> to vector<784x128xf32>
    %mul3A_573 = arith.mulf %mul3A_572, %max3A_388 : vector<784x128xf32>
    %add3A_574 = arith.addf %add3A_568, %mul3A_573 : vector<784x128xf32>
    %get3A_575 = arith.constant 0 : index
    %get3A_576 = arith.constant 12 : index
    %get3A_577 = vector.load %arg7[%get3A_575, %get3A_576] : memref<2x16xf32, #tpu.memory_space<vmem>>, vector<1x1xf32>
    %mul3A_578 = vector.broadcast %get3A_577 : vector<1x1xf32> to vector<784x128xf32>
    %mul3A_579 = arith.mulf %mul3A_578, %max3A_416 : vector<784x128xf32>
    %add3A_580 = arith.addf %add3A_574, %mul3A_579 : vector<784x128xf32>
    %get3A_581 = arith.constant 0 : index
    %get3A_582 = arith.constant 13 : index
    %get3A_583 = vector.load %arg7[%get3A_581, %get3A_582] : memref<2x16xf32, #tpu.memory_space<vmem>>, vector<1x1xf32>
    %mul3A_584 = vector.broadcast %get3A_583 : vector<1x1xf32> to vector<784x128xf32>
    %mul3A_585 = arith.mulf %mul3A_584, %max3A_444 : vector<784x128xf32>
    %add3A_586 = arith.addf %add3A_580, %mul3A_585 : vector<784x128xf32>
    %get3A_587 = arith.constant 0 : index
    %get3A_588 = arith.constant 14 : index
    %get3A_589 = vector.load %arg7[%get3A_587, %get3A_588] : memref<2x16xf32, #tpu.memory_space<vmem>>, vector<1x1xf32>
    %mul3A_590 = vector.broadcast %get3A_589 : vector<1x1xf32> to vector<784x128xf32>
    %mul3A_591 = arith.mulf %mul3A_590, %max3A_472 : vector<784x128xf32>
    %add3A_592 = arith.addf %add3A_586, %mul3A_591 : vector<784x128xf32>
    %get3A_593 = arith.constant 0 : index
    %get3A_594 = arith.constant 15 : index
    %get3A_595 = vector.load %arg7[%get3A_593, %get3A_594] : memref<2x16xf32, #tpu.memory_space<vmem>>, vector<1x1xf32>
    %mul3A_596 = vector.broadcast %get3A_595 : vector<1x1xf32> to vector<784x128xf32>
    %mul3A_597 = arith.mulf %mul3A_596, %max3A_500 : vector<784x128xf32>
    %add3A_598 = arith.addf %add3A_592, %mul3A_597 : vector<784x128xf32>
    %mul3A_599 = arith.mulf %add3A_598, %get3A_1 : vector<784x128xf32>
    %swap3A = arith.constant 0 : index
    %swap3A_600 = arith.constant 0 : index
    %swap3A_601 = arith.constant 0 : index
    %swap3A_602 = vector.load %arg8[%swap3A, %swap3A_600, %swap3A_601] : memref<2x784x128xf32, #tpu.memory_space<vmem>>, vector<1x784x128xf32>
    %swap3A_603 = vector.shape_cast %swap3A_602 : vector<1x784x128xf32> to vector<784x128xf32>
    %swap3A_604 = vector.shape_cast %mul3A_599 : vector<784x128xf32> to vector<1x784x128xf32>
    tpu.vector_store %arg8[%swap3A, %swap3A_600, %swap3A_601], %swap3A_604 {strides = array<i32>} : memref<2x784x128xf32, #tpu.memory_space<vmem>>, vector<1x784x128xf32>,
    %get3A_605 = arith.constant 1 : index
    %get3A_606 = arith.constant 0 : index
    %get3A_607 = vector.load %arg7[%get3A_605, %get3A_606] : memref<2x16xf32, #tpu.memory_space<vmem>>, vector<1x1xf32>
    %mul3A_608 = vector.broadcast %get3A_607 : vector<1x1xf32> to vector<784x128xf32>
    %mul3A_609 = arith.mulf %mul3A_608, %max3A_80 : vector<784x128xf32>
    %add3A_610 = arith.constant 0.000000e+00 : f32
    %add3A_611 = vector.broadcast %add3A_610 : f32 to vector<784x128xf32>
    %add3A_612 = arith.addf %add3A_611, %mul3A_609 : vector<784x128xf32>
    %get3A_613 = arith.constant 1 : index
    %get3A_614 = arith.constant 1 : index
    %get3A_615 = vector.load %arg7[%get3A_613, %get3A_614] : memref<2x16xf32, #tpu.memory_space<vmem>>, vector<1x1xf32>
    %mul3A_616 = vector.broadcast %get3A_615 : vector<1x1xf32> to vector<784x128xf32>
    %mul3A_617 = arith.mulf %mul3A_616, %max3A_108 : vector<784x128xf32>
    %add3A_618 = arith.addf %add3A_612, %mul3A_617 : vector<784x128xf32>
    %get3A_619 = arith.constant 1 : index
    %get3A_620 = arith.constant 2 : index
    %get3A_621 = vector.load %arg7[%get3A_619, %get3A_620] : memref<2x16xf32, #tpu.memory_space<vmem>>, vector<1x1xf32>
    %mul3A_622 = vector.broadcast %get3A_621 : vector<1x1xf32> to vector<784x128xf32>
    %mul3A_623 = arith.mulf %mul3A_622, %max3A_136 : vector<784x128xf32>
    %add3A_624 = arith.addf %add3A_618, %mul3A_623 : vector<784x128xf32>
    %get3A_625 = arith.constant 1 : index
    %get3A_626 = arith.constant 3 : index
    %get3A_627 = vector.load %arg7[%get3A_625, %get3A_626] : memref<2x16xf32, #tpu.memory_space<vmem>>, vector<1x1xf32>
    %mul3A_628 = vector.broadcast %get3A_627 : vector<1x1xf32> to vector<784x128xf32>
    %mul3A_629 = arith.mulf %mul3A_628, %max3A_164 : vector<784x128xf32>
    %add3A_630 = arith.addf %add3A_624, %mul3A_629 : vector<784x128xf32>
    %get3A_631 = arith.constant 1 : index
    %get3A_632 = arith.constant 4 : index
    %get3A_633 = vector.load %arg7[%get3A_631, %get3A_632] : memref<2x16xf32, #tpu.memory_space<vmem>>, vector<1x1xf32>
    %mul3A_634 = vector.broadcast %get3A_633 : vector<1x1xf32> to vector<784x128xf32>
    %mul3A_635 = arith.mulf %mul3A_634, %max3A_192 : vector<784x128xf32>
    %add3A_636 = arith.addf %add3A_630, %mul3A_635 : vector<784x128xf32>
    %get3A_637 = arith.constant 1 : index
    %get3A_638 = arith.constant 5 : index
    %get3A_639 = vector.load %arg7[%get3A_637, %get3A_638] : memref<2x16xf32, #tpu.memory_space<vmem>>, vector<1x1xf32>
    %mul3A_640 = vector.broadcast %get3A_639 : vector<1x1xf32> to vector<784x128xf32>
    %mul3A_641 = arith.mulf %mul3A_640, %max3A_220 : vector<784x128xf32>
    %add3A_642 = arith.addf %add3A_636, %mul3A_641 : vector<784x128xf32>
    %get3A_643 = arith.constant 1 : index
    %get3A_644 = arith.constant 6 : index
    %get3A_645 = vector.load %arg7[%get3A_643, %get3A_644] : memref<2x16xf32, #tpu.memory_space<vmem>>, vector<1x1xf32>
    %mul3A_646 = vector.broadcast %get3A_645 : vector<1x1xf32> to vector<784x128xf32>
    %mul3A_647 = arith.mulf %mul3A_646, %max3A_248 : vector<784x128xf32>
    %add3A_648 = arith.addf %add3A_642, %mul3A_647 : vector<784x128xf32>
    %get3A_649 = arith.constant 1 : index
    %get3A_650 = arith.constant 7 : index
    %get3A_651 = vector.load %arg7[%get3A_649, %get3A_650] : memref<2x16xf32, #tpu.memory_space<vmem>>, vector<1x1xf32>
    %mul3A_652 = vector.broadcast %get3A_651 : vector<1x1xf32> to vector<784x128xf32>
    %mul3A_653 = arith.mulf %mul3A_652, %max3A_276 : vector<784x128xf32>
    %add3A_654 = arith.addf %add3A_648, %mul3A_653 : vector<784x128xf32>
    %get3A_655 = arith.constant 1 : index
    %get3A_656 = arith.constant 8 : index
    %get3A_657 = vector.load %arg7[%get3A_655, %get3A_656] : memref<2x16xf32, #tpu.memory_space<vmem>>, vector<1x1xf32>
    %mul3A_658 = vector.broadcast %get3A_657 : vector<1x1xf32> to vector<784x128xf32>
    %mul3A_659 = arith.mulf %mul3A_658, %max3A_304 : vector<784x128xf32>
    %add3A_660 = arith.addf %add3A_654, %mul3A_659 : vector<784x128xf32>
    %get3A_661 = arith.constant 1 : index
    %get3A_662 = arith.constant 9 : index
    %get3A_663 = vector.load %arg7[%get3A_661, %get3A_662] : memref<2x16xf32, #tpu.memory_space<vmem>>, vector<1x1xf32>
    %mul3A_664 = vector.broadcast %get3A_663 : vector<1x1xf32> to vector<784x128xf32>
    %mul3A_665 = arith.mulf %mul3A_664, %max3A_332 : vector<784x128xf32>
    %add3A_666 = arith.addf %add3A_660, %mul3A_665 : vector<784x128xf32>
    %get3A_667 = arith.constant 1 : index
    %get3A_668 = arith.constant 10 : index
    %get3A_669 = vector.load %arg7[%get3A_667, %get3A_668] : memref<2x16xf32, #tpu.memory_space<vmem>>, vector<1x1xf32>
    %mul3A_670 = vector.broadcast %get3A_669 : vector<1x1xf32> to vector<784x128xf32>
    %mul3A_671 = arith.mulf %mul3A_670, %max3A_360 : vector<784x128xf32>
    %add3A_672 = arith.addf %add3A_666, %mul3A_671 : vector<784x128xf32>
    %get3A_673 = arith.constant 1 : index
    %get3A_674 = arith.constant 11 : index
    %get3A_675 = vector.load %arg7[%get3A_673, %get3A_674] : memref<2x16xf32, #tpu.memory_space<vmem>>, vector<1x1xf32>
    %mul3A_676 = vector.broadcast %get3A_675 : vector<1x1xf32> to vector<784x128xf32>
    %mul3A_677 = arith.mulf %mul3A_676, %max3A_388 : vector<784x128xf32>
    %add3A_678 = arith.addf %add3A_672, %mul3A_677 : vector<784x128xf32>
    %get3A_679 = arith.constant 1 : index
    %get3A_680 = arith.constant 12 : index
    %get3A_681 = vector.load %arg7[%get3A_679, %get3A_680] : memref<2x16xf32, #tpu.memory_space<vmem>>, vector<1x1xf32>
    %mul3A_682 = vector.broadcast %get3A_681 : vector<1x1xf32> to vector<784x128xf32>
    %mul3A_683 = arith.mulf %mul3A_682, %max3A_416 : vector<784x128xf32>
    %add3A_684 = arith.addf %add3A_678, %mul3A_683 : vector<784x128xf32>
    %get3A_685 = arith.constant 1 : index
    %get3A_686 = arith.constant 13 : index
    %get3A_687 = vector.load %arg7[%get3A_685, %get3A_686] : memref<2x16xf32, #tpu.memory_space<vmem>>, vector<1x1xf32>
    %mul3A_688 = vector.broadcast %get3A_687 : vector<1x1xf32> to vector<784x128xf32>
    %mul3A_689 = arith.mulf %mul3A_688, %max3A_444 : vector<784x128xf32>
    %add3A_690 = arith.addf %add3A_684, %mul3A_689 : vector<784x128xf32>
    %get3A_691 = arith.constant 1 : index
    %get3A_692 = arith.constant 14 : index
    %get3A_693 = vector.load %arg7[%get3A_691, %get3A_692] : memref<2x16xf32, #tpu.memory_space<vmem>>, vector<1x1xf32>
    %mul3A_694 = vector.broadcast %get3A_693 : vector<1x1xf32> to vector<784x128xf32>
    %mul3A_695 = arith.mulf %mul3A_694, %max3A_472 : vector<784x128xf32>
    %add3A_696 = arith.addf %add3A_690, %mul3A_695 : vector<784x128xf32>
    %get3A_697 = arith.constant 1 : index
    %get3A_698 = arith.constant 15 : index
    %get3A_699 = vector.load %arg7[%get3A_697, %get3A_698] : memref<2x16xf32, #tpu.memory_space<vmem>>, vector<1x1xf32>
    %mul3A_700 = vector.broadcast %get3A_699 : vector<1x1xf32> to vector<784x128xf32>
    %mul3A_701 = arith.mulf %mul3A_700, %max3A_500 : vector<784x128xf32>
    %add3A_702 = arith.addf %add3A_696, %mul3A_701 : vector<784x128xf32>
    %mul3A_703 = arith.mulf %add3A_702, %get3A_1 : vector<784x128xf32>
    %swap3A_704 = arith.constant 1 : index
    %swap3A_705 = arith.constant 0 : index
    %swap3A_706 = arith.constant 0 : index
    %swap3A_707 = vector.load %arg8[%swap3A_704, %swap3A_705, %swap3A_706] : memref<2x784x128xf32, #tpu.memory_space<vmem>>, vector<1x784x128xf32>
    %swap3A_708 = vector.shape_cast %swap3A_707 : vector<1x784x128xf32> to vector<784x128xf32>
    %swap3A_709 = vector.shape_cast %mul3A_703 : vector<784x128xf32> to vector<1x784x128xf32>
    tpu.vector_store %arg8[%swap3A_704, %swap3A_705, %swap3A_706], %swap3A_709 {strides = array<i32>} : memref<2x784x128xf32, #tpu.memory_space<vmem>>, vector<1x784x128xf32>,
    return
  }
}

module attributes {stable_mosaic.version = 14 : i64} {
  func.func @_final_body(%arg0: memref<2x784x128xf32, #tpu.memory_space<vmem>>, %arg1: memref<2x784x128xf32, #tpu.memory_space<vmem>>, %arg2: memref<2x784x128xf32, #tpu.memory_space<vmem>>, %arg3: memref<784x128xf32, #tpu.memory_space<vmem>>, %arg4: memref<2x1xf32, #tpu.memory_space<vmem>>, %arg5: memref<2x784x128xf32, #tpu.memory_space<vmem>>) attributes {dimension_semantics = [], scalar_prefetch = 0 : i64, scratch_operands = 0 : i64, tpu.core_type = #tpu.core_type<tc>} {
    %get3A = arith.constant 0 : index
    %get3A_0 = arith.constant 0 : index
    %get3A_1 = vector.load %arg3[%get3A, %get3A_0] : memref<784x128xf32, #tpu.memory_space<vmem>>, vector<784x128xf32>
    %get3A_2 = arith.constant 0 : index
    %get3A_3 = arith.constant 0 : index
    %get3A_4 = arith.constant 0 : index
    %get3A_5 = vector.load %arg2[%get3A_2, %get3A_3, %get3A_4] : memref<2x784x128xf32, #tpu.memory_space<vmem>>, vector<1x784x128xf32>
    %get3A_6 = vector.shape_cast %get3A_5 : vector<1x784x128xf32> to vector<784x128xf32>
    %get3A_7 = arith.constant 0 : index
    %get3A_8 = arith.constant 0 : index
    %get3A_9 = arith.constant 0 : index
    %get3A_10 = vector.load %arg0[%get3A_7, %get3A_8, %get3A_9] : memref<2x784x128xf32, #tpu.memory_space<vmem>>, vector<1x784x128xf32>
    %get3A_11 = vector.shape_cast %get3A_10 : vector<1x784x128xf32> to vector<784x128xf32>
    %add3A = arith.addf %get3A_6, %get3A_11 : vector<784x128xf32>
    %get3A_12 = arith.constant 1 : index
    %get3A_13 = arith.constant 0 : index
    %get3A_14 = arith.constant 0 : index
    %get3A_15 = vector.load %arg0[%get3A_12, %get3A_13, %get3A_14] : memref<2x784x128xf32, #tpu.memory_space<vmem>>, vector<1x784x128xf32>
    %get3A_16 = vector.shape_cast %get3A_15 : vector<1x784x128xf32> to vector<784x128xf32>
    %add3A_17 = arith.addf %add3A, %get3A_16 : vector<784x128xf32>
    %mul3A = arith.mulf %add3A_17, %get3A_1 : vector<784x128xf32>
    %get3A_18 = arith.constant 0 : index
    %get3A_19 = arith.constant 0 : index
    %get3A_20 = vector.load %arg4[%get3A_18, %get3A_19] : memref<2x1xf32, #tpu.memory_space<vmem>>, vector<1x1xf32>
    %add3A_21 = vector.broadcast %get3A_20 : vector<1x1xf32> to vector<784x128xf32>
    %add3A_22 = arith.addf %mul3A, %add3A_21 : vector<784x128xf32>
    %get3A_23 = arith.constant 1 : index
    %get3A_24 = arith.constant 0 : index
    %get3A_25 = arith.constant 0 : index
    %get3A_26 = vector.load %arg2[%get3A_23, %get3A_24, %get3A_25] : memref<2x784x128xf32, #tpu.memory_space<vmem>>, vector<1x784x128xf32>
    %get3A_27 = vector.shape_cast %get3A_26 : vector<1x784x128xf32> to vector<784x128xf32>
    %get3A_28 = arith.constant 0 : index
    %get3A_29 = arith.constant 0 : index
    %get3A_30 = arith.constant 0 : index
    %get3A_31 = vector.load %arg1[%get3A_28, %get3A_29, %get3A_30] : memref<2x784x128xf32, #tpu.memory_space<vmem>>, vector<1x784x128xf32>
    %get3A_32 = vector.shape_cast %get3A_31 : vector<1x784x128xf32> to vector<784x128xf32>
    %add3A_33 = arith.addf %get3A_27, %get3A_32 : vector<784x128xf32>
    %get3A_34 = arith.constant 1 : index
    %get3A_35 = arith.constant 0 : index
    %get3A_36 = arith.constant 0 : index
    %get3A_37 = vector.load %arg1[%get3A_34, %get3A_35, %get3A_36] : memref<2x784x128xf32, #tpu.memory_space<vmem>>, vector<1x784x128xf32>
    %get3A_38 = vector.shape_cast %get3A_37 : vector<1x784x128xf32> to vector<784x128xf32>
    %add3A_39 = arith.addf %add3A_33, %get3A_38 : vector<784x128xf32>
    %mul3A_40 = arith.mulf %add3A_39, %get3A_1 : vector<784x128xf32>
    %get3A_41 = arith.constant 1 : index
    %get3A_42 = arith.constant 0 : index
    %get3A_43 = vector.load %arg4[%get3A_41, %get3A_42] : memref<2x1xf32, #tpu.memory_space<vmem>>, vector<1x1xf32>
    %add3A_44 = vector.broadcast %get3A_43 : vector<1x1xf32> to vector<784x128xf32>
    %add3A_45 = arith.addf %mul3A_40, %add3A_44 : vector<784x128xf32>
    %max3A = arith.maximumf %add3A_22, %add3A_45 : vector<784x128xf32>
    %sub3A = arith.subf %add3A_22, %max3A : vector<784x128xf32>
    %exp3A = math.exp %sub3A : vector<784x128xf32>
    %sub3A_46 = arith.subf %add3A_45, %max3A : vector<784x128xf32>
    %exp3A_47 = math.exp %sub3A_46 : vector<784x128xf32>
    %add3A_48 = arith.addf %exp3A, %exp3A_47 : vector<784x128xf32>
    %log3A = math.log %add3A_48 : vector<784x128xf32>
    %add3A_49 = arith.addf %max3A, %log3A : vector<784x128xf32>
    %sub3A_50 = arith.subf %add3A_22, %add3A_49 : vector<784x128xf32>
    %swap3A = arith.constant 0 : index
    %swap3A_51 = arith.constant 0 : index
    %swap3A_52 = arith.constant 0 : index
    %swap3A_53 = vector.load %arg5[%swap3A, %swap3A_51, %swap3A_52] : memref<2x784x128xf32, #tpu.memory_space<vmem>>, vector<1x784x128xf32>
    %swap3A_54 = vector.shape_cast %swap3A_53 : vector<1x784x128xf32> to vector<784x128xf32>
    %swap3A_55 = vector.shape_cast %sub3A_50 : vector<784x128xf32> to vector<1x784x128xf32>
    tpu.vector_store %arg5[%swap3A, %swap3A_51, %swap3A_52], %swap3A_55 {strides = array<i32>} : memref<2x784x128xf32, #tpu.memory_space<vmem>>, vector<1x784x128xf32>,
    %sub3A_56 = arith.subf %add3A_45, %add3A_49 : vector<784x128xf32>
    %swap3A_57 = arith.constant 1 : index
    %swap3A_58 = arith.constant 0 : index
    %swap3A_59 = arith.constant 0 : index
    %swap3A_60 = vector.load %arg5[%swap3A_57, %swap3A_58, %swap3A_59] : memref<2x784x128xf32, #tpu.memory_space<vmem>>, vector<1x784x128xf32>
    %swap3A_61 = vector.shape_cast %swap3A_60 : vector<1x784x128xf32> to vector<784x128xf32>
    %swap3A_62 = vector.shape_cast %sub3A_56 : vector<784x128xf32> to vector<1x784x128xf32>
    tpu.vector_store %arg5[%swap3A_57, %swap3A_58, %swap3A_59], %swap3A_62 {strides = array<i32>} : memref<2x784x128xf32, #tpu.memory_space<vmem>>, vector<1x784x128xf32>,
    return
  }
}

</mosaic_0001>

<sc_bundles>
// kernel: kernel.11.cloned.1.call-start
scs
__scs_entry_jumppad:
0x0: {  	(pc) =	sbr.rel $0x88, $3  }
0x1: {  	(tag) =	ssettag $0x0;
	lr =	simm.s32 $0x1  }
0x2: {  	[smem:$0x3F9B] =	sst lr;
	_ =	strace $0xD0000000  }
0x3: {  	_ = 	snop  }
0x4: {  	_ = 	snop  }
0x5: {  	_ = 	snop  }
0x6: {  	_ = 	snop  }
0x7: {  	_ = 	snop  }
__scs_overlays_trampoline_lowered:
0x8: {  	[smem:$0x3FAA] =	sst s0  }
0x9: {  	[smem:$0x3FAB] =	sst s1  }
0xa: {  	[smem:$0x3FAC] =	sst s2  }
0xb: {  	[smem:$0x3FAD] =	sst s3  }
0xc: {  	[smem:$0x3FAE] =	sst s4  }
0xd: {  	[smem:$0x3FAF] =	sst s5  }
0xe: {  	[smem:$0x3FB0] =	sst s6  }
0xf: {  	[smem:$0x3FB1] =	sst s7  }
0x10: {  	[smem:$0x3FB2] =	sst s8  }
0x11: {  	[smem:$0x3FB3] =	sst s9;
	s0 =	simm.s32 @!p0 $0x0  }
0x12: {  	s1 =	sld [smem:$0x3F99];
	s0 =	simm.s32 @p0 $0x1  }
0x13: {  	[smem:$0x3FB4] =	sst s0;
	s0 =	simm.s32 @!p1 $0x0  }
0x14: {  	s2 =	sld [smem:$0x3F98];
	s0 =	simm.s32 @p1 $0x1  }
0x15: {  	[smem:$0x3FB5] =	sst s0;
	s0 =	simm.s32 @!p2 $0x0  }
0x16: {  	s3 =	sld [smem:$0x3FDB];
	s0 =	simm.s32 @p2 $0x1  }
0x17: {  	s4 =	simm.s32 $0x1BF5;
	[smem:$0x3FB7] =	sst s0  }
0x18: {  	s0 =	sld [smem:$0x3F9A];
	_ =	swait.ge [sflag:s4], $0x0  }
0x19: {  	s7 =	sld [smem:$0x3F9B]  }
0x1a: {  	s8 =	sadd.s32 $0xFFFFE003, lr  }
0x1b: {  	s9 =	sadd.s32 $0xFFFFFEF7, lr;
	s5 =	simm.s32 $0xFFFFFFFF;
	p2 =	slt.u32 s8, $0xFFFFF086  }
0x1c: {  	p1 =	slt.u32 s9, $0xF7A;
	s5 =	simm.s32 @!p2 $0x0  }
0x1d: {  	s5 =	simm.s32 @p1 $0x1;
	p0 =	seq.s32 s7, s2  }
0x1e: {  	s7 =	smul.u32 @!p0 $0xF7A, s2;
	p2 =	seq.s32 @!p0 s5, $0x0  }
0x1f: {  	s9 =	smul.u32 $0xF7A, s1;
	s8 =	simm.s32 @!p0 $0x1BF5;
	p2 =	por !p2, p0  }
0x20: {  	[sflag:s8] =	ssyncset.s32 @!p0 $0xFFFFF086;
	s6 =	sadd.s32 @!p0 s3, s7;
	s7 =	simm.s32 @!p0 $0x108  }
0x21: {  	s3 =	sadd.s32 s3, s9;
	s6 =	sadd.s32 @!p0 $0x88, s6;
	s7 =	simm.s32 @p2 $0x1082  }
0x22: {  	[simem:s7], [sflag:s8] =	dma.local @!p0 [hbm:s6], $0xF7A  }
0x23: {  	s9 =	sor.u32 $0xD0000000, s2;
	s6 =	simm.s32 $0x108;
	_ =	swait.ge @!p0 [sflag:s8], $0x0  }
0x24: {  	s3 =	sadd.s32 $0x88, s3;
	s6 =	simm.s32 @!p1 $0x1082;
	[sflag:s4] =	ssyncset.s32 $0xFFFFF086  }
0x25: {  	[simem:s6], [sflag:s4] =	dma.local [hbm:s3], $0xF7A  }
0x26: {  	[smem:$0x3F9B] =	sst s1;
	(tag) =	ssettag s2;
	_ =	strace s9  }
0x27: {  	s1 =	sld [smem:$0x3FAB]  }
0x28: {  	s2 =	sld [smem:$0x3FAC]  }
0x29: {  	s4 =	sld [smem:$0x3FAE]  }
0x2a: {  	p0 =	seq.s32 s5, $0x0;
	s5 =	sld [smem:$0x3FAF]  }
0x2b: {  	s6 =	sld [smem:$0x3FB0]  }
0x2c: {  	s7 =	sld [smem:$0x3FB1]  }
0x2d: {  	s3 =	simm.s32 $0x108;
	s8 =	sld [smem:$0x3FB2]  }
0x2e: {  	s3 =	simm.s32 @!p0 $0x1082;
	s9 =	sld [smem:$0x3FB3]  }
0x2f: {  	lr =	sadd.s32 s0, s3;
	s0 =	sld [smem:$0x3FAA]  }
0x30: {  	s3 =	sld [smem:$0x3FAD]  }
0x31: {  	[smem:$0x3FB6] =	sst s10  }
0x32: {  	s10 =	sld [smem:$0x3FB4];
	_ =	sdelay $0x3  }
0x33: {  	p0 =	seq.s32 s10, $0x1;
	s10 =	sld [smem:$0x3FB6];
	_ =	sdelay $0x3  }
0x34: {  	[smem:$0x3FB6] =	sst s10  }
0x35: {  	s10 =	sld [smem:$0x3FB5];
	_ =	sdelay $0x3  }
0x36: {  	p1 =	seq.s32 s10, $0x1;
	s10 =	sld [smem:$0x3FB6];
	_ =	sdelay $0x3  }
0x37: {  	[smem:$0x3FB6] =	sst s10  }
0x38: {  	s10 =	sld [smem:$0x3FB7]  }
0x39: {  	_ = 	snop;
	(pc) =	sbr.ind lr, $3  }
0x3a: {  	_ = 	snop  }
0x3b: {  	_ = 	snop  }
0x3c: {  	p2 =	seq.s32 s10, $0x1;
	s10 =	sld [smem:$0x3FB6]  }
0x3d: {  	_ =	shalt  }
0x3e: {  	_ =	shalt  }
0x3f: {  	_ =	shalt  }
0x40: {  	_ =	shalt  }
0x41: {  	_ =	shalt  }
0x42: {  	_ =	shalt  }
0x43: {  	_ =	shalt  }
0x44: {  	_ =	shalt  }
0x45: {  	_ =	shalt  }
0x46: {  	_ =	shalt  }
0x47: {  	_ =	shalt  }
0x48: {  	_ =	shalt  }
0x49: {  	_ =	shalt  }
0x4a: {  	_ =	shalt  }
0x4b: {  	_ =	shalt  }
0x4c: {  	_ =	shalt  }
0x4d: {  	_ =	shalt  }
0x4e: {  	_ =	shalt  }
0x4f: {  	_ =	shalt  }
0x50: {  	_ =	shalt  }
0x51: {  	_ =	shalt  }
0x52: {  	_ =	shalt  }
0x53: {  	_ =	shalt  }
0x54: {  	_ =	shalt  }
0x55: {  	_ =	shalt  }
0x56: {  	_ =	shalt  }
0x57: {  	_ =	shalt  }
0x58: {  	_ =	shalt  }
0x59: {  	_ =	shalt  }
0x5a: {  	_ =	shalt  }
0x5b: {  	_ =	shalt  }
0x5c: {  	_ =	shalt  }
0x5d: {  	_ =	shalt  }
0x5e: {  	_ =	shalt  }
0x5f: {  	_ =	shalt  }
0x60: {  	_ =	shalt  }
0x61: {  	_ =	shalt  }
0x62: {  	_ =	shalt  }
0x63: {  	_ =	shalt  }
0x64: {  	_ =	shalt  }
0x65: {  	_ =	shalt  }
0x66: {  	_ =	shalt  }
0x67: {  	_ =	shalt  }
0x68: {  	_ =	shalt  }
0x69: {  	_ =	shalt  }
0x6a: {  	_ =	shalt  }
0x6b: {  	_ =	shalt  }
0x6c: {  	_ =	shalt  }
0x6d: {  	_ =	shalt  }
0x6e: {  	_ =	shalt  }
0x6f: {  	_ =	shalt  }
0x70: {  	_ =	shalt  }
0x71: {  	_ =	shalt  }
0x72: {  	_ =	shalt  }
0x73: {  	_ =	shalt  }
0x74: {  	_ =	shalt  }
0x75: {  	_ =	shalt  }
0x76: {  	_ =	shalt  }
0x77: {  	_ =	shalt  }
0x78: {  	_ =	shalt  }
0x79: {  	_ =	shalt  }
0x7a: {  	_ =	shalt  }
0x7b: {  	_ =	shalt  }
0x7c: {  	_ =	shalt  }
0x7d: {  	_ =	shalt  }
0x7e: {  	_ =	shalt  }
0x7f: {  	_ =	shalt  }
0x80: {  	_ =	shalt  }
0x81: {  	_ =	shalt  }
0x82: {  	_ =	shalt  }
0x83: {  	_ =	shalt  }
0x84: {  	_ =	shalt  }
0x85: {  	_ =	shalt  }
0x86: {  	_ =	shalt  }
0x87: {  	_ =	shalt  }
.Lfunc_end0:
.L_simem_size_0:
called_computation.1_lowered:
.L_overlay_start_0:
0x88: {  	s2 =	sld [smem:$0x3FD9]  }
0x89: {  	s3 =	sld [smem:$0x3FFE];
	_ =	sdelay $0x1  }
0x8a: {  	s1 =	srdreg.scid  }
0x8b: {  	s0 =	sand.u32 $0x1, s1  }
0x8c: {  	s17 =	sshll.u32 s0, $0xA;
	s2 =	sadd.s32 s3, s2  }
0x8d: {  	s2 =	sadd.s32 s2, s17  }
0x8e: {  	[smem:$0x3FC2] =	sst s2  }
0x8f: {  	_ = 	snop  }
0x90: {  	s2 =	sld [smem:$0x3FD0];
	(tm) =	ssettm $0x1  }
0x91: {  	s18 =	sld [smem:$0x3FFB];
	_ =	sdelay $0x3  }
0x92: {  	_ =	strace s18  }
0x93: {  	s3 =	sld [smem:$0x3FFC];
	_ =	sdelay $0x3  }
0x94: {  	_ =	strace s3  }
0x95: {  	s3 =	sld [smem:$0x3FFD];
	_ =	sdelay $0x3  }
0x96: {  	_ =	strace s3  }
0x97: {  	_ =	strace $0x8FFFFFFF  }
0x98: {  	s19 =	sld [smem:$0x3FDB];
	_ =	sdelay $0x1  }
0x99: {  	s4 =	simm.s32 $_scs_section_size  }
0x9a: {  	s5 =	simm.s32 $_size__tile_overlayer_lowered;
	s6 =	simm.s32 $_tile_overlayer_lowered  }
0x9b: {  	s22 =	simm.s32 $0x1BFF;
	s21 =	sshll.u32 s6, $0x1;
	s3 =	sadd.s32 s4, s19  }
0x9c: {  	s7 =	simm.s32 $0x0;
	s20 =	sshll.u32 s5, $0x1;
	s5 =	sadd.s32 s21, s3  }
0x9d: {  	[timem:s7], [sflag:s22] =	dma.local [hbm:s5], s20  }
0x9e: {  	_ =	swait.ge [sflag:s22], s20  }
0x9f: {  	s4 =	ssub.s32 $0x0, s20;
	[sflag:s22] =	ssyncset.done $0x0  }
0xa0: {  	[sflag:s22] =	ssyncadd.s32 s4;
	_ =	sdelay $0x1  }
0xa1: {  	s23 =	simm.s32 $0x1B8B  }
0xa2: {  	_ =	swait.ge [sflag:s23], $0x1  }
0xa3: {  	[sflag:s23] =	ssyncset.done $0x0  }
0xa4: {  	s25 =	simm.s32 $0x1B8E;
	s24 =	sld [smem:$0x3FFE];
	[sflag:s23] =	ssyncadd.s32 $0xFFFFFFFF  }
0xa5: {  	s26 =	simm.s32 $execute0_lowered;
	[smem:$0x3FD2] =	sst s25  }
0xa6: {  	s5 =	sshll.u32 s26, $0x1;
	_ =	strace $0x80000049;
	[dreg:$0x1] =	wrdreg $0xFFFFFFFF  }
0xa7: {  	s28 =	simm.s32 $_size_execute0_lowered;
	s3 =	sadd.s32 s3, s5;
	[dreg:$0x0] =	wrdreg $0x0  }
0xa8: {  	s5 =	sshll.u32 s28, $0x1;
	[dreg:$0x2] =	wrdreg s3  }
0xa9: {  	[dreg:$0x3] =	wrdreg s5  }
0xaa: {  	[dreg:$0x4] =	wrdreg $0xC0  }
0xab: {  	_ =	task [dreg:s7], $0x5FFFF  }
0xac: {  	[dreg:$0x1] =	wrdreg $0xFFFFFFFF  }
0xad: {  	[dreg:$0x0] =	wrdreg $0x60  }
0xae: {  	[dreg:$0x2] =	wrdreg s24  }
0xaf: {  	[dreg:$0x3] =	wrdreg s2  }
0xb0: {  	[dreg:$0x4] =	wrdreg $0x50000  }
0xb1: {  	[dreg:$0x5] =	wrdreg $0x99800  }
0xb2: {  	[dreg:$0x6] =	wrdreg $0x68800  }
0xb3: {  	[dreg:$0x7] =	wrdreg $0xB2000  }
0xb4: {  	[dreg:$0x8] =	wrdreg $0x81000  }
0xb5: {  	[dreg:$0x9] =	wrdreg $0xCA800  }
0xb6: {  	[dreg:$0xa] =	wrdreg $0x9  }
0xb7: {  	_ =	task.clear_ibuf [dreg:s7], $0xBFFFF;
	_ =	strace $0x90000049  }
0xb8: {  	s29 =	simm.s32 $0x9;
	_ =	strace $0x8000004B  }
0xb9: {  	_ =	swait.ge [sflag:s29], $0x1  }
0xba: {  	[sflag:s29] =	ssyncadd.s32 $0xFFFFFFFF  }
0xbb: {  	_ =	strace $0x9000004B  }
0xbc: {  	_ =	sfence  }
0xbd: {  	s30 =	sld [smem:$0x0];
	_ =	sdelay $0x2  }
0xbe: {  	s31 =	sshll.u32 s1, $0xD;
	s1 =	sshrl.u32 s1, $0x2  }
0xbf: {  	s3 =	sand.u32 $0x4000, s31;
	s1 =	sadd.s32 s1, s30  }
0xc0: {  	s0 =	sor.u32 s3, s0;
	s1 =	sshll.u32 s1, $0x11  }
0xc1: {  	s0 =	sor.u32 s1, s0  }
0xc2: {  	s0 =	sadd.s32 $0x8F2B, s0  }
0xc3: {  	[sflag:s0] =	ssyncadd.remote.s32 $0x1  }
0xc4: {  	_ =	sfence.sel $0xFFFF  }
0xc5: {  	[dreg:$0x0] =	wrdreg $0xFFFFFFFF;
	(pc) =	sbr.abs _section_cstart, $3  }
0xc6: {  	[dreg:$0x1] =	wrdreg $0xFFFFFFFF  }
0xc7: {  	_ =	task.clear_ibuf [dreg:s7], $0x2FFFF;
	_ =	strace $0x9FFFFFFF  }
0xc8: {  	(tm) =	ssettm $0x7FFFFFFF  }
0xc9: {  	_ =	shalt  }
tec
execute0_lowered:
.L_overlay_start_1:
0x0: {  	(tag) =	ssettag $0x1  }
0x1: {  	s0 =	rddreg [dreg:$0x0]  }
0x2: {  	s4 =	rddreg [dreg:$0x1]  }
0x3: {  	s1 =	rddreg [dreg:$0x2]  }
0x4: {  	s2 =	rddreg [dreg:$0x3]  }
0x5: {  	s3 =	rddreg [dreg:$0x4]  }
0x6: {  	s5 =	rddreg [dreg:$0x5]  }
0x7: {  	s6 =	rddreg [dreg:$0x6]  }
0x8: {  	s7 =	rddreg [dreg:$0x7]  }
0x9: {  	s20 =	stileid.u32;
	s9 =	srdreg.scid  }
0xa: {  	s8 =	simm.s32 $0x0;
	s30 =	simm.s32 $0x0;
	s11 =	smul.u32 $0x1880, s20  }
0xb: {  	s12 =	sand.u32 $0x1, s9;
	s19 =	smul.u32 $0x3100, s20;
	[smem:$0x7FF] =	sst s8  }
0xc: {  	s9 =	sadd.s32 $0xC5A00, s0;
	s21 =	sshll.u32 s20, $0x6;
	s10 =	sshll.u32 s12, $0x7  }
0xd: {  	_ =	strace $0x8000004A;
	s16 =	ssub.s32 $0x2, s12;
	s17 =	sshll.u32 s12, $0x4  }
0xe: {  	s12 =	smul.u32 $0x310000, s12;
	s13 =	sshrl.u32 s11, $0x3;
	s15 =	sor.u32 s10, s19  }
0xf: {  	s10 =	sadd.s32 $0x189C00, s0;
	s18 =	sshrl.u32 s16, $0x1;
	s17 =	sor.u32 s20, s17  }
0x10: {  	s19 =	smul.u32 $0x31000, s20;
	s24 =	sadd.s32 s11, s2;
	s29 =	sadd.s32 s11, s5  }
0x11: {  	s31 =	sadd.s32 s11, s6;
	s14 =	sadd.s32 s13, s0;
	s15 =	sshrl.u32 s15, $0x3  }
0x12: {  	[dreg:$0xb] =	wrdreg s24;
	s4 =	sadd.s32 s4, s13;
	s13 =	sadd.s32 s11, s3  }
0x13: {  	[dreg:$0xe] =	wrdreg s29;
	s31 =	sshrl.u32 s31, $0x3;
	s0 =	sadd.s32 s15, s0  }
0x14: {  	s15 =	ssub.s32 s16, s18;
	s16 =	smul.u32 $0x31000, s17;
	[dreg:$0xc] =	wrdreg s4  }
0x15: {  	s17 =	sadd.s32 s11, s1;
	s22 =	sadd.s32 $0x2400, s14;
	[dreg:$0x1c] =	wrdreg s31  }
0x16: {  	s19 =	sadd.s32 s19, s12;
	s25 =	sadd.s32 $0x8800, s14;
	[dreg:$0xa] =	wrdreg s22  }
0x17: {  	s12 =	sor.u32 $0x1C04, s21;
	s14 =	sadd.s32 $0x5600, s14;
	[dreg:$0xd] =	wrdreg s25  }
0x18: {  	s11 =	sadd.s32 s11, s7;
	s29 =	sshrl.u32 s13, $0x3;
	[dreg:$0xf] =	wrdreg s14  }
0x19: {  	s13 =	simm.s32 $0x2000;
	s23 =	sadd.s32 $0x1800, s19;
	[dreg:$0x10] =	wrdreg s11  }
0x1a: {  	s22 =	sadd.s32 $0xBA00, s0;
	s24 =	smax.u32 s15, $0x1;
	s25 =	sadd.s32 $0x1000, s19  }
0x1b: {  	[dreg:$0x1b] =	wrdreg s29;
	s15 =	simm.s32 $0x2800;
	s19 =	simm.s32 $0x2  }
0x1c: {  	s4 =	sshrl.u32 s23, $0x3;
	s18 =	sshrl.u32 s16, $0x3;
	[dreg:$0x15] =	wrdreg s22  }
0x1d: {  	s23 =	sadd.s32 $0x11C00, s0;
	s0 =	sadd.s32 $0x17E00, s0;
	[dreg:$0x18] =	wrdreg s24  }
0x1e: {  	[dreg:$0x19] =	wrdreg s25;
	s22 =	simm.s32 $0x4000;
	s24 =	simm.s32 $0x3  }
0x1f: {  	s26 =	sadd.s32 s4, s10;
	s16 =	sadd.s32 s9, s18;
	[dreg:$0x16] =	wrdreg s23  }
0x20: {  	s20 =	sadd.s32 s10, s18;
	s11 =	sor.u32 $0x100, s18;
	[dreg:$0x17] =	wrdreg s0  }
0x21: {  	s28 =	sadd.s32 s4, s9;
	s4 =	simm.s32 $0x4;
	[dreg:$0x9] =	wrdreg s26  }
0x22: {  	s18 =	simm.s32 $0x1800;
	s23 =	simm.s32 $0x4800;
	[dreg:$0x11] =	wrdreg s16  }
0x23: {  	[dreg:$0x12] =	wrdreg s20;
	s21 =	sadd.s32 s9, s11;
	s11 =	sadd.s32 s10, s11  }
0x24: {  	s26 =	sshrl.u32 s17, $0x3;
	s16 =	simm.s32 $0x3000;
	[dreg:$0x13] =	wrdreg s21  }
0x25: {  	s17 =	simm.s32 $0x1000;
	s20 =	simm.s32 $0x1;
	[dreg:$0x14] =	wrdreg s11  }
0x26: {  	[dreg:$0x1a] =	wrdreg s26;
	s11 =	simm.s32 $0x800;
	s21 =	simm.s32 $0x3800  }
.LBB2_1:
0x27: {  	s0 =	rddreg [dreg:$0xa]  }
0x28: {  	s14 =	rddreg [dreg:$0x1a]  }
0x29: {  	[spmem:s14], [sflag:s12] =	dma.local [hbm:s0], $0x310  }
0x2a: {  	_ =	swait.ge [sflag:s4], $0x310  }
0x2b: {  	s25 =	rddreg [dreg:$0xb]  }
0x2c: {  	[sflag:s4] =	ssyncset.done $0x0;
	s0 =	rddreg [dreg:$0xc];
	s26 =	sshrl.u32 s25, $0x3  }
0x2d: {  	[sflag:s4] =	ssyncadd.s32 $0xFFFFFCF0;
	[dreg:$0x1d] =	wrdreg s26  }
0x2e: {  	[spmem:s26], [sflag:s12] =	dma.local [hbm:s0], $0x310  }
0x2f: {  	_ =	swait.ge [sflag:s4], $0x310  }
0x30: {  	[sflag:s4] =	ssyncset.done $0x0;
	s31 =	rddreg [dreg:$0xd]  }
0x31: {  	s25 =	rddreg [dreg:$0x1b];
	[sflag:s4] =	ssyncadd.s32 $0xFFFFFCF0  }
0x32: {  	[spmem:s25], [sflag:s12] =	dma.local [hbm:s31], $0x310  }
0x33: {  	_ =	swait.ge [sflag:s4], $0x310  }
0x34: {  	s25 =	rddreg [dreg:$0xe]  }
0x35: {  	[sflag:s4] =	ssyncset.done $0x0;
	s14 =	sshrl.u32 s25, $0x3  }
0x36: {  	[sflag:s4] =	ssyncadd.s32 $0xFFFFFCF0;
	[dreg:$0x1e] =	wrdreg s14  }
0x37: {  	[spmem:s14], [sflag:s12] =	dma.local [hbm:s0], $0x310  }
0x38: {  	_ =	swait.ge [sflag:s4], $0x310  }
0x39: {  	[sflag:s4] =	ssyncset.done $0x0;
	s26 =	rddreg [dreg:$0xf]  }
0x3a: {  	s31 =	rddreg [dreg:$0x1c];
	[sflag:s4] =	ssyncadd.s32 $0xFFFFFCF0  }
0x3b: {  	[spmem:s31], [sflag:s12] =	dma.local [hbm:s26], $0x310  }
0x3c: {  	_ =	swait.ge [sflag:s4], $0x310  }
0x3d: {  	[sflag:s4] =	ssyncset.done $0x0;
	s25 =	rddreg [dreg:$0x10]  }
0x3e: {  	[sflag:s4] =	ssyncadd.s32 $0xFFFFFCF0;
	s25 =	sshrl.u32 s25, $0x3  }
0x3f: {  	[spmem:s25], [sflag:s12] =	dma.local [hbm:s0], $0x310  }
0x40: {  	_ =	swait.ge [sflag:s4], $0x310  }
0x41: {  	[sflag:s4] =	ssyncset.done $0x0  }
0x42: {  	[sflag:s4] =	ssyncadd.s32 $0xFFFFFCF0  }
0x43: {  	[bflag:$0x0] =	sbarrier.arrive $0xFFFF  }
0x44: {  	s26 =	rddreg [dreg:$0x11]  }
0x45: {  	[tilespmem:s8], [sflag:$0x4] =	stream.linear.gather [hbm4b:s26+s8], $0x800, $0x38;
	[tilespmem:$0xE300] =	vst v63  }
0x46: {  	_ =	swait.ge [sflag:s4], $0x800  }
0x47: {  	[sflag:s4] =	ssyncset.done $0x0  }
0x48: {  	s31 =	rddreg [dreg:$0x12];
	[sflag:s4] =	ssyncadd.s32 $0xFFFFF800  }
0x49: {  	[tilespmem:s11], [sflag:$0x4] =	stream.linear.gather [hbm4b:s31+s8], $0x800, $0x38;
	[tilespmem:$0xE300] =	vst v63  }
0x4a: {  	_ =	swait.ge [sflag:s4], $0x800  }
0x4b: {  	[sflag:s4] =	ssyncset.done $0x0  }
0x4c: {  	[sflag:s4] =	ssyncadd.s32 $0xFFFFF800  }
0x4d: {  	[tilespmem:s13], [sflag:$0x2] =	stream.indirect.gather [spmem:s1], $0x1, s8, s11, $0xb8;
	[tilespmem:$0xE300] =	vst v63  }
0x4e: {  	_ = 	snop  }
0x4f: {  	[tilespmem:s15], [sflag:$0x2] =	stream.indirect.gather [spmem:s3], $0x1, s8, s11, $0xb8;
	[tilespmem:$0xE300] =	vst v63  }
0x50: {  	_ = 	snop  }
0x51: {  	[tilespmem:s16], [sflag:$0x2] =	stream.indirect.gather [spmem:s6], $0x1, s8, s11, $0xb8;
	[tilespmem:$0xE300] =	vst v63  }
0x52: {  	s14 =	rddreg [dreg:$0x13]  }
0x53: {  	[tilespmem:s17], [sflag:$0x1] =	stream.linear.gather [hbm4b:s14+s8], $0x800, $0x38;
	[tilespmem:$0xE300] =	vst v63  }
0x54: {  	s26 =	rddreg [dreg:$0x14]  }
0x55: {  	[tilespmem:s18], [sflag:$0x1] =	stream.linear.gather [hbm4b:s26+s8], $0x800, $0x38;
	[tilespmem:$0xE300] =	vst v63  }
0x56: {  	_ =	swait.ge [sflag:s19], $0x800  }
0x57: {  	[sflag:s19] =	ssyncset.done $0x0  }
0x58: {  	[sflag:s19] =	ssyncadd.s32 $0xFFFFF800  }
0x59: {  	_ =	swait.ge [sflag:s19], $0x800  }
0x5a: {  	[sflag:s19] =	ssyncset.done $0x0  }
0x5b: {  	[sflag:s19] =	ssyncadd.s32 $0xFFFFF800  }
0x5c: {  	_ =	swait.ge [sflag:s19], $0x800  }
0x5d: {  	[sflag:s19] =	ssyncset.done $0x0  }
0x5e: {  	[sflag:s19] =	ssyncadd.s32 $0xFFFFF800  }
0x5f: {  	[spmem:s2] =	stream.indirect.scatter.add.f32 [tilespmem:s13], [sflag:$0x3], $0x1, s11, s11, $0xb8;
	[tilespmem:$0xE300] =	vst v63  }
0x60: {  	_ = 	snop  }
0x61: {  	[spmem:s5] =	stream.indirect.scatter.add.f32 [tilespmem:s15], [sflag:$0x3], $0x1, s11, s11, $0xb8;
	[tilespmem:$0xE300] =	vst v63  }
0x62: {  	_ = 	snop  }
0x63: {  	[spmem:s7] =	stream.indirect.scatter.add.f32 [tilespmem:s16], [sflag:$0x3], $0x1, s11, s11, $0xb8;
	[tilespmem:$0xE300] =	vst v63  }
0x64: {  	_ =	swait.ge [sflag:s20], $0x800  }
0x65: {  	[sflag:s20] =	ssyncset.done $0x0  }
0x66: {  	[sflag:s20] =	ssyncadd.s32 $0xFFFFF800  }
0x67: {  	_ =	swait.ge [sflag:s20], $0x800  }
0x68: {  	[sflag:s20] =	ssyncset.done $0x0  }
0x69: {  	[sflag:s20] =	ssyncadd.s32 $0xFFFFF800  }
0x6a: {  	[tilespmem:s21], [sflag:$0x2] =	stream.indirect.gather [spmem:s1], $0x1, s17, s11, $0xb8;
	[tilespmem:$0xE300] =	vst v63  }
0x6b: {  	_ = 	snop  }
0x6c: {  	[tilespmem:s22], [sflag:$0x2] =	stream.indirect.gather [spmem:s3], $0x1, s17, s11, $0xb8;
	[tilespmem:$0xE300] =	vst v63  }
0x6d: {  	_ = 	snop  }
0x6e: {  	[tilespmem:s23], [sflag:$0x2] =	stream.indirect.gather [spmem:s6], $0x1, s17, s11, $0xb8;
	[tilespmem:$0xE300] =	vst v63  }
0x6f: {  	_ =	swait.ge [sflag:s24], $0x800  }
0x70: {  	[sflag:s24] =	ssyncset.done $0x0  }
0x71: {  	[sflag:s24] =	ssyncadd.s32 $0xFFFFF800  }
0x72: {  	_ =	swait.ge [sflag:s24], $0x800  }
0x73: {  	[sflag:s24] =	ssyncset.done $0x0  }
0x74: {  	[sflag:s24] =	ssyncadd.s32 $0xFFFFF800  }
0x75: {  	_ =	swait.ge [sflag:s24], $0x800  }
0x76: {  	s0 =	rddreg [dreg:$0x19]  }
0x77: {  	[sflag:s24] =	ssyncset.done $0x0;
	s31 =	sshrl.u32 s0, $0x3  }
0x78: {  	[sflag:s24] =	ssyncadd.s32 $0xFFFFF800;
	s26 =	sadd.s32 s9, s31  }
0x79: {  	[tilespmem:s8], [sflag:$0x1] =	stream.linear.gather [hbm4b:s26+s8], $0x800, $0x38;
	[tilespmem:$0xE300] =	vst v63  }
0x7a: {  	s14 =	sadd.s32 s10, s31  }
0x7b: {  	[tilespmem:s11], [sflag:$0x1] =	stream.linear.gather [hbm4b:s14+s8], $0x800, $0x38;
	[tilespmem:$0xE300] =	vst v63  }
0x7c: {  	_ =	swait.ge [sflag:s19], $0x800  }
0x7d: {  	[sflag:s19] =	ssyncset.done $0x0  }
0x7e: {  	[sflag:s19] =	ssyncadd.s32 $0xFFFFF800  }
0x7f: {  	_ =	swait.ge [sflag:s19], $0x800  }
0x80: {  	[sflag:s19] =	ssyncset.done $0x0  }
0x81: {  	[sflag:s19] =	ssyncadd.s32 $0xFFFFF800  }
0x82: {  	_ =	swait.ge [sflag:s19], $0x800  }
0x83: {  	[sflag:s19] =	ssyncset.done $0x0  }
0x84: {  	[sflag:s19] =	ssyncadd.s32 $0xFFFFF800  }
0x85: {  	[spmem:s2] =	stream.indirect.scatter.add.f32 [tilespmem:s21], [sflag:$0x3], $0x1, s18, s11, $0xb8;
	[tilespmem:$0xE300] =	vst v63  }
0x86: {  	_ = 	snop  }
0x87: {  	[spmem:s5] =	stream.indirect.scatter.add.f32 [tilespmem:s22], [sflag:$0x3], $0x1, s18, s11, $0xb8;
	[tilespmem:$0xE300] =	vst v63  }
0x88: {  	_ = 	snop  }
0x89: {  	[spmem:s7] =	stream.indirect.scatter.add.f32 [tilespmem:s23], [sflag:$0x3], $0x1, s18, s11, $0xb8;
	[tilespmem:$0xE300] =	vst v63  }
0x8a: {  	_ =	swait.ge [sflag:s20], $0x800  }
0x8b: {  	[sflag:s20] =	ssyncset.done $0x0  }
0x8c: {  	[sflag:s20] =	ssyncadd.s32 $0xFFFFF800  }
0x8d: {  	_ =	swait.ge [sflag:s20], $0x800  }
0x8e: {  	[sflag:s20] =	ssyncset.done $0x0  }
0x8f: {  	[sflag:s20] =	ssyncadd.s32 $0xFFFFF800  }
0x90: {  	[tilespmem:s13], [sflag:$0x2] =	stream.indirect.gather [spmem:s1], $0x1, s8, s11, $0xb8;
	[tilespmem:$0xE300] =	vst v63  }
0x91: {  	_ = 	snop  }
0x92: {  	[tilespmem:s15], [sflag:$0x2] =	stream.indirect.gather [spmem:s3], $0x1, s8, s11, $0xb8;
	[tilespmem:$0xE300] =	vst v63  }
0x93: {  	_ = 	snop  }
0x94: {  	[tilespmem:s16], [sflag:$0x2] =	stream.indirect.gather [spmem:s6], $0x1, s8, s11, $0xb8;
	[tilespmem:$0xE300] =	vst v63  }
0x95: {  	_ =	swait.ge [sflag:s24], $0x800  }
0x96: {  	[sflag:s24] =	ssyncset.done $0x0  }
0x97: {  	[sflag:s24] =	ssyncadd.s32 $0xFFFFF800  }
0x98: {  	_ =	swait.ge [sflag:s24], $0x800  }
0x99: {  	[sflag:s24] =	ssyncset.done $0x0  }
0x9a: {  	[sflag:s24] =	ssyncadd.s32 $0xFFFFF800  }
0x9b: {  	s29 =	sadd.s32 $0x1000, s0;
	_ =	swait.ge [sflag:s24], $0x800  }
0x9c: {  	s31 =	sadd.s32 $0x0, s28;
	[sflag:s24] =	ssyncset.done $0x0;
	s14 =	rddreg [dreg:$0x9]  }
0x9d: {  	s26 =	simm.s32 $0x200;
	[sflag:s24] =	ssyncadd.s32 $0xFFFFF800;
	s14 =	sadd.s32 $0x0, s14  }
0x9e: {  	[tilespmem:s17], [sflag:$0x1] =	stream.linear.gather [hbm4b:s31+s8], $0x800, $0x38;
	[tilespmem:$0xE300] =	vst v63  }
.LBB2_2:
0x9f: {  	[tilespmem:s18], [sflag:$0x1] =	stream.linear.gather [hbm4b:s14+s8], $0x800, $0x38;
	[tilespmem:$0xE300] =	vst v63  }
0xa0: {  	_ =	swait.ge [sflag:s19], $0x800  }
0xa1: {  	[sflag:s19] =	ssyncset.done $0x0  }
0xa2: {  	[sflag:s19] =	ssyncadd.s32 $0xFFFFF800  }
0xa3: {  	_ =	swait.ge [sflag:s19], $0x800  }
0xa4: {  	[sflag:s19] =	ssyncset.done $0x0  }
0xa5: {  	[sflag:s19] =	ssyncadd.s32 $0xFFFFF800  }
0xa6: {  	_ =	swait.ge [sflag:s19], $0x800  }
0xa7: {  	[sflag:s19] =	ssyncset.done $0x0  }
0xa8: {  	[sflag:s19] =	ssyncadd.s32 $0xFFFFF800  }
0xa9: {  	[spmem:s2] =	stream.indirect.scatter.add.f32 [tilespmem:s13], [sflag:$0x3], $0x1, s11, s11, $0xb8;
	[tilespmem:$0xE300] =	vst v63  }
0xaa: {  	_ = 	snop  }
0xab: {  	[spmem:s5] =	stream.indirect.scatter.add.f32 [tilespmem:s15], [sflag:$0x3], $0x1, s11, s11, $0xb8;
	[tilespmem:$0xE300] =	vst v63  }
0xac: {  	_ = 	snop  }
0xad: {  	[spmem:s7] =	stream.indirect.scatter.add.f32 [tilespmem:s16], [sflag:$0x3], $0x1, s11, s11, $0xb8;
	[tilespmem:$0xE300] =	vst v63  }
0xae: {  	_ =	swait.ge [sflag:s20], $0x800  }
0xaf: {  	[sflag:s20] =	ssyncset.done $0x0  }
0xb0: {  	[sflag:s20] =	ssyncadd.s32 $0xFFFFF800  }
0xb1: {  	_ =	swait.ge [sflag:s20], $0x800  }
0xb2: {  	[sflag:s20] =	ssyncset.done $0x0  }
0xb3: {  	[sflag:s20] =	ssyncadd.s32 $0xFFFFF800  }
0xb4: {  	[tilespmem:s21], [sflag:$0x2] =	stream.indirect.gather [spmem:s1], $0x1, s17, s11, $0xb8;
	[tilespmem:$0xE300] =	vst v63  }
0xb5: {  	_ = 	snop  }
0xb6: {  	[tilespmem:s22], [sflag:$0x2] =	stream.indirect.gather [spmem:s3], $0x1, s17, s11, $0xb8;
	[tilespmem:$0xE300] =	vst v63  }
0xb7: {  	_ = 	snop  }
0xb8: {  	[tilespmem:s23], [sflag:$0x2] =	stream.indirect.gather [spmem:s6], $0x1, s17, s11, $0xb8;
	[tilespmem:$0xE300] =	vst v63  }
0xb9: {  	_ =	swait.ge [sflag:s24], $0x800  }
0xba: {  	[sflag:s24] =	ssyncset.done $0x0  }
0xbb: {  	[sflag:s24] =	ssyncadd.s32 $0xFFFFF800  }
0xbc: {  	_ =	swait.ge [sflag:s24], $0x800  }
0xbd: {  	[sflag:s24] =	ssyncset.done $0x0  }
0xbe: {  	[sflag:s24] =	ssyncadd.s32 $0xFFFFF800  }
0xbf: {  	_ =	swait.ge [sflag:s24], $0x800  }
0xc0: {  	s31 =	sshrl.u32 s29, $0x3;
	[sflag:s24] =	ssyncset.done $0x0  }
0xc1: {  	s0 =	sadd.s32 s9, s31;
	[sflag:s24] =	ssyncadd.s32 $0xFFFFF800  }
0xc2: {  	[tilespmem:s8], [sflag:$0x1] =	stream.linear.gather [hbm4b:s0+s8], $0x800, $0x38;
	[tilespmem:$0xE300] =	vst v63  }
0xc3: {  	s31 =	sadd.s32 s10, s31  }
0xc4: {  	[tilespmem:s11], [sflag:$0x1] =	stream.linear.gather [hbm4b:s31+s8], $0x800, $0x38;
	[tilespmem:$0xE300] =	vst v63  }
0xc5: {  	_ =	swait.ge [sflag:s19], $0x800  }
0xc6: {  	[sflag:s19] =	ssyncset.done $0x0  }
0xc7: {  	[sflag:s19] =	ssyncadd.s32 $0xFFFFF800  }
0xc8: {  	_ =	swait.ge [sflag:s19], $0x800  }
0xc9: {  	[sflag:s19] =	ssyncset.done $0x0  }
0xca: {  	[sflag:s19] =	ssyncadd.s32 $0xFFFFF800  }
0xcb: {  	_ =	swait.ge [sflag:s19], $0x800  }
0xcc: {  	[sflag:s19] =	ssyncset.done $0x0  }
0xcd: {  	[sflag:s19] =	ssyncadd.s32 $0xFFFFF800  }
0xce: {  	[spmem:s2] =	stream.indirect.scatter.add.f32 [tilespmem:s21], [sflag:$0x3], $0x1, s18, s11, $0xb8;
	[tilespmem:$0xE300] =	vst v63  }
0xcf: {  	_ = 	snop  }
0xd0: {  	[spmem:s5] =	stream.indirect.scatter.add.f32 [tilespmem:s22], [sflag:$0x3], $0x1, s18, s11, $0xb8;
	[tilespmem:$0xE300] =	vst v63  }
0xd1: {  	_ = 	snop  }
0xd2: {  	[spmem:s7] =	stream.indirect.scatter.add.f32 [tilespmem:s23], [sflag:$0x3], $0x1, s18, s11, $0xb8;
	[tilespmem:$0xE300] =	vst v63  }
0xd3: {  	_ =	swait.ge [sflag:s20], $0x800  }
0xd4: {  	[sflag:s20] =	ssyncset.done $0x0  }
0xd5: {  	[sflag:s20] =	ssyncadd.s32 $0xFFFFF800  }
0xd6: {  	_ =	swait.ge [sflag:s20], $0x800  }
0xd7: {  	[sflag:s20] =	ssyncset.done $0x0  }
0xd8: {  	[sflag:s20] =	ssyncadd.s32 $0xFFFFF800  }
0xd9: {  	[tilespmem:s13], [sflag:$0x2] =	stream.indirect.gather [spmem:s1], $0x1, s8, s11, $0xb8;
	[tilespmem:$0xE300] =	vst v63  }
0xda: {  	_ = 	snop  }
0xdb: {  	[tilespmem:s15], [sflag:$0x2] =	stream.indirect.gather [spmem:s3], $0x1, s8, s11, $0xb8;
	[tilespmem:$0xE300] =	vst v63  }
0xdc: {  	_ = 	snop  }
0xdd: {  	[tilespmem:s16], [sflag:$0x2] =	stream.indirect.gather [spmem:s6], $0x1, s8, s11, $0xb8;
	[tilespmem:$0xE300] =	vst v63  }
0xde: {  	_ =	swait.ge [sflag:s24], $0x800  }
0xdf: {  	[sflag:s24] =	ssyncset.done $0x0  }
0xe0: {  	[sflag:s24] =	ssyncadd.s32 $0xFFFFF800  }
0xe1: {  	_ =	swait.ge [sflag:s24], $0x800  }
0xe2: {  	p0 =	sne.s32 s26, $0x6000;
	[sflag:s24] =	ssyncset.done $0x0  }
.Ltmp0:
0xe3: {  	[sflag:s24] =	ssyncadd.s32 $0xFFFFF800;
	(pc) =	sbr.rel @p0 .LBB2_2-.Ltmp0, $4  }
0xe4: {  	s14 =	smov.u32 s26;
	s26 =	sadd.s32 $0x200, s26;
	_ =	swait.ge [sflag:s24], $0x800  }
0xe5: {  	s29 =	sadd.s32 $0x1000, s29;
	[sflag:s24] =	ssyncset.done $0x0;
	s0 =	rddreg [dreg:$0x9]  }
0xe6: {  	s31 =	sadd.s32 s14, s28;
	[sflag:s24] =	ssyncadd.s32 $0xFFFFF800;
	s14 =	sadd.s32 s14, s0  }
0xe7: {  	[tilespmem:s17], [sflag:$0x1] =	stream.linear.gather [hbm4b:s31+s8], $0x800, $0x38;
	[tilespmem:$0xE300] =	vst v63  }
0xe8: {  	[tilespmem:s18], [sflag:$0x1] =	stream.linear.gather [hbm4b:s14+s8], $0x800, $0x38;
	[tilespmem:$0xE300] =	vst v63  }
0xe9: {  	_ =	swait.ge [sflag:s19], $0x800  }
0xea: {  	[sflag:s19] =	ssyncset.done $0x0  }
0xeb: {  	[sflag:s19] =	ssyncadd.s32 $0xFFFFF800  }
0xec: {  	_ =	swait.ge [sflag:s19], $0x800  }
0xed: {  	[sflag:s19] =	ssyncset.done $0x0  }
0xee: {  	[sflag:s19] =	ssyncadd.s32 $0xFFFFF800  }
0xef: {  	_ =	swait.ge [sflag:s19], $0x800  }
0xf0: {  	[sflag:s19] =	ssyncset.done $0x0  }
0xf1: {  	[sflag:s19] =	ssyncadd.s32 $0xFFFFF800  }
0xf2: {  	_ =	swait.ge [sflag:s20], $0x800  }
0xf3: {  	[sflag:s20] =	ssyncset.done $0x0  }
0xf4: {  	[sflag:s20] =	ssyncadd.s32 $0xFFFFF800  }
0xf5: {  	_ =	swait.ge [sflag:s20], $0x800  }
0xf6: {  	[sflag:s20] =	ssyncset.done $0x0  }
0xf7: {  	[sflag:s20] =	ssyncadd.s32 $0xFFFFF800  }
0xf8: {  	[bflag:$0x0] =	sbarrier.arrive $0xFFFF  }
0xf9: {  	s0 =	rddreg [dreg:$0x15]  }
0xfa: {  	s14 =	simm.s32 $0x20;
	s26 =	simm.s32 $0x10;
	s29 =	rddreg [dreg:$0x1d]  }
0xfb: {  	[hbm:s0@s14], [sflag:s12] =	dma.strided [spmem:s29@s26], $0x310, s20, $0x10   }
0xfc: {  	_ =	swait.ge [sflag:s4], $0x310  }
0xfd: {  	[sflag:s4] =	ssyncset.done $0x0;
	s0 =	rddreg [dreg:$0x16]  }
0xfe: {  	s31 =	rddreg [dreg:$0x1e];
	[sflag:s4] =	ssyncadd.s32 $0xFFFFFCF0  }
0xff: {  	[hbm:s0@s14], [sflag:s12] =	dma.strided [spmem:s31@s26], $0x310, s20, $0x10   }
0x100: {  	_ =	swait.ge [sflag:s4], $0x310  }
0x101: {  	[sflag:s4] =	ssyncset.done $0x0  }
0x102: {  	s29 =	rddreg [dreg:$0x17];
	[sflag:s4] =	ssyncadd.s32 $0xFFFFFCF0  }
0x103: {  	[hbm:s29@s14], [sflag:s12] =	dma.strided [spmem:s25@s26], $0x310, s20, $0x10   }
0x104: {  	_ =	swait.ge [sflag:s4], $0x310  }
0x105: {  	s30 =	sadd.s32 $0x1, s30;
	s31 =	rddreg [dreg:$0x18]  }
0x106: {  	p0 =	sne.s32 s30, s31  }
.Ltmp1:
0x107: {  	_ = 	snop;
	(pc) =	sbr.rel @p0 .LBB2_1-.Ltmp1, $3  }
0x108: {  	_ =	sdelay $0x1  }
0x109: {  	[sflag:s4] =	ssyncset.done $0x0  }
0x10a: {  	[sflag:s4] =	ssyncadd.s32 $0xFFFFFCF0  }
0x10b: {  	_ =	sfence.sel $0x180000  }
0x10c: {  	[bflag:$0x0] =	sbarrier.arrive $0xFFFF  }
0x10d: {  	_ =	strace $0x9000004A  }
0x10e: {  	s0 =	stileid.u32;
	[bflag:$0x2] =	sbarrier.arrive $0xFFFF  }
0x10f: {  	p0 =	sne.s32 s0, $0x0;
	s0 =	rddreg [dreg:$0x8]  }
0x110: {  	s0 =	sadd.s32 @!p0 $0x100000, s0  }
0x111: {  	[sflag:s0] =	ssyncadd.tile.s32 @!p0 $0x1;
	_ =	shalt  }
.Lfunc_end2:
_tile_overlayer_lowered:
.L_overlay_start_2:
0x112: {  	(tag) =	ssettag $0x2  }
0x113: {  	s0 =	rddreg [dreg:$0x0];
	s2 =	stileid.u32  }
0x114: {  	s1 =	rddreg [dreg:$0x1];
	p0 =	sne.s32 s2, $0x0  }
0x115: {  	s3 =	rddreg [dreg:$0x2];
	[bflag:$0x3] =	sbarrier.arrive $0xFFFF;
	s2 =	simm.s32 @!p0 $0x1C04  }
0x116: {  	[timem:s3], [sflag:s2] =	dma.local @!p0 [hbm:s0], s1  }
0x117: {  	s0 =	simm.s32 @!p0 $0x4  }
0x118: {  	_ =	swait.ge @!p0 [sflag:s0], s1  }
0x119: {  	s1 =	ssub.s32 @!p0 $0x0, s1;
	[sflag:s0] =	ssyncset.done @!p0 $0x0  }
0x11a: {  	[sflag:s0] =	ssyncadd.s32 @!p0 s1  }
0x11b: {  	[bflag:$0x3] =	sbarrier.arrive $0xFFFF  }
0x11c: {  	_ =	shalt  }

// kernel: kernel.14.cloned.1.call-start
scs
__scs_entry_jumppad:
0x0: {  	(pc) =	sbr.rel $0x88, $3  }
0x1: {  	(tag) =	ssettag $0x0;
	lr =	simm.s32 $0x1  }
0x2: {  	[smem:$0x3F9B] =	sst lr;
	_ =	strace $0xD0000000  }
0x3: {  	_ = 	snop  }
0x4: {  	_ = 	snop  }
0x5: {  	_ = 	snop  }
0x6: {  	_ = 	snop  }
0x7: {  	_ = 	snop  }
__scs_overlays_trampoline_lowered:
0x8: {  	[smem:$0x3FAA] =	sst s0  }
0x9: {  	[smem:$0x3FAB] =	sst s1  }
0xa: {  	[smem:$0x3FAC] =	sst s2  }
0xb: {  	[smem:$0x3FAD] =	sst s3  }
0xc: {  	[smem:$0x3FAE] =	sst s4  }
0xd: {  	[smem:$0x3FAF] =	sst s5  }
0xe: {  	[smem:$0x3FB0] =	sst s6  }
0xf: {  	[smem:$0x3FB1] =	sst s7  }
0x10: {  	[smem:$0x3FB2] =	sst s8  }
0x11: {  	[smem:$0x3FB3] =	sst s9;
	s0 =	simm.s32 @!p0 $0x0  }
0x12: {  	s1 =	sld [smem:$0x3F99];
	s0 =	simm.s32 @p0 $0x1  }
0x13: {  	[smem:$0x3FB4] =	sst s0;
	s0 =	simm.s32 @!p1 $0x0  }
0x14: {  	s2 =	sld [smem:$0x3F98];
	s0 =	simm.s32 @p1 $0x1  }
0x15: {  	[smem:$0x3FB5] =	sst s0;
	s0 =	simm.s32 @!p2 $0x0  }
0x16: {  	s3 =	sld [smem:$0x3FDB];
	s0 =	simm.s32 @p2 $0x1  }
0x17: {  	s4 =	simm.s32 $0x1BF5;
	[smem:$0x3FB7] =	sst s0  }
0x18: {  	s0 =	sld [smem:$0x3F9A];
	_ =	swait.ge [sflag:s4], $0x0  }
0x19: {  	s7 =	sld [smem:$0x3F9B]  }
0x1a: {  	s8 =	sadd.s32 $0xFFFFE003, lr  }
0x1b: {  	s9 =	sadd.s32 $0xFFFFFEF7, lr;
	s5 =	simm.s32 $0xFFFFFFFF;
	p2 =	slt.u32 s8, $0xFFFFF086  }
0x1c: {  	p1 =	slt.u32 s9, $0xF7A;
	s5 =	simm.s32 @!p2 $0x0  }
0x1d: {  	s5 =	simm.s32 @p1 $0x1;
	p0 =	seq.s32 s7, s2  }
0x1e: {  	s7 =	smul.u32 @!p0 $0xF7A, s2;
	p2 =	seq.s32 @!p0 s5, $0x0  }
0x1f: {  	s9 =	smul.u32 $0xF7A, s1;
	s8 =	simm.s32 @!p0 $0x1BF5;
	p2 =	por !p2, p0  }
0x20: {  	[sflag:s8] =	ssyncset.s32 @!p0 $0xFFFFF086;
	s6 =	sadd.s32 @!p0 s3, s7;
	s7 =	simm.s32 @!p0 $0x108  }
0x21: {  	s3 =	sadd.s32 s3, s9;
	s6 =	sadd.s32 @!p0 $0x88, s6;
	s7 =	simm.s32 @p2 $0x1082  }
0x22: {  	[simem:s7], [sflag:s8] =	dma.local @!p0 [hbm:s6], $0xF7A  }
0x23: {  	s9 =	sor.u32 $0xD0000000, s2;
	s6 =	simm.s32 $0x108;
	_ =	swait.ge @!p0 [sflag:s8], $0x0  }
0x24: {  	s3 =	sadd.s32 $0x88, s3;
	s6 =	simm.s32 @!p1 $0x1082;
	[sflag:s4] =	ssyncset.s32 $0xFFFFF086  }
0x25: {  	[simem:s6], [sflag:s4] =	dma.local [hbm:s3], $0xF7A  }
0x26: {  	[smem:$0x3F9B] =	sst s1;
	(tag) =	ssettag s2;
	_ =	strace s9  }
0x27: {  	s1 =	sld [smem:$0x3FAB]  }
0x28: {  	s2 =	sld [smem:$0x3FAC]  }
0x29: {  	s4 =	sld [smem:$0x3FAE]  }
0x2a: {  	p0 =	seq.s32 s5, $0x0;
	s5 =	sld [smem:$0x3FAF]  }
0x2b: {  	s6 =	sld [smem:$0x3FB0]  }
0x2c: {  	s7 =	sld [smem:$0x3FB1]  }
0x2d: {  	s3 =	simm.s32 $0x108;
	s8 =	sld [smem:$0x3FB2]  }
0x2e: {  	s3 =	simm.s32 @!p0 $0x1082;
	s9 =	sld [smem:$0x3FB3]  }
0x2f: {  	lr =	sadd.s32 s0, s3;
	s0 =	sld [smem:$0x3FAA]  }
0x30: {  	s3 =	sld [smem:$0x3FAD]  }
0x31: {  	[smem:$0x3FB6] =	sst s10  }
0x32: {  	s10 =	sld [smem:$0x3FB4];
	_ =	sdelay $0x3  }
0x33: {  	p0 =	seq.s32 s10, $0x1;
	s10 =	sld [smem:$0x3FB6];
	_ =	sdelay $0x3  }
0x34: {  	[smem:$0x3FB6] =	sst s10  }
0x35: {  	s10 =	sld [smem:$0x3FB5];
	_ =	sdelay $0x3  }
0x36: {  	p1 =	seq.s32 s10, $0x1;
	s10 =	sld [smem:$0x3FB6];
	_ =	sdelay $0x3  }
0x37: {  	[smem:$0x3FB6] =	sst s10  }
0x38: {  	s10 =	sld [smem:$0x3FB7]  }
0x39: {  	_ = 	snop;
	(pc) =	sbr.ind lr, $3  }
0x3a: {  	_ = 	snop  }
0x3b: {  	_ = 	snop  }
0x3c: {  	p2 =	seq.s32 s10, $0x1;
	s10 =	sld [smem:$0x3FB6]  }
0x3d: {  	_ =	shalt  }
0x3e: {  	_ =	shalt  }
0x3f: {  	_ =	shalt  }
0x40: {  	_ =	shalt  }
0x41: {  	_ =	shalt  }
0x42: {  	_ =	shalt  }
0x43: {  	_ =	shalt  }
0x44: {  	_ =	shalt  }
0x45: {  	_ =	shalt  }
0x46: {  	_ =	shalt  }
0x47: {  	_ =	shalt  }
0x48: {  	_ =	shalt  }
0x49: {  	_ =	shalt  }
0x4a: {  	_ =	shalt  }
0x4b: {  	_ =	shalt  }
0x4c: {  	_ =	shalt  }
0x4d: {  	_ =	shalt  }
0x4e: {  	_ =	shalt  }
0x4f: {  	_ =	shalt  }
0x50: {  	_ =	shalt  }
0x51: {  	_ =	shalt  }
0x52: {  	_ =	shalt  }
0x53: {  	_ =	shalt  }
0x54: {  	_ =	shalt  }
0x55: {  	_ =	shalt  }
0x56: {  	_ =	shalt  }
0x57: {  	_ =	shalt  }
0x58: {  	_ =	shalt  }
0x59: {  	_ =	shalt  }
0x5a: {  	_ =	shalt  }
0x5b: {  	_ =	shalt  }
0x5c: {  	_ =	shalt  }
0x5d: {  	_ =	shalt  }
0x5e: {  	_ =	shalt  }
0x5f: {  	_ =	shalt  }
0x60: {  	_ =	shalt  }
0x61: {  	_ =	shalt  }
0x62: {  	_ =	shalt  }
0x63: {  	_ =	shalt  }
0x64: {  	_ =	shalt  }
0x65: {  	_ =	shalt  }
0x66: {  	_ =	shalt  }
0x67: {  	_ =	shalt  }
0x68: {  	_ =	shalt  }
0x69: {  	_ =	shalt  }
0x6a: {  	_ =	shalt  }
0x6b: {  	_ =	shalt  }
0x6c: {  	_ =	shalt  }
0x6d: {  	_ =	shalt  }
0x6e: {  	_ =	shalt  }
0x6f: {  	_ =	shalt  }
0x70: {  	_ =	shalt  }
0x71: {  	_ =	shalt  }
0x72: {  	_ =	shalt  }
0x73: {  	_ =	shalt  }
0x74: {  	_ =	shalt  }
0x75: {  	_ =	shalt  }
0x76: {  	_ =	shalt  }
0x77: {  	_ =	shalt  }
0x78: {  	_ =	shalt  }
0x79: {  	_ =	shalt  }
0x7a: {  	_ =	shalt  }
0x7b: {  	_ =	shalt  }
0x7c: {  	_ =	shalt  }
0x7d: {  	_ =	shalt  }
0x7e: {  	_ =	shalt  }
0x7f: {  	_ =	shalt  }
0x80: {  	_ =	shalt  }
0x81: {  	_ =	shalt  }
0x82: {  	_ =	shalt  }
0x83: {  	_ =	shalt  }
0x84: {  	_ =	shalt  }
0x85: {  	_ =	shalt  }
0x86: {  	_ =	shalt  }
0x87: {  	_ =	shalt  }
.Lfunc_end0:
.L_simem_size_0:
called_computation.2_lowered:
.L_overlay_start_0:
0x88: {  	s2 =	sld [smem:$0x3FD9]  }
0x89: {  	s3 =	sld [smem:$0x3FFE];
	_ =	sdelay $0x1  }
0x8a: {  	s1 =	srdreg.scid  }
0x8b: {  	s0 =	sand.u32 $0x1, s1  }
0x8c: {  	s17 =	sshll.u32 s0, $0xA;
	s2 =	sadd.s32 s3, s2  }
0x8d: {  	s2 =	sadd.s32 s2, s17  }
0x8e: {  	[smem:$0x3FC2] =	sst s2  }
0x8f: {  	_ = 	snop  }
0x90: {  	s2 =	sld [smem:$0x3FD0];
	(tm) =	ssettm $0x1  }
0x91: {  	s18 =	sld [smem:$0x3FFB];
	_ =	sdelay $0x3  }
0x92: {  	_ =	strace s18  }
0x93: {  	s3 =	sld [smem:$0x3FFC];
	_ =	sdelay $0x3  }
0x94: {  	_ =	strace s3  }
0x95: {  	s3 =	sld [smem:$0x3FFD];
	_ =	sdelay $0x3  }
0x96: {  	_ =	strace s3  }
0x97: {  	_ =	strace $0x8FFFFFFF  }
0x98: {  	s19 =	sld [smem:$0x3FDB];
	_ =	sdelay $0x1  }
0x99: {  	s4 =	simm.s32 $_scs_section_size  }
0x9a: {  	s5 =	simm.s32 $_size__tile_overlayer_lowered;
	s6 =	simm.s32 $_tile_overlayer_lowered  }
0x9b: {  	s22 =	simm.s32 $0x1BFF;
	s21 =	sshll.u32 s6, $0x1;
	s3 =	sadd.s32 s4, s19  }
0x9c: {  	s7 =	simm.s32 $0x0;
	s20 =	sshll.u32 s5, $0x1;
	s5 =	sadd.s32 s21, s3  }
0x9d: {  	[timem:s7], [sflag:s22] =	dma.local [hbm:s5], s20  }
0x9e: {  	_ =	swait.ge [sflag:s22], s20  }
0x9f: {  	s4 =	ssub.s32 $0x0, s20;
	[sflag:s22] =	ssyncset.done $0x0  }
0xa0: {  	[sflag:s22] =	ssyncadd.s32 s4;
	_ =	sdelay $0x1  }
0xa1: {  	s23 =	simm.s32 $0x1B8B  }
0xa2: {  	_ =	swait.ge [sflag:s23], $0x1  }
0xa3: {  	[sflag:s23] =	ssyncset.done $0x0  }
0xa4: {  	s25 =	simm.s32 $0x1B8E;
	s24 =	sld [smem:$0x3FFE];
	[sflag:s23] =	ssyncadd.s32 $0xFFFFFFFF  }
0xa5: {  	s26 =	simm.s32 $execute0_lowered;
	[smem:$0x3FD2] =	sst s25  }
0xa6: {  	s5 =	sshll.u32 s26, $0x1;
	_ =	strace $0x8000004C;
	[dreg:$0x1] =	wrdreg $0xFFFFFFFF  }
0xa7: {  	s28 =	simm.s32 $_size_execute0_lowered;
	s3 =	sadd.s32 s3, s5;
	[dreg:$0x0] =	wrdreg $0x0  }
0xa8: {  	s5 =	sshll.u32 s28, $0x1;
	[dreg:$0x2] =	wrdreg s3  }
0xa9: {  	[dreg:$0x3] =	wrdreg s5  }
0xaa: {  	[dreg:$0x4] =	wrdreg $0xC0  }
0xab: {  	_ =	task [dreg:s7], $0x5FFFF  }
0xac: {  	[dreg:$0x1] =	wrdreg $0xFFFFFFFF  }
0xad: {  	[dreg:$0x0] =	wrdreg $0x60  }
0xae: {  	[dreg:$0x2] =	wrdreg s24  }
0xaf: {  	[dreg:$0x3] =	wrdreg s2  }
0xb0: {  	[dreg:$0x4] =	wrdreg $0x40000  }
0xb1: {  	[dreg:$0x5] =	wrdreg $0x71000  }
0xb2: {  	[dreg:$0x6] =	wrdreg $0x58800  }
0xb3: {  	[dreg:$0x7] =	wrdreg $0x89800  }
0xb4: {  	[dreg:$0x8] =	wrdreg $0x9  }
0xb5: {  	_ =	task.clear_ibuf [dreg:s7], $0x9FFFF;
	_ =	strace $0x9000004C  }
0xb6: {  	s29 =	simm.s32 $0x9;
	_ =	strace $0x8000004E  }
0xb7: {  	_ =	swait.ge [sflag:s29], $0x1  }
0xb8: {  	[sflag:s29] =	ssyncadd.s32 $0xFFFFFFFF  }
0xb9: {  	_ =	strace $0x9000004E  }
0xba: {  	_ =	sfence  }
0xbb: {  	s30 =	sld [smem:$0x0];
	_ =	sdelay $0x2  }
0xbc: {  	s31 =	sshll.u32 s1, $0xD;
	s1 =	sshrl.u32 s1, $0x2  }
0xbd: {  	s3 =	sand.u32 $0x4000, s31;
	s1 =	sadd.s32 s1, s30  }
0xbe: {  	s0 =	sor.u32 s3, s0;
	s1 =	sshll.u32 s1, $0x11  }
0xbf: {  	s0 =	sor.u32 s1, s0  }
0xc0: {  	s0 =	sadd.s32 $0x8F2B, s0  }
0xc1: {  	[sflag:s0] =	ssyncadd.remote.s32 $0x1  }
0xc2: {  	_ =	sfence.sel $0xFFFF  }
0xc3: {  	[dreg:$0x0] =	wrdreg $0xFFFFFFFF;
	(pc) =	sbr.abs _section_cstart, $3  }
0xc4: {  	[dreg:$0x1] =	wrdreg $0xFFFFFFFF  }
0xc5: {  	_ =	task.clear_ibuf [dreg:s7], $0x2FFFF;
	_ =	strace $0x9FFFFFFF  }
0xc6: {  	(tm) =	ssettm $0x7FFFFFFF  }
0xc7: {  	_ =	shalt  }
tec
execute0_lowered:
.L_overlay_start_1:
0x0: {  	(tag) =	ssettag $0x1  }
0x1: {  	s0 =	rddreg [dreg:$0x0]  }
0x2: {  	s1 =	rddreg [dreg:$0x1]  }
0x3: {  	s2 =	rddreg [dreg:$0x2]  }
0x4: {  	s3 =	rddreg [dreg:$0x3]  }
0x5: {  	s4 =	rddreg [dreg:$0x4]  }
0x6: {  	s5 =	rddreg [dreg:$0x5]  }
0x7: {  	s18 =	stileid.u32;
	s6 =	simm.s32 $0x0;
	s7 =	srdreg.scid  }
0x8: {  	s28 =	simm.s32 $0x4;
	s29 =	simm.s32 $0x800;
	s30 =	simm.s32 $0x2000  }
0x9: {  	s31 =	simm.s32 $0x2800;
	s9 =	smul.u32 $0x1880, s18;
	[smem:$0x7FF] =	sst s6  }
0xa: {  	s12 =	sand.u32 $0x1, s7;
	s10 =	smul.u32 $0x3100, s18;
	s7 =	sadd.s32 $0xC5A00, s0  }
0xb: {  	s8 =	sadd.s32 $0x189C00, s0;
	s24 =	sshll.u32 s18, $0x6;
	s26 =	smul.u32 $0x31000, s18  }
0xc: {  	_ =	strace $0x8000004D;
	s14 =	sshll.u32 s12, $0x7;
	s22 =	ssub.s32 $0x2, s12  }
0xd: {  	s15 =	sshll.u32 s12, $0x4;
	s25 =	smul.u32 $0x310000, s12;
	s11 =	sshrl.u32 s9, $0x3  }
0xe: {  	s10 =	sor.u32 s14, s10;
	s16 =	sshrl.u32 s22, $0x1;
	s15 =	sor.u32 s18, s15  }
0xf: {  	s17 =	sadd.s32 s9, s3;
	s13 =	sadd.s32 s11, s0;
	s10 =	sshrl.u32 s10, $0x3  }
0x10: {  	s14 =	ssub.s32 s22, s16;
	s15 =	smul.u32 $0x31000, s15;
	s16 =	sadd.s32 s9, s2  }
0x11: {  	[dreg:$0x8] =	wrdreg s17;
	s12 =	sadd.s32 s1, s11;
	s1 =	sadd.s32 s9, s4  }
0x12: {  	s9 =	sadd.s32 s9, s5;
	s11 =	sadd.s32 s26, s25;
	s0 =	sadd.s32 s10, s0  }
0x13: {  	s23 =	sadd.s32 $0x2400, s13;
	s10 =	sor.u32 $0x1C04, s24;
	[dreg:$0xa] =	wrdreg s9  }
0x14: {  	s13 =	sadd.s32 $0x5600, s13;
	s22 =	sadd.s32 $0x1800, s11;
	[dreg:$0x7] =	wrdreg s23  }
0x15: {  	s24 =	smax.u32 s14, $0x1;
	s25 =	sshrl.u32 s16, $0x3;
	[dreg:$0x9] =	wrdreg s13  }
0x16: {  	s26 =	sshrl.u32 s1, $0x3;
	s1 =	simm.s32 $0x1800;
	[dreg:$0x11] =	wrdreg s24  }
0x17: {  	s14 =	simm.s32 $0x3800;
	s18 =	sshrl.u32 s15, $0x3;
	[dreg:$0x12] =	wrdreg s25  }
0x18: {  	s23 =	sadd.s32 $0xEA00, s0;
	s0 =	sadd.s32 $0x8800, s0;
	[dreg:$0x13] =	wrdreg s26  }
0x19: {  	s24 =	sadd.s32 $0x1000, s11;
	s11 =	simm.s32 $0x1;
	[dreg:$0xf] =	wrdreg s23  }
0x1a: {  	s15 =	simm.s32 $0x3;
	s19 =	sadd.s32 s7, s18;
	[dreg:$0x10] =	wrdreg s0  }
0x1b: {  	s20 =	sor.u32 $0x100, s18;
	s9 =	sadd.s32 s8, s18;
	[dreg:$0xb] =	wrdreg s19  }
0x1c: {  	s0 =	simm.s32 $0x1000;
	[dreg:$0xc] =	wrdreg s9;
	s21 =	sadd.s32 s7, s20  }
0x1d: {  	s13 =	sadd.s32 s8, s20;
	s9 =	sshrl.u32 s22, $0x3;
	[dreg:$0xd] =	wrdreg s21  }
0x1e: {  	s18 =	simm.s32 $0x0;
	[dreg:$0xe] =	wrdreg s13;
	s22 =	sadd.s32 s9, s8  }
0x1f: {  	s23 =	sadd.s32 s9, s7;
	s9 =	simm.s32 $0x2;
	s13 =	simm.s32 $0x3000  }
.LBB2_1:
0x20: {  	s16 =	rddreg [dreg:$0x7]  }
0x21: {  	s17 =	rddreg [dreg:$0x12]  }
0x22: {  	[spmem:s17], [sflag:s10] =	dma.local [hbm:s16], $0x310  }
0x23: {  	_ =	swait.ge [sflag:s28], $0x310  }
0x24: {  	[sflag:s28] =	ssyncset.done $0x0;
	s19 =	rddreg [dreg:$0x8]  }
0x25: {  	[sflag:s28] =	ssyncadd.s32 $0xFFFFFCF0;
	s19 =	sshrl.u32 s19, $0x3  }
0x26: {  	[spmem:s19], [sflag:s10] =	dma.local [hbm:s12], $0x310  }
0x27: {  	_ =	swait.ge [sflag:s28], $0x310  }
0x28: {  	[sflag:s28] =	ssyncset.done $0x0;
	s20 =	rddreg [dreg:$0x9]  }
0x29: {  	s21 =	rddreg [dreg:$0x13];
	[sflag:s28] =	ssyncadd.s32 $0xFFFFFCF0  }
0x2a: {  	[spmem:s21], [sflag:s10] =	dma.local [hbm:s20], $0x310  }
0x2b: {  	_ =	swait.ge [sflag:s28], $0x310  }
0x2c: {  	[sflag:s28] =	ssyncset.done $0x0;
	s25 =	rddreg [dreg:$0xa]  }
0x2d: {  	[sflag:s28] =	ssyncadd.s32 $0xFFFFFCF0;
	s20 =	sshrl.u32 s25, $0x3  }
0x2e: {  	[spmem:s20], [sflag:s10] =	dma.local [hbm:s12], $0x310  }
0x2f: {  	_ =	swait.ge [sflag:s28], $0x310  }
0x30: {  	[sflag:s28] =	ssyncset.done $0x0  }
0x31: {  	[sflag:s28] =	ssyncadd.s32 $0xFFFFFCF0  }
0x32: {  	[bflag:$0x0] =	sbarrier.arrive $0xFFFF  }
0x33: {  	s26 =	rddreg [dreg:$0xb]  }
0x34: {  	[tilespmem:s6], [sflag:$0x4] =	stream.linear.gather [hbm4b:s26+s6], $0x800, $0x38;
	[tilespmem:$0xA200] =	vst v63  }
0x35: {  	_ =	swait.ge [sflag:s28], $0x800  }
0x36: {  	[sflag:s28] =	ssyncset.done $0x0  }
0x37: {  	s17 =	rddreg [dreg:$0xc];
	[sflag:s28] =	ssyncadd.s32 $0xFFFFF800  }
0x38: {  	[tilespmem:s29], [sflag:$0x4] =	stream.linear.gather [hbm4b:s17+s6], $0x800, $0x38;
	[tilespmem:$0xA200] =	vst v63  }
0x39: {  	_ =	swait.ge [sflag:s28], $0x800  }
0x3a: {  	[sflag:s28] =	ssyncset.done $0x0  }
0x3b: {  	[sflag:s28] =	ssyncadd.s32 $0xFFFFF800  }
0x3c: {  	[tilespmem:s30], [sflag:$0x2] =	stream.indirect.gather [spmem:s2], $0x1, s6, s29, $0xb8;
	[tilespmem:$0xA200] =	vst v63  }
0x3d: {  	_ = 	snop  }
0x3e: {  	[tilespmem:s31], [sflag:$0x2] =	stream.indirect.gather [spmem:s4], $0x1, s6, s29, $0xb8;
	[tilespmem:$0xA200] =	vst v63  }
0x3f: {  	s21 =	rddreg [dreg:$0xd]  }
0x40: {  	[tilespmem:s0], [sflag:$0x1] =	stream.linear.gather [hbm4b:s21+s6], $0x800, $0x38;
	[tilespmem:$0xA200] =	vst v63  }
0x41: {  	s25 =	rddreg [dreg:$0xe]  }
0x42: {  	[tilespmem:s1], [sflag:$0x1] =	stream.linear.gather [hbm4b:s25+s6], $0x800, $0x38;
	[tilespmem:$0xA200] =	vst v63  }
0x43: {  	_ =	swait.ge [sflag:s9], $0x800  }
0x44: {  	[sflag:s9] =	ssyncset.done $0x0  }
0x45: {  	[sflag:s9] =	ssyncadd.s32 $0xFFFFF800  }
0x46: {  	_ =	swait.ge [sflag:s9], $0x800  }
0x47: {  	[sflag:s9] =	ssyncset.done $0x0  }
0x48: {  	[sflag:s9] =	ssyncadd.s32 $0xFFFFF800  }
0x49: {  	[spmem:s3] =	stream.indirect.scatter.add.f32 [tilespmem:s30], [sflag:$0x3], $0x1, s29, s29, $0xb8;
	[tilespmem:$0xA200] =	vst v63  }
0x4a: {  	_ = 	snop  }
0x4b: {  	[spmem:s5] =	stream.indirect.scatter.add.f32 [tilespmem:s31], [sflag:$0x3], $0x1, s29, s29, $0xb8;
	[tilespmem:$0xA200] =	vst v63  }
0x4c: {  	_ =	swait.ge [sflag:s11], $0x800  }
0x4d: {  	[sflag:s11] =	ssyncset.done $0x0  }
0x4e: {  	[sflag:s11] =	ssyncadd.s32 $0xFFFFF800  }
0x4f: {  	_ =	swait.ge [sflag:s11], $0x800  }
0x50: {  	[sflag:s11] =	ssyncset.done $0x0  }
0x51: {  	[sflag:s11] =	ssyncadd.s32 $0xFFFFF800  }
0x52: {  	[tilespmem:s13], [sflag:$0x2] =	stream.indirect.gather [spmem:s2], $0x1, s0, s29, $0xb8;
	[tilespmem:$0xA200] =	vst v63  }
0x53: {  	_ = 	snop  }
0x54: {  	[tilespmem:s14], [sflag:$0x2] =	stream.indirect.gather [spmem:s4], $0x1, s0, s29, $0xb8;
	[tilespmem:$0xA200] =	vst v63  }
0x55: {  	_ =	swait.ge [sflag:s15], $0x800  }
0x56: {  	[sflag:s15] =	ssyncset.done $0x0  }
0x57: {  	[sflag:s15] =	ssyncadd.s32 $0xFFFFF800  }
0x58: {  	_ =	swait.ge [sflag:s15], $0x800  }
0x59: {  	s21 =	sshrl.u32 s24, $0x3;
	[sflag:s15] =	ssyncset.done $0x0  }
0x5a: {  	s25 =	sadd.s32 s7, s21;
	[sflag:s15] =	ssyncadd.s32 $0xFFFFF800  }
0x5b: {  	[tilespmem:s6], [sflag:$0x1] =	stream.linear.gather [hbm4b:s25+s6], $0x800, $0x38;
	[tilespmem:$0xA200] =	vst v63  }
0x5c: {  	s21 =	sadd.s32 s8, s21  }
0x5d: {  	[tilespmem:s29], [sflag:$0x1] =	stream.linear.gather [hbm4b:s21+s6], $0x800, $0x38;
	[tilespmem:$0xA200] =	vst v63  }
0x5e: {  	_ =	swait.ge [sflag:s9], $0x800  }
0x5f: {  	[sflag:s9] =	ssyncset.done $0x0  }
0x60: {  	[sflag:s9] =	ssyncadd.s32 $0xFFFFF800  }
0x61: {  	_ =	swait.ge [sflag:s9], $0x800  }
0x62: {  	[sflag:s9] =	ssyncset.done $0x0  }
0x63: {  	[sflag:s9] =	ssyncadd.s32 $0xFFFFF800  }
0x64: {  	[spmem:s3] =	stream.indirect.scatter.add.f32 [tilespmem:s13], [sflag:$0x3], $0x1, s1, s29, $0xb8;
	[tilespmem:$0xA200] =	vst v63  }
0x65: {  	_ = 	snop  }
0x66: {  	[spmem:s5] =	stream.indirect.scatter.add.f32 [tilespmem:s14], [sflag:$0x3], $0x1, s1, s29, $0xb8;
	[tilespmem:$0xA200] =	vst v63  }
0x67: {  	_ =	swait.ge [sflag:s11], $0x800  }
0x68: {  	[sflag:s11] =	ssyncset.done $0x0  }
0x69: {  	[sflag:s11] =	ssyncadd.s32 $0xFFFFF800  }
0x6a: {  	_ =	swait.ge [sflag:s11], $0x800  }
0x6b: {  	[sflag:s11] =	ssyncset.done $0x0  }
0x6c: {  	[sflag:s11] =	ssyncadd.s32 $0xFFFFF800  }
0x6d: {  	[tilespmem:s30], [sflag:$0x2] =	stream.indirect.gather [spmem:s2], $0x1, s6, s29, $0xb8;
	[tilespmem:$0xA200] =	vst v63  }
0x6e: {  	_ = 	snop  }
0x6f: {  	[tilespmem:s31], [sflag:$0x2] =	stream.indirect.gather [spmem:s4], $0x1, s6, s29, $0xb8;
	[tilespmem:$0xA200] =	vst v63  }
0x70: {  	_ =	swait.ge [sflag:s15], $0x800  }
0x71: {  	[sflag:s15] =	ssyncset.done $0x0  }
0x72: {  	[sflag:s15] =	ssyncadd.s32 $0xFFFFF800  }
0x73: {  	_ =	swait.ge [sflag:s15], $0x800  }
0x74: {  	[sflag:s15] =	ssyncset.done $0x0  }
0x75: {  	s26 =	sadd.s32 $0x0, s23;
	[sflag:s15] =	ssyncadd.s32 $0xFFFFF800  }
0x76: {  	[tilespmem:s0], [sflag:$0x1] =	stream.linear.gather [hbm4b:s26+s6], $0x800, $0x38;
	[tilespmem:$0xA200] =	vst v63  }
0x77: {  	s25 =	sadd.s32 $0x1000, s24;
	s21 =	simm.s32 $0x200;
	s26 =	sadd.s32 $0x0, s22  }
.LBB2_2:
0x78: {  	[tilespmem:s1], [sflag:$0x1] =	stream.linear.gather [hbm4b:s26+s6], $0x800, $0x38;
	[tilespmem:$0xA200] =	vst v63  }
0x79: {  	s26 =	smov.u32 s21  }
0x7a: {  	p0 =	sne.s32 s21, $0x6000;
	s21 =	sadd.s32 $0x200, s21;
	_ =	swait.ge [sflag:s9], $0x800  }
0x7b: {  	[sflag:s9] =	ssyncset.done $0x0  }
0x7c: {  	[sflag:s9] =	ssyncadd.s32 $0xFFFFF800  }
0x7d: {  	_ =	swait.ge [sflag:s9], $0x800  }
0x7e: {  	[sflag:s9] =	ssyncset.done $0x0  }
0x7f: {  	[sflag:s9] =	ssyncadd.s32 $0xFFFFF800  }
0x80: {  	[spmem:s3] =	stream.indirect.scatter.add.f32 [tilespmem:s30], [sflag:$0x3], $0x1, s29, s29, $0xb8;
	[tilespmem:$0xA200] =	vst v63  }
0x81: {  	_ = 	snop  }
0x82: {  	[spmem:s5] =	stream.indirect.scatter.add.f32 [tilespmem:s31], [sflag:$0x3], $0x1, s29, s29, $0xb8;
	[tilespmem:$0xA200] =	vst v63  }
0x83: {  	_ =	swait.ge [sflag:s11], $0x800  }
0x84: {  	[sflag:s11] =	ssyncset.done $0x0  }
0x85: {  	[sflag:s11] =	ssyncadd.s32 $0xFFFFF800  }
0x86: {  	_ =	swait.ge [sflag:s11], $0x800  }
0x87: {  	[sflag:s11] =	ssyncset.done $0x0  }
0x88: {  	[sflag:s11] =	ssyncadd.s32 $0xFFFFF800  }
0x89: {  	[tilespmem:s13], [sflag:$0x2] =	stream.indirect.gather [spmem:s2], $0x1, s0, s29, $0xb8;
	[tilespmem:$0xA200] =	vst v63  }
0x8a: {  	_ = 	snop  }
0x8b: {  	[tilespmem:s14], [sflag:$0x2] =	stream.indirect.gather [spmem:s4], $0x1, s0, s29, $0xb8;
	[tilespmem:$0xA200] =	vst v63  }
0x8c: {  	_ =	swait.ge [sflag:s15], $0x800  }
0x8d: {  	[sflag:s15] =	ssyncset.done $0x0  }
0x8e: {  	[sflag:s15] =	ssyncadd.s32 $0xFFFFF800  }
0x8f: {  	_ =	swait.ge [sflag:s15], $0x800  }
0x90: {  	s16 =	sshrl.u32 s25, $0x3;
	[sflag:s15] =	ssyncset.done $0x0  }
0x91: {  	s17 =	sadd.s32 s7, s16;
	[sflag:s15] =	ssyncadd.s32 $0xFFFFF800  }
0x92: {  	[tilespmem:s6], [sflag:$0x1] =	stream.linear.gather [hbm4b:s17+s6], $0x800, $0x38;
	[tilespmem:$0xA200] =	vst v63  }
0x93: {  	s16 =	sadd.s32 s8, s16  }
0x94: {  	[tilespmem:s29], [sflag:$0x1] =	stream.linear.gather [hbm4b:s16+s6], $0x800, $0x38;
	[tilespmem:$0xA200] =	vst v63  }
0x95: {  	_ =	swait.ge [sflag:s9], $0x800  }
0x96: {  	[sflag:s9] =	ssyncset.done $0x0  }
0x97: {  	[sflag:s9] =	ssyncadd.s32 $0xFFFFF800  }
0x98: {  	_ =	swait.ge [sflag:s9], $0x800  }
0x99: {  	[sflag:s9] =	ssyncset.done $0x0  }
0x9a: {  	[sflag:s9] =	ssyncadd.s32 $0xFFFFF800  }
0x9b: {  	[spmem:s3] =	stream.indirect.scatter.add.f32 [tilespmem:s13], [sflag:$0x3], $0x1, s1, s29, $0xb8;
	[tilespmem:$0xA200] =	vst v63  }
0x9c: {  	_ = 	snop  }
0x9d: {  	[spmem:s5] =	stream.indirect.scatter.add.f32 [tilespmem:s14], [sflag:$0x3], $0x1, s1, s29, $0xb8;
	[tilespmem:$0xA200] =	vst v63  }
0x9e: {  	_ =	swait.ge [sflag:s11], $0x800  }
0x9f: {  	[sflag:s11] =	ssyncset.done $0x0  }
0xa0: {  	[sflag:s11] =	ssyncadd.s32 $0xFFFFF800  }
0xa1: {  	_ =	swait.ge [sflag:s11], $0x800  }
0xa2: {  	[sflag:s11] =	ssyncset.done $0x0  }
0xa3: {  	[sflag:s11] =	ssyncadd.s32 $0xFFFFF800  }
0xa4: {  	[tilespmem:s30], [sflag:$0x2] =	stream.indirect.gather [spmem:s2], $0x1, s6, s29, $0xb8;
	[tilespmem:$0xA200] =	vst v63  }
0xa5: {  	_ = 	snop  }
0xa6: {  	[tilespmem:s31], [sflag:$0x2] =	stream.indirect.gather [spmem:s4], $0x1, s6, s29, $0xb8;
	[tilespmem:$0xA200] =	vst v63  }
0xa7: {  	_ =	swait.ge [sflag:s15], $0x800  }
0xa8: {  	[sflag:s15] =	ssyncset.done $0x0  }
0xa9: {  	[sflag:s15] =	ssyncadd.s32 $0xFFFFF800  }
.Ltmp0:
0xaa: {  	_ =	swait.ge [sflag:s15], $0x800;
	(pc) =	sbr.rel @p0 .LBB2_2-.Ltmp0, $4  }
0xab: {  	[sflag:s15] =	ssyncset.done $0x0  }
0xac: {  	s16 =	sadd.s32 s26, s23;
	[sflag:s15] =	ssyncadd.s32 $0xFFFFF800  }
0xad: {  	[tilespmem:s0], [sflag:$0x1] =	stream.linear.gather [hbm4b:s16+s6], $0x800, $0x38;
	[tilespmem:$0xA200] =	vst v63  }
0xae: {  	s25 =	sadd.s32 $0x1000, s25;
	s26 =	sadd.s32 s26, s22  }
0xaf: {  	[tilespmem:s1], [sflag:$0x1] =	stream.linear.gather [hbm4b:s26+s6], $0x800, $0x38;
	[tilespmem:$0xA200] =	vst v63  }
0xb0: {  	_ =	swait.ge [sflag:s9], $0x800  }
0xb1: {  	[sflag:s9] =	ssyncset.done $0x0  }
0xb2: {  	[sflag:s9] =	ssyncadd.s32 $0xFFFFF800  }
0xb3: {  	_ =	swait.ge [sflag:s9], $0x800  }
0xb4: {  	[sflag:s9] =	ssyncset.done $0x0  }
0xb5: {  	[sflag:s9] =	ssyncadd.s32 $0xFFFFF800  }
0xb6: {  	_ =	swait.ge [sflag:s11], $0x800  }
0xb7: {  	[sflag:s11] =	ssyncset.done $0x0  }
0xb8: {  	[sflag:s11] =	ssyncadd.s32 $0xFFFFF800  }
0xb9: {  	_ =	swait.ge [sflag:s11], $0x800  }
0xba: {  	[sflag:s11] =	ssyncset.done $0x0  }
0xbb: {  	[sflag:s11] =	ssyncadd.s32 $0xFFFFF800  }
0xbc: {  	[bflag:$0x0] =	sbarrier.arrive $0xFFFF  }
0xbd: {  	s17 =	simm.s32 $0x20;
	s21 =	simm.s32 $0x10;
	s16 =	rddreg [dreg:$0xf]  }
0xbe: {  	[hbm:s16@s17], [sflag:s10] =	dma.strided [spmem:s19@s21], $0x310, s11, $0x10   }
0xbf: {  	_ =	swait.ge [sflag:s28], $0x310  }
0xc0: {  	[sflag:s28] =	ssyncset.done $0x0  }
0xc1: {  	s25 =	rddreg [dreg:$0x10];
	[sflag:s28] =	ssyncadd.s32 $0xFFFFFCF0  }
0xc2: {  	[hbm:s25@s17], [sflag:s10] =	dma.strided [spmem:s20@s21], $0x310, s11, $0x10   }
0xc3: {  	_ =	swait.ge [sflag:s28], $0x310  }
0xc4: {  	s18 =	sadd.s32 $0x1, s18;
	s26 =	rddreg [dreg:$0x11]  }
0xc5: {  	p0 =	sne.s32 s18, s26  }
.Ltmp1:
0xc6: {  	_ = 	snop;
	(pc) =	sbr.rel @p0 .LBB2_1-.Ltmp1, $3  }
0xc7: {  	_ =	sdelay $0x1  }
0xc8: {  	[sflag:s28] =	ssyncset.done $0x0  }
0xc9: {  	[sflag:s28] =	ssyncadd.s32 $0xFFFFFCF0  }
0xca: {  	_ =	sfence.sel $0x180000  }
0xcb: {  	[bflag:$0x0] =	sbarrier.arrive $0xFFFF  }
0xcc: {  	_ =	strace $0x9000004D  }
0xcd: {  	s0 =	stileid.u32;
	[bflag:$0x2] =	sbarrier.arrive $0xFFFF  }
0xce: {  	p0 =	sne.s32 s0, $0x0;
	s0 =	rddreg [dreg:$0x6]  }
0xcf: {  	s0 =	sadd.s32 @!p0 $0x100000, s0  }
0xd0: {  	[sflag:s0] =	ssyncadd.tile.s32 @!p0 $0x1;
	_ =	shalt  }
.Lfunc_end2:
_tile_overlayer_lowered:
.L_overlay_start_2:
0xd1: {  	(tag) =	ssettag $0x2  }
0xd2: {  	s0 =	rddreg [dreg:$0x0];
	s2 =	stileid.u32  }
0xd3: {  	s1 =	rddreg [dreg:$0x1];
	p0 =	sne.s32 s2, $0x0  }
0xd4: {  	s3 =	rddreg [dreg:$0x2];
	[bflag:$0x3] =	sbarrier.arrive $0xFFFF;
	s2 =	simm.s32 @!p0 $0x1C04  }
0xd5: {  	[timem:s3], [sflag:s2] =	dma.local @!p0 [hbm:s0], s1  }
0xd6: {  	s0 =	simm.s32 @!p0 $0x4  }
0xd7: {  	_ =	swait.ge @!p0 [sflag:s0], s1  }
0xd8: {  	s1 =	ssub.s32 @!p0 $0x0, s1;
	[sflag:s0] =	ssyncset.done @!p0 $0x0  }
0xd9: {  	[sflag:s0] =	ssyncadd.s32 @!p0 s1  }
0xda: {  	[bflag:$0x3] =	sbarrier.arrive $0xFFFF  }
0xdb: {  	_ =	shalt  }

// kernel: kernel.8.cloned.1.call-start
scs
__scs_entry_jumppad:
0x0: {  	(pc) =	sbr.rel $0x88, $3  }
0x1: {  	(tag) =	ssettag $0x0;
	lr =	simm.s32 $0x1  }
0x2: {  	[smem:$0x3F9B] =	sst lr;
	_ =	strace $0xD0000000  }
0x3: {  	_ = 	snop  }
0x4: {  	_ = 	snop  }
0x5: {  	_ = 	snop  }
0x6: {  	_ = 	snop  }
0x7: {  	_ = 	snop  }
__scs_overlays_trampoline_lowered:
0x8: {  	[smem:$0x3FAA] =	sst s0  }
0x9: {  	[smem:$0x3FAB] =	sst s1  }
0xa: {  	[smem:$0x3FAC] =	sst s2  }
0xb: {  	[smem:$0x3FAD] =	sst s3  }
0xc: {  	[smem:$0x3FAE] =	sst s4  }
0xd: {  	[smem:$0x3FAF] =	sst s5  }
0xe: {  	[smem:$0x3FB0] =	sst s6  }
0xf: {  	[smem:$0x3FB1] =	sst s7  }
0x10: {  	[smem:$0x3FB2] =	sst s8  }
0x11: {  	[smem:$0x3FB3] =	sst s9;
	s0 =	simm.s32 @!p0 $0x0  }
0x12: {  	s1 =	sld [smem:$0x3F99];
	s0 =	simm.s32 @p0 $0x1  }
0x13: {  	[smem:$0x3FB4] =	sst s0;
	s0 =	simm.s32 @!p1 $0x0  }
0x14: {  	s2 =	sld [smem:$0x3F98];
	s0 =	simm.s32 @p1 $0x1  }
0x15: {  	[smem:$0x3FB5] =	sst s0;
	s0 =	simm.s32 @!p2 $0x0  }
0x16: {  	s3 =	sld [smem:$0x3FDB];
	s0 =	simm.s32 @p2 $0x1  }
0x17: {  	s4 =	simm.s32 $0x1BF5;
	[smem:$0x3FB7] =	sst s0  }
0x18: {  	s0 =	sld [smem:$0x3F9A];
	_ =	swait.ge [sflag:s4], $0x0  }
0x19: {  	s7 =	sld [smem:$0x3F9B]  }
0x1a: {  	s8 =	sadd.s32 $0xFFFFE003, lr  }
0x1b: {  	s9 =	sadd.s32 $0xFFFFFEF7, lr;
	s5 =	simm.s32 $0xFFFFFFFF;
	p2 =	slt.u32 s8, $0xFFFFF086  }
0x1c: {  	p1 =	slt.u32 s9, $0xF7A;
	s5 =	simm.s32 @!p2 $0x0  }
0x1d: {  	s5 =	simm.s32 @p1 $0x1;
	p0 =	seq.s32 s7, s2  }
0x1e: {  	s7 =	smul.u32 @!p0 $0xF7A, s2;
	p2 =	seq.s32 @!p0 s5, $0x0  }
0x1f: {  	s9 =	smul.u32 $0xF7A, s1;
	s8 =	simm.s32 @!p0 $0x1BF5;
	p2 =	por !p2, p0  }
0x20: {  	[sflag:s8] =	ssyncset.s32 @!p0 $0xFFFFF086;
	s6 =	sadd.s32 @!p0 s3, s7;
	s7 =	simm.s32 @!p0 $0x108  }
0x21: {  	s3 =	sadd.s32 s3, s9;
	s6 =	sadd.s32 @!p0 $0x88, s6;
	s7 =	simm.s32 @p2 $0x1082  }
0x22: {  	[simem:s7], [sflag:s8] =	dma.local @!p0 [hbm:s6], $0xF7A  }
0x23: {  	s9 =	sor.u32 $0xD0000000, s2;
	s6 =	simm.s32 $0x108;
	_ =	swait.ge @!p0 [sflag:s8], $0x0  }
0x24: {  	s3 =	sadd.s32 $0x88, s3;
	s6 =	simm.s32 @!p1 $0x1082;
	[sflag:s4] =	ssyncset.s32 $0xFFFFF086  }
0x25: {  	[simem:s6], [sflag:s4] =	dma.local [hbm:s3], $0xF7A  }
0x26: {  	[smem:$0x3F9B] =	sst s1;
	(tag) =	ssettag s2;
	_ =	strace s9  }
0x27: {  	s1 =	sld [smem:$0x3FAB]  }
0x28: {  	s2 =	sld [smem:$0x3FAC]  }
0x29: {  	s4 =	sld [smem:$0x3FAE]  }
0x2a: {  	p0 =	seq.s32 s5, $0x0;
	s5 =	sld [smem:$0x3FAF]  }
0x2b: {  	s6 =	sld [smem:$0x3FB0]  }
0x2c: {  	s7 =	sld [smem:$0x3FB1]  }
0x2d: {  	s3 =	simm.s32 $0x108;
	s8 =	sld [smem:$0x3FB2]  }
0x2e: {  	s3 =	simm.s32 @!p0 $0x1082;
	s9 =	sld [smem:$0x3FB3]  }
0x2f: {  	lr =	sadd.s32 s0, s3;
	s0 =	sld [smem:$0x3FAA]  }
0x30: {  	s3 =	sld [smem:$0x3FAD]  }
0x31: {  	[smem:$0x3FB6] =	sst s10  }
0x32: {  	s10 =	sld [smem:$0x3FB4];
	_ =	sdelay $0x3  }
0x33: {  	p0 =	seq.s32 s10, $0x1;
	s10 =	sld [smem:$0x3FB6];
	_ =	sdelay $0x3  }
0x34: {  	[smem:$0x3FB6] =	sst s10  }
0x35: {  	s10 =	sld [smem:$0x3FB5];
	_ =	sdelay $0x3  }
0x36: {  	p1 =	seq.s32 s10, $0x1;
	s10 =	sld [smem:$0x3FB6];
	_ =	sdelay $0x3  }
0x37: {  	[smem:$0x3FB6] =	sst s10  }
0x38: {  	s10 =	sld [smem:$0x3FB7]  }
0x39: {  	_ = 	snop;
	(pc) =	sbr.ind lr, $3  }
0x3a: {  	_ = 	snop  }
0x3b: {  	_ = 	snop  }
0x3c: {  	p2 =	seq.s32 s10, $0x1;
	s10 =	sld [smem:$0x3FB6]  }
0x3d: {  	_ =	shalt  }
0x3e: {  	_ =	shalt  }
0x3f: {  	_ =	shalt  }
0x40: {  	_ =	shalt  }
0x41: {  	_ =	shalt  }
0x42: {  	_ =	shalt  }
0x43: {  	_ =	shalt  }
0x44: {  	_ =	shalt  }
0x45: {  	_ =	shalt  }
0x46: {  	_ =	shalt  }
0x47: {  	_ =	shalt  }
0x48: {  	_ =	shalt  }
0x49: {  	_ =	shalt  }
0x4a: {  	_ =	shalt  }
0x4b: {  	_ =	shalt  }
0x4c: {  	_ =	shalt  }
0x4d: {  	_ =	shalt  }
0x4e: {  	_ =	shalt  }
0x4f: {  	_ =	shalt  }
0x50: {  	_ =	shalt  }
0x51: {  	_ =	shalt  }
0x52: {  	_ =	shalt  }
0x53: {  	_ =	shalt  }
0x54: {  	_ =	shalt  }
0x55: {  	_ =	shalt  }
0x56: {  	_ =	shalt  }
0x57: {  	_ =	shalt  }
0x58: {  	_ =	shalt  }
0x59: {  	_ =	shalt  }
0x5a: {  	_ =	shalt  }
0x5b: {  	_ =	shalt  }
0x5c: {  	_ =	shalt  }
0x5d: {  	_ =	shalt  }
0x5e: {  	_ =	shalt  }
0x5f: {  	_ =	shalt  }
0x60: {  	_ =	shalt  }
0x61: {  	_ =	shalt  }
0x62: {  	_ =	shalt  }
0x63: {  	_ =	shalt  }
0x64: {  	_ =	shalt  }
0x65: {  	_ =	shalt  }
0x66: {  	_ =	shalt  }
0x67: {  	_ =	shalt  }
0x68: {  	_ =	shalt  }
0x69: {  	_ =	shalt  }
0x6a: {  	_ =	shalt  }
0x6b: {  	_ =	shalt  }
0x6c: {  	_ =	shalt  }
0x6d: {  	_ =	shalt  }
0x6e: {  	_ =	shalt  }
0x6f: {  	_ =	shalt  }
0x70: {  	_ =	shalt  }
0x71: {  	_ =	shalt  }
0x72: {  	_ =	shalt  }
0x73: {  	_ =	shalt  }
0x74: {  	_ =	shalt  }
0x75: {  	_ =	shalt  }
0x76: {  	_ =	shalt  }
0x77: {  	_ =	shalt  }
0x78: {  	_ =	shalt  }
0x79: {  	_ =	shalt  }
0x7a: {  	_ =	shalt  }
0x7b: {  	_ =	shalt  }
0x7c: {  	_ =	shalt  }
0x7d: {  	_ =	shalt  }
0x7e: {  	_ =	shalt  }
0x7f: {  	_ =	shalt  }
0x80: {  	_ =	shalt  }
0x81: {  	_ =	shalt  }
0x82: {  	_ =	shalt  }
0x83: {  	_ =	shalt  }
0x84: {  	_ =	shalt  }
0x85: {  	_ =	shalt  }
0x86: {  	_ =	shalt  }
0x87: {  	_ =	shalt  }
.Lfunc_end0:
.L_simem_size_0:
called_computation_lowered:
.L_overlay_start_0:
0x88: {  	s2 =	sld [smem:$0x3FD9]  }
0x89: {  	s3 =	sld [smem:$0x3FFE];
	_ =	sdelay $0x1  }
0x8a: {  	s1 =	srdreg.scid  }
0x8b: {  	s0 =	sand.u32 $0x1, s1  }
0x8c: {  	s17 =	sshll.u32 s0, $0xA;
	s2 =	sadd.s32 s3, s2  }
0x8d: {  	s2 =	sadd.s32 s2, s17  }
0x8e: {  	[smem:$0x3FC2] =	sst s2  }
0x8f: {  	_ = 	snop  }
0x90: {  	s2 =	sld [smem:$0x3FD0];
	(tm) =	ssettm $0x1  }
0x91: {  	s18 =	sld [smem:$0x3FFB];
	_ =	sdelay $0x3  }
0x92: {  	_ =	strace s18  }
0x93: {  	s3 =	sld [smem:$0x3FFC];
	_ =	sdelay $0x3  }
0x94: {  	_ =	strace s3  }
0x95: {  	s3 =	sld [smem:$0x3FFD];
	_ =	sdelay $0x3  }
0x96: {  	_ =	strace s3  }
0x97: {  	_ =	strace $0x8FFFFFFF  }
0x98: {  	s19 =	sld [smem:$0x3FDB];
	_ =	sdelay $0x1  }
0x99: {  	s4 =	simm.s32 $_scs_section_size  }
0x9a: {  	s5 =	simm.s32 $_size__tile_overlayer_lowered;
	s6 =	simm.s32 $_tile_overlayer_lowered  }
0x9b: {  	s22 =	simm.s32 $0x1BFF;
	s21 =	sshll.u32 s6, $0x1;
	s3 =	sadd.s32 s4, s19  }
0x9c: {  	s7 =	simm.s32 $0x0;
	s20 =	sshll.u32 s5, $0x1;
	s5 =	sadd.s32 s21, s3  }
0x9d: {  	[timem:s7], [sflag:s22] =	dma.local [hbm:s5], s20  }
0x9e: {  	_ =	swait.ge [sflag:s22], s20  }
0x9f: {  	s4 =	ssub.s32 $0x0, s20;
	[sflag:s22] =	ssyncset.done $0x0  }
0xa0: {  	[sflag:s22] =	ssyncadd.s32 s4;
	_ =	sdelay $0x1  }
0xa1: {  	s23 =	simm.s32 $0x1B8B  }
0xa2: {  	_ =	swait.ge [sflag:s23], $0x1  }
0xa3: {  	[sflag:s23] =	ssyncset.done $0x0  }
0xa4: {  	s25 =	simm.s32 $0x1B8E;
	s24 =	sld [smem:$0x3FFE];
	[sflag:s23] =	ssyncadd.s32 $0xFFFFFFFF  }
0xa5: {  	s26 =	simm.s32 $execute0_lowered;
	[smem:$0x3FD2] =	sst s25  }
0xa6: {  	s5 =	sshll.u32 s26, $0x1;
	_ =	strace $0x80000046;
	[dreg:$0x1] =	wrdreg $0xFFFFFFFF  }
0xa7: {  	s28 =	simm.s32 $_size_execute0_lowered;
	s3 =	sadd.s32 s3, s5;
	[dreg:$0x0] =	wrdreg $0x0  }
0xa8: {  	s5 =	sshll.u32 s28, $0x1;
	[dreg:$0x2] =	wrdreg s3  }
0xa9: {  	[dreg:$0x3] =	wrdreg s5  }
0xaa: {  	[dreg:$0x4] =	wrdreg $0xC0  }
0xab: {  	_ =	task [dreg:s7], $0x5FFFF  }
0xac: {  	[dreg:$0x1] =	wrdreg $0xFFFFFFFF  }
0xad: {  	[dreg:$0x0] =	wrdreg $0x60  }
0xae: {  	[dreg:$0x2] =	wrdreg s24  }
0xaf: {  	[dreg:$0x3] =	wrdreg s2  }
0xb0: {  	[dreg:$0x4] =	wrdreg $0x18000  }
0xb1: {  	[dreg:$0x5] =	wrdreg $0x9  }
0xb2: {  	_ =	task.clear_ibuf [dreg:s7], $0x6FFFF;
	_ =	strace $0x90000046  }
0xb3: {  	s29 =	simm.s32 $0x9;
	_ =	strace $0x80000048  }
0xb4: {  	_ =	swait.ge [sflag:s29], $0x1  }
0xb5: {  	[sflag:s29] =	ssyncadd.s32 $0xFFFFFFFF  }
0xb6: {  	_ =	strace $0x90000048  }
0xb7: {  	_ =	sfence  }
0xb8: {  	s30 =	sld [smem:$0x0];
	_ =	sdelay $0x2  }
0xb9: {  	s31 =	sshll.u32 s1, $0xD;
	s1 =	sshrl.u32 s1, $0x2  }
0xba: {  	s3 =	sand.u32 $0x4000, s31;
	s1 =	sadd.s32 s1, s30  }
0xbb: {  	s0 =	sor.u32 s3, s0;
	s1 =	sshll.u32 s1, $0x11  }
0xbc: {  	s0 =	sor.u32 s1, s0  }
0xbd: {  	s0 =	sadd.s32 $0x8F2B, s0  }
0xbe: {  	[sflag:s0] =	ssyncadd.remote.s32 $0x1  }
0xbf: {  	_ =	sfence.sel $0xFFFF  }
0xc0: {  	[dreg:$0x0] =	wrdreg $0xFFFFFFFF;
	(pc) =	sbr.abs _section_cstart, $3  }
0xc1: {  	[dreg:$0x1] =	wrdreg $0xFFFFFFFF  }
0xc2: {  	_ =	task.clear_ibuf [dreg:s7], $0x2FFFF;
	_ =	strace $0x9FFFFFFF  }
0xc3: {  	(tm) =	ssettm $0x7FFFFFFF  }
tec
execute0_lowered:
.L_overlay_start_1:
0x0: {  	(tag) =	ssettag $0x1  }
0x1: {  	s6 =	rddreg [dreg:$0x0]  }
0x2: {  	s7 =	rddreg [dreg:$0x1]  }
0x3: {  	s1 =	rddreg [dreg:$0x2]  }
0x4: {  	s2 =	srdreg.scid;
	s0 =	rddreg [dreg:$0x3];
	s3 =	simm.s32 $0x0  }
0x5: {  	s16 =	simm.s32 $0x1;
	s17 =	simm.s32 $0x800;
	s18 =	simm.s32 $0x2  }
0x6: {  	s19 =	simm.s32 $0x20;
	s8 =	sand.u32 $0x1, s2;
	s2 =	stileid.u32  }
0x7: {  	s20 =	simm.s32 $0x10;
	s21 =	simm.s32 $0x0;
	s9 =	smul.u32 $0x3100, s2  }
0x8: {  	[smem:$0x7FF] =	sst s3;
	s4 =	sshll.u32 s8, $0x4;
	s12 =	smul.u32 $0x1880, s2  }
0x9: {  	s11 =	sshll.u32 s8, $0x7;
	s26 =	ssub.s32 $0x2, s8;
	s8 =	smul.u32 $0x310000, s8  }
0xa: {  	_ =	strace $0x80000047;
	s14 =	smul.u32 $0x31000, s2;
	s31 =	sshll.u32 s2, $0x6  }
0xb: {  	s5 =	sor.u32 s2, s4;
	s4 =	sadd.s32 $0x189C00, s6;
	s13 =	sshrl.u32 s26, $0x1  }
0xc: {  	s10 =	smul.u32 $0x31000, s5;
	s5 =	sadd.s32 $0x2400, s6;
	s9 =	sor.u32 s11, s9  }
0xd: {  	s11 =	ssub.s32 s26, s13;
	s15 =	sadd.s32 s12, s1;
	s28 =	sshrl.u32 s12, $0x3  }
0xe: {  	s29 =	sadd.s32 s14, s8;
	s12 =	simm.s32 $0x1000;
	s13 =	simm.s32 $0x3  }
0xf: {  	s14 =	sor.u32 $0x1C03, s31;
	s9 =	sshrl.u32 s9, $0x3;
	s30 =	sshrl.u32 s29, $0x3  }
0x10: {  	s15 =	sshrl.u32 s15, $0x3;
	s9 =	sadd.s32 s9, s6;
	s10 =	sshrl.u32 s10, $0x3  }
0x11: {  	s6 =	sadd.s32 s7, s28;
	s7 =	sadd.s32 s4, s10;
	s8 =	sadd.s32 $0x2600, s9  }
0x12: {  	s9 =	smax.u32 s11, $0x1;
	s10 =	sadd.s32 s30, s4;
	s11 =	sadd.s32 $0x1000, s29  }
.LBB2_1:
0x13: {  	[tilespmem:s12], [sflag:$0x3] =	stream.linear.gather [hbm4b:s5+s3], $0x800, $0x38;
	[tilespmem:$0x3080] =	vst v63  }
0x14: {  	_ =	swait.ge [sflag:s13], $0x800  }
0x15: {  	[sflag:s13] =	ssyncset.done $0x0  }
0x16: {  	[sflag:s13] =	ssyncadd.s32 $0xFFFFF800  }
0x17: {  	[spmem:s15], [sflag:s14] =	dma.local [hbm:s6], $0x310  }
0x18: {  	_ =	swait.ge [sflag:s13], $0x310  }
0x19: {  	[sflag:s13] =	ssyncset.done $0x0  }
0x1a: {  	[sflag:s13] =	ssyncadd.s32 $0xFFFFFCF0  }
0x1b: {  	[bflag:$0x0] =	sbarrier.arrive $0xFFFF  }
0x1c: {  	[tilespmem:s3], [sflag:$0x1] =	stream.linear.gather [hbm4b:s7+s3], $0x800, $0x38;
	[tilespmem:$0x3080] =	vst v63  }
0x1d: {  	_ =	swait.ge [sflag:s16], $0x800  }
0x1e: {  	[sflag:s16] =	ssyncset.done $0x0  }
0x1f: {  	s22 =	sadd.s32 $0x100, s10;
	[sflag:s16] =	ssyncadd.s32 $0xFFFFF800  }
0x20: {  	[tilespmem:s17], [sflag:$0x1] =	stream.linear.gather [hbm4b:s22+s3], $0x800, $0x38;
	[tilespmem:$0x3080] =	vst v63  }
0x21: {  	_ = 	snop  }
0x22: {  	[spmem:s1] =	stream.indirect.scatter.add.f32 [tilespmem:s12], [sflag:$0x2], $0x1, s3, s17, $0xb8;
	[tilespmem:$0x3080] =	vst v63  }
0x23: {  	_ =	swait.ge [sflag:s16], $0x800  }
0x24: {  	[sflag:s16] =	ssyncset.done $0x0  }
0x25: {  	[sflag:s16] =	ssyncadd.s32 $0xFFFFF800  }
0x26: {  	_ =	swait.ge [sflag:s18], $0x800  }
0x27: {  	s31 =	sshrl.u32 s11, $0x3;
	[sflag:s18] =	ssyncset.done $0x0  }
0x28: {  	s22 =	sadd.s32 s4, s31;
	[sflag:s18] =	ssyncadd.s32 $0xFFFFF800  }
0x29: {  	[tilespmem:s3], [sflag:$0x1] =	stream.linear.gather [hbm4b:s22+s3], $0x800, $0x38;
	[tilespmem:$0x3080] =	vst v63  }
0x2a: {  	_ = 	snop  }
0x2b: {  	[spmem:s1] =	stream.indirect.scatter.add.f32 [tilespmem:s12], [sflag:$0x2], $0x1, s17, s17, $0xb8;
	[tilespmem:$0x3080] =	vst v63  }
0x2c: {  	_ =	swait.ge [sflag:s18], $0x800  }
0x2d: {  	s23 =	smov.u32 s11;
	s22 =	simm.s32 $0x300;
	[sflag:s18] =	ssyncset.done $0x0  }
.LBB2_2:
0x2e: {  	p0 =	sne.s32 s22, $0x6100;
	[sflag:s18] =	ssyncadd.s32 $0xFFFFF800;
	s23 =	sadd.s32 $0x1000, s23  }
0x2f: {  	s24 =	smov.u32 s22;
	s22 =	sadd.s32 $0x200, s22  }
0x30: {  	_ =	swait.ge [sflag:s16], $0x800  }
0x31: {  	[sflag:s16] =	ssyncset.done $0x0  }
0x32: {  	s24 =	sadd.s32 s24, s10;
	[sflag:s16] =	ssyncadd.s32 $0xFFFFF800  }
0x33: {  	[tilespmem:s17], [sflag:$0x1] =	stream.linear.gather [hbm4b:s24+s3], $0x800, $0x38;
	[tilespmem:$0x3080] =	vst v63  }
0x34: {  	_ = 	snop  }
0x35: {  	[spmem:s1] =	stream.indirect.scatter.add.f32 [tilespmem:s12], [sflag:$0x2], $0x1, s3, s17, $0xb8;
	[tilespmem:$0x3080] =	vst v63  }
0x36: {  	_ =	swait.ge [sflag:s16], $0x800  }
0x37: {  	[sflag:s16] =	ssyncset.done $0x0  }
0x38: {  	[sflag:s16] =	ssyncadd.s32 $0xFFFFF800  }
0x39: {  	_ =	swait.ge [sflag:s18], $0x800  }
0x3a: {  	s24 =	sshrl.u32 s23, $0x3;
	[sflag:s18] =	ssyncset.done $0x0  }
0x3b: {  	s24 =	sadd.s32 s4, s24;
	[sflag:s18] =	ssyncadd.s32 $0xFFFFF800  }
0x3c: {  	[tilespmem:s3], [sflag:$0x1] =	stream.linear.gather [hbm4b:s24+s3], $0x800, $0x38;
	[tilespmem:$0x3080] =	vst v63  }
.Ltmp0:
0x3d: {  	_ = 	snop;
	(pc) =	sbr.rel @p0 .LBB2_2-.Ltmp0, $4  }
0x3e: {  	_ = 	snop  }
0x3f: {  	[spmem:s1] =	stream.indirect.scatter.add.f32 [tilespmem:s12], [sflag:$0x2], $0x1, s17, s17, $0xb8;
	[tilespmem:$0x3080] =	vst v63  }
0x40: {  	_ =	swait.ge [sflag:s18], $0x800  }
0x41: {  	[sflag:s18] =	ssyncset.done $0x0  }
0x42: {  	[sflag:s18] =	ssyncadd.s32 $0xFFFFF800  }
0x43: {  	_ =	swait.ge [sflag:s16], $0x800  }
0x44: {  	s21 =	sadd.s32 $0x1, s21;
	[sflag:s16] =	ssyncset.done $0x0  }
0x45: {  	p0 =	sne.s32 s21, s9;
	[sflag:s16] =	ssyncadd.s32 $0xFFFFF800  }
.Ltmp1:
0x46: {  	[bflag:$0x0] =	sbarrier.arrive $0xFFFF;
	(pc) =	sbr.rel @p0 .LBB2_1-.Ltmp1, $4  }
0x47: {  	[hbm:s8@s19], [sflag:s14] =	dma.strided [spmem:s15@s20], $0x310, s16, $0x10   }
0x48: {  	_ =	swait.ge [sflag:s13], $0x310  }
0x49: {  	[sflag:s13] =	ssyncset.done $0x0  }
0x4a: {  	[sflag:s13] =	ssyncadd.s32 $0xFFFFFCF0  }
0x4b: {  	_ =	sfence.sel $0x180000  }
0x4c: {  	[bflag:$0x0] =	sbarrier.arrive $0xFFFF  }
0x4d: {  	p0 =	sne.s32 s2, $0x0;
	_ =	strace $0x90000047  }
0x4e: {  	s0 =	sadd.s32 @!p0 $0x100000, s0;
	[bflag:$0x2] =	sbarrier.arrive $0xFFFF  }
0x4f: {  	[sflag:s0] =	ssyncadd.tile.s32 @!p0 $0x1;
	_ =	shalt  }
.Lfunc_end2:
_tile_overlayer_lowered:
.L_overlay_start_2:
0x50: {  	(tag) =	ssettag $0x2  }
0x51: {  	s0 =	rddreg [dreg:$0x0];
	s2 =	stileid.u32  }
0x52: {  	s1 =	rddreg [dreg:$0x1];
	p0 =	sne.s32 s2, $0x0  }
0x53: {  	s3 =	rddreg [dreg:$0x2];
	[bflag:$0x3] =	sbarrier.arrive $0xFFFF;
	s2 =	simm.s32 @!p0 $0x1C03  }
0x54: {  	[timem:s3], [sflag:s2] =	dma.local @!p0 [hbm:s0], s1  }
0x55: {  	s0 =	simm.s32 @!p0 $0x3  }
0x56: {  	_ =	swait.ge @!p0 [sflag:s0], s1  }
0x57: {  	s1 =	ssub.s32 @!p0 $0x0, s1;
	[sflag:s0] =	ssyncset.done @!p0 $0x0  }
0x58: {  	[sflag:s0] =	ssyncadd.s32 @!p0 s1  }
0x59: {  	[bflag:$0x3] =	sbarrier.arrive $0xFFFF  }
0x5a: {  	_ =	shalt  }

</sc_bundles>
